<compile_context>
chip_gen: v7x
topology: tpu7x:2x2x1
jax: 0.10.2.dev20260603
libtpu: 0.0.44.dev20260713+nightly
codegen_flags: <defaults>
</compile_context>

<pallas_src>
import functools

import jax
import jax.numpy as jnp
from jax import lax
from jax.experimental import pallas as pl
from jax.experimental.pallas import tpu as pltpu
from jax.experimental.pallas import tpu_sc as plsc

B, S, D = 16, 2048, 1024
HALF = S // 2
CHUNK = 32
NDK = D // 16
NCH = HALF // CHUNK


def _allsum(v):
    for k in (8, 4, 2, 1):
        idx = (lax.iota(jnp.int32, 16) + k) & 15
        v = v + v.at[idx].get(mode="promise_in_bounds")
    return v


def _sc_partials(x2, lens, w1d):
    mesh = plsc.VectorSubcoreMesh(core_axis_name="c", subcore_axis_name="s")

    @functools.partial(
        pl.kernel, mesh=mesh,
        out_type=(jax.ShapeDtypeStruct((2, B, D), jnp.float32),
                  jax.ShapeDtypeStruct((2, B, 16), jnp.float32)),
        scratch_types=[
            pltpu.VMEM((CHUNK, D), jnp.float32),
            pltpu.VMEM((D,), jnp.float32),
            pltpu.VMEM((D,), jnp.float32),
            pltpu.VMEM((16,), jnp.int32),
            pltpu.VMEM((16,), jnp.float32),
        ],
    )
    def k(x_hbm, lens_hbm, w_hbm, acc_out, l_out, xbuf, wbuf, accbuf,
          lensbuf, lbuf):
        c = lax.axis_index("c")
        s = lax.axis_index("s")
        pltpu.sync_copy(lens_hbm, lensbuf)
        pltpu.sync_copy(w_hbm, wbuf)
        sel = lax.iota(jnp.int32, 16) == jnp.full((16,), s, jnp.int32)
        len_vec = _allsum(jnp.where(sel, lensbuf[...].astype(jnp.float32),
                                    0.0))
        tcnt_vec = jnp.clip(len_vec - jnp.full((16,), (c * HALF) * 1.0),
                            0.0, float(HALF))
        base = s * S + c * HALF
        for dk in range(NDK):
            accbuf[pl.ds(dk * 16, 16)] = jnp.zeros((16,), jnp.float32)

        def chunk_body(kk, lsum):
            pltpu.sync_copy(x_hbm.at[pl.ds(base + kk * CHUNK, CHUNK)], xbuf)

            def token_body(t, lsum_t):
                lacc = jnp.zeros((16,), jnp.float32)
                for dk in range(NDK):
                    lacc = lacc + (xbuf[t, pl.ds(dk * 16, 16)]
                                   * wbuf[pl.ds(dk * 16, 16)])
                logit_vec = _allsum(lacc)
                tok = (kk * CHUNK + t).astype(jnp.float32)
                valid = jnp.full((16,), tok) < tcnt_vec
                wv = jnp.exp(jnp.where(valid, logit_vec,
                                       jnp.full((16,), -jnp.inf)))
                for dk in range(NDK):
                    sl = pl.ds(dk * 16, 16)
                    accbuf[sl] = accbuf[sl] + wv * xbuf[t, sl]
                return lsum_t + wv

            return lax.fori_loop(0, CHUNK, token_body, lsum)

        lsum = lax.fori_loop(0, NCH, chunk_body,
                             jnp.zeros((16,), jnp.float32))
        lbuf[...] = lsum
        pltpu.sync_copy(accbuf, acc_out.at[c, s])
        pltpu.sync_copy(lbuf, l_out.at[c, s])

    return k(x2, lens, w1d)


def _merge_body(acc_ref, l_ref, o_ref):
    l_tot = l_ref[0, :, 0:1] + l_ref[1, :, 0:1]
    o_ref[...] = (acc_ref[0] + acc_ref[1]) / l_tot


def kernel(x, x_lens, W, b):
    lens = x_lens.astype(jnp.int32)
    x2 = x.reshape(B * S, D)
    w1d = W.reshape(D)
    acc_p, l_p = _sc_partials(x2, lens, w1d)
    return pl.pallas_call(
        _merge_body,
        out_shape=jax.ShapeDtypeStruct((B, D), jnp.float32),
    )(acc_p, l_p)

# --- scband reference (transcript-rebuilt; emitter-appended) ---
"""Pipeline reference for scband-single-attention-59115929862511 (READ-ONLY COPY).

The authoritative reference and input builder live on the scoring server;
editing this copy changes nothing except your own understanding.
"""

import jax, jax.numpy as jnp
import numpy as np

B, S, D = 16, 2048, 1024

def setup_inputs(seed: int = 0) -> dict:
    key = jax.random.key(seed)
    k1, k2, k3 = jax.random.split(key, 3)
    x = jax.random.normal(k1, (B, S, D), dtype=jnp.float32)
    # lengths in [1, S] so no sequence is empty (matches ragged semantics)
    x_lens = jax.random.randint(k2, (B,), 1, S + 1)
    # nn.Linear(atten_in, 1) parameters
    W = (jax.random.normal(k3, (D, 1), dtype=jnp.float32) / np.sqrt(D))
    b = jnp.zeros((1,), dtype=jnp.float32)
    return {"x": x, "x_lens": x_lens, "W": W, "b": b}

def reference(x, x_lens, W, b):
    # weight = self.fc_weight(x).squeeze(-1)
    logits = jnp.einsum('bsd,do->bso', x, W)[..., 0] + b[0]  # [B, S]
    # length_extract: softmax over the first l tokens of each row, then
    # weighted sum over those tokens. Implemented as masked softmax, which is
    # mathematically identical (masked positions get exactly zero weight).
    mask = jnp.arange(x.shape[1])[None, :] < x_lens[:, None]  # [B, S]
    masked_logits = jnp.where(mask, logits, -1e30)
    attn = jax.nn.softmax(masked_logits, axis=-1)  # [B, S]
    # torch.matmul(temp_weight.unsqueeze(-2), temp_y) -> [1, D] per row; cat -> [B, D]
    out = jnp.einsum('bs,bsd->bd', attn, x)  # [B, D]
    return out

if __name__ == "__main__":
    import jax
    _d = setup_inputs()
    print(jax.jit(kernel)(*tuple(_d.values())))

</pallas_src>

<mosaic_0001>
#map = affine_map<(d0, d1) -> (0, 0)>
#map1 = affine_map<(d0, d1) -> (0)>
#map2 = affine_map<(d0, d1) -> (0, 0, 0)>
module attributes {stable_mosaic.version = 14 : i64} {
  func.func @k(%arg0: i32, %arg1: i32, %arg2: memref<32768x1024xf32, #tpu.memory_space<hbm>>, %arg3: memref<16xi32, #tpu.memory_space<hbm>>, %arg4: memref<1024xf32, #tpu.memory_space<hbm>>, %arg5: memref<2x16x1024xf32, #tpu.memory_space<hbm>>, %arg6: memref<2x16x16xf32, #tpu.memory_space<hbm>>, %arg7: memref<32x1024xf32, #tpu.memory_space<vmem>>, %arg8: memref<1024xf32, #tpu.memory_space<vmem>>, %arg9: memref<1024xf32, #tpu.memory_space<vmem>>, %arg10: memref<16xi32, #tpu.memory_space<vmem>>, %arg11: memref<16xf32, #tpu.memory_space<vmem>>) attributes {dimension_semantics = [#tpu.dimension_semantics<core_parallel>, #tpu.dimension_semantics<subcore_parallel>], iteration_bounds = array<i64: 2, 16>, scalar_prefetch = 0 : i64, scratch_operands = 5 : i64, tpu.core_type = #tpu.core_type<sc_vector_subcore>, window_params = [{transform_indices = #map}, {transform_indices = #map1}, {transform_indices = #map1}, {transform_indices = #map2}, {transform_indices = #map2}]} {
    "tpu.region"() ({
      %run_scoped3A = tpu.sem_alloc : memref<!tpu.dma_semaphore, #tpu.memory_space<semaphore_mem>>
      tpu.enqueue_dma source(%arg3 : memref<16xi32, #tpu.memory_space<hbm>>) target(%arg10 : memref<16xi32, #tpu.memory_space<vmem>>) target_semaphore(%run_scoped3A : memref<!tpu.dma_semaphore, #tpu.memory_space<semaphore_mem>>)
      tpu.wait_dma2 semaphore(%run_scoped3A : memref<!tpu.dma_semaphore, #tpu.memory_space<semaphore_mem>>) src(%arg3 : memref<16xi32, #tpu.memory_space<hbm>>) dst(%arg10 : memref<16xi32, #tpu.memory_space<vmem>>)
      tpu.yield
    }) : () -> ()
    "tpu.region"() ({
      %run_scoped3A = tpu.sem_alloc : memref<!tpu.dma_semaphore, #tpu.memory_space<semaphore_mem>>
      tpu.enqueue_dma source(%arg4 : memref<1024xf32, #tpu.memory_space<hbm>>) target(%arg8 : memref<1024xf32, #tpu.memory_space<vmem>>) target_semaphore(%run_scoped3A : memref<!tpu.dma_semaphore, #tpu.memory_space<semaphore_mem>>)
      tpu.wait_dma2 semaphore(%run_scoped3A : memref<!tpu.dma_semaphore, #tpu.memory_space<semaphore_mem>>) src(%arg4 : memref<1024xf32, #tpu.memory_space<hbm>>) dst(%arg8 : memref<1024xf32, #tpu.memory_space<vmem>>)
      tpu.yield
    }) : () -> ()
    %iota3A = tpu.iota {dimensions = array<i32: 0>} : vector<16xi32>
    %broadcast_in_dim3A = vector.broadcast %arg1 : i32 to vector<16xi32>
    %eq3A = arith.cmpi eq, %iota3A, %broadcast_in_dim3A : vector<16xi32>
    %get3A = arith.constant 0 : index
    %get3A_0 = tpu.vector_load %arg10[%get3A] {strides = array<i32>} : memref<16xi32, #tpu.memory_space<vmem>>, vector<16xi32>,
    %get3A_1 = vector.shape_cast %get3A_0 : vector<16xi32> to vector<16xi32>
    %convert_element_type3A = arith.sitofp %get3A_1 : vector<16xi32> to vector<16xf32>
    %jit3A = arith.constant 0.000000e+00 : f32
    %broadcast_in_dim3A_2 = vector.broadcast %jit3A : f32 to vector<16xf32>
    %select_n3A = arith.select %eq3A, %convert_element_type3A, %broadcast_in_dim3A_2 : vector<16xi1>, vector<16xf32>
    %iota3A_3 = tpu.iota {dimensions = array<i32: 0>} : vector<16xi32>
    %add3A = arith.constant 8 : i32
    %add3A_4 = vector.broadcast %add3A : i32 to vector<16xi32>
    %add3A_5 = arith.addi %iota3A_3, %add3A_4 : vector<16xi32>
    %and3A = arith.constant 15 : i32
    %and3A_6 = vector.broadcast %and3A : i32 to vector<16xi32>
    %and3A_7 = arith.andi %add3A_5, %and3A_6 : vector<16xi32>
    %lt3A = arith.constant 0 : i32
    %lt3A_8 = vector.broadcast %lt3A : i32 to vector<16xi32>
    %lt3A_9 = arith.cmpi slt, %and3A_7, %lt3A_8 : vector<16xi32>
    %add3A_10 = arith.constant 16 : i32
    %add3A_11 = vector.broadcast %add3A_10 : i32 to vector<16xi32>
    %add3A_12 = arith.addi %and3A_7, %add3A_11 : vector<16xi32>
    %select_n3A_13 = arith.select %lt3A_9, %add3A_12, %and3A_7 : vector<16xi1>, vector<16xi32>
    %broadcast_in_dim3A_14 = vector.shape_cast %select_n3A_13 : vector<16xi32> to vector<16x1xi32>
    %gather3A = vector.shape_cast %broadcast_in_dim3A_14 : vector<16x1xi32> to vector<16xi32>
    %gather3A_15 = tpu.dynamic_gather %select_n3A[%gather3A] in [0] : vector<16xf32>, vector<16xi32> -> vector<16xf32>
    %add3A_16 = arith.addf %select_n3A, %gather3A_15 : vector<16xf32>
    %iota3A_17 = tpu.iota {dimensions = array<i32: 0>} : vector<16xi32>
    %add3A_18 = arith.constant 4 : i32
    %add3A_19 = vector.broadcast %add3A_18 : i32 to vector<16xi32>
    %add3A_20 = arith.addi %iota3A_17, %add3A_19 : vector<16xi32>
    %and3A_21 = arith.constant 15 : i32
    %and3A_22 = vector.broadcast %and3A_21 : i32 to vector<16xi32>
    %and3A_23 = arith.andi %add3A_20, %and3A_22 : vector<16xi32>
    %lt3A_24 = arith.constant 0 : i32
    %lt3A_25 = vector.broadcast %lt3A_24 : i32 to vector<16xi32>
    %lt3A_26 = arith.cmpi slt, %and3A_23, %lt3A_25 : vector<16xi32>
    %add3A_27 = arith.constant 16 : i32
    %add3A_28 = vector.broadcast %add3A_27 : i32 to vector<16xi32>
    %add3A_29 = arith.addi %and3A_23, %add3A_28 : vector<16xi32>
    %select_n3A_30 = arith.select %lt3A_26, %add3A_29, %and3A_23 : vector<16xi1>, vector<16xi32>
    %broadcast_in_dim3A_31 = vector.shape_cast %select_n3A_30 : vector<16xi32> to vector<16x1xi32>
    %gather3A_32 = vector.shape_cast %broadcast_in_dim3A_31 : vector<16x1xi32> to vector<16xi32>
    %gather3A_33 = tpu.dynamic_gather %add3A_16[%gather3A_32] in [0] : vector<16xf32>, vector<16xi32> -> vector<16xf32>
    %add3A_34 = arith.addf %add3A_16, %gather3A_33 : vector<16xf32>
    %iota3A_35 = tpu.iota {dimensions = array<i32: 0>} : vector<16xi32>
    %add3A_36 = arith.constant 2 : i32
    %add3A_37 = vector.broadcast %add3A_36 : i32 to vector<16xi32>
    %add3A_38 = arith.addi %iota3A_35, %add3A_37 : vector<16xi32>
    %and3A_39 = arith.constant 15 : i32
    %and3A_40 = vector.broadcast %and3A_39 : i32 to vector<16xi32>
    %and3A_41 = arith.andi %add3A_38, %and3A_40 : vector<16xi32>
    %lt3A_42 = arith.constant 0 : i32
    %lt3A_43 = vector.broadcast %lt3A_42 : i32 to vector<16xi32>
    %lt3A_44 = arith.cmpi slt, %and3A_41, %lt3A_43 : vector<16xi32>
    %add3A_45 = arith.constant 16 : i32
    %add3A_46 = vector.broadcast %add3A_45 : i32 to vector<16xi32>
    %add3A_47 = arith.addi %and3A_41, %add3A_46 : vector<16xi32>
    %select_n3A_48 = arith.select %lt3A_44, %add3A_47, %and3A_41 : vector<16xi1>, vector<16xi32>
    %broadcast_in_dim3A_49 = vector.shape_cast %select_n3A_48 : vector<16xi32> to vector<16x1xi32>
    %gather3A_50 = vector.shape_cast %broadcast_in_dim3A_49 : vector<16x1xi32> to vector<16xi32>
    %gather3A_51 = tpu.dynamic_gather %add3A_34[%gather3A_50] in [0] : vector<16xf32>, vector<16xi32> -> vector<16xf32>
    %add3A_52 = arith.addf %add3A_34, %gather3A_51 : vector<16xf32>
    %iota3A_53 = tpu.iota {dimensions = array<i32: 0>} : vector<16xi32>
    %add3A_54 = arith.constant 1 : i32
    %add3A_55 = vector.broadcast %add3A_54 : i32 to vector<16xi32>
    %add3A_56 = arith.addi %iota3A_53, %add3A_55 : vector<16xi32>
    %and3A_57 = arith.constant 15 : i32
    %and3A_58 = vector.broadcast %and3A_57 : i32 to vector<16xi32>
    %and3A_59 = arith.andi %add3A_56, %and3A_58 : vector<16xi32>
    %lt3A_60 = arith.constant 0 : i32
    %lt3A_61 = vector.broadcast %lt3A_60 : i32 to vector<16xi32>
    %lt3A_62 = arith.cmpi slt, %and3A_59, %lt3A_61 : vector<16xi32>
    %add3A_63 = arith.constant 16 : i32
    %add3A_64 = vector.broadcast %add3A_63 : i32 to vector<16xi32>
    %add3A_65 = arith.addi %and3A_59, %add3A_64 : vector<16xi32>
    %select_n3A_66 = arith.select %lt3A_62, %add3A_65, %and3A_59 : vector<16xi1>, vector<16xi32>
    %broadcast_in_dim3A_67 = vector.shape_cast %select_n3A_66 : vector<16xi32> to vector<16x1xi32>
    %gather3A_68 = vector.shape_cast %broadcast_in_dim3A_67 : vector<16x1xi32> to vector<16xi32>
    %gather3A_69 = tpu.dynamic_gather %add3A_52[%gather3A_68] in [0] : vector<16xf32>, vector<16xi32> -> vector<16xf32>
    %add3A_70 = arith.addf %add3A_52, %gather3A_69 : vector<16xf32>
    %mul3A = arith.constant 1024 : i32
    %mul3A_71 = arith.muli %arg0, %mul3A : i32
    %convert_element_type3A_72 = arith.sitofp %mul3A_71 : i32 to f32
    %mul3A_73 = arith.constant 1.000000e+00 : f32
    %mul3A_74 = arith.mulf %convert_element_type3A_72, %mul3A_73 : f32
    %broadcast_in_dim3A_75 = vector.broadcast %mul3A_74 : f32 to vector<16xf32>
    %sub3A = arith.subf %add3A_70, %broadcast_in_dim3A_75 : vector<16xf32>
    %jit3A_76 = arith.constant 0.000000e+00 : f32
    %jit3A_77 = arith.constant 1.024000e+03 : f32
    %max3A = vector.broadcast %jit3A_76 : f32 to vector<16xf32>
    %max3A_78 = arith.maximumf %max3A, %sub3A : vector<16xf32>
    %min3A = vector.broadcast %jit3A_77 : f32 to vector<16xf32>
    %min3A_79 = arith.minimumf %min3A, %max3A_78 : vector<16xf32>
    %mul3A_80 = arith.constant 2048 : i32
    %mul3A_81 = arith.muli %arg1, %mul3A_80 : i32
    %mul3A_82 = arith.constant 1024 : i32
    %mul3A_83 = arith.muli %arg0, %mul3A_82 : i32
    %add3A_84 = arith.addi %mul3A_81, %mul3A_83 : i32
    %broadcast_in_dim3A_85 = arith.constant 0.000000e+00 : f32
    %broadcast_in_dim3A_86 = vector.broadcast %broadcast_in_dim3A_85 : f32 to vector<16xf32>
    %swap3A = arith.constant 0 : index
    %swap3A_87 = tpu.vector_load %arg9[%swap3A] {strides = array<i32>} : memref<1024xf32, #tpu.memory_space<vmem>>, vector<16xf32>,
    %swap3A_88 = vector.shape_cast %swap3A_87 : vector<16xf32> to vector<16xf32>
    %swap3A_89 = vector.shape_cast %broadcast_in_dim3A_86 : vector<16xf32> to vector<16xf32>
    tpu.vector_store %arg9[%swap3A], %swap3A_89 {strides = array<i32>} : memref<1024xf32, #tpu.memory_space<vmem>>, vector<16xf32>,
    %broadcast_in_dim3A_90 = arith.constant 0.000000e+00 : f32
    %broadcast_in_dim3A_91 = vector.broadcast %broadcast_in_dim3A_90 : f32 to vector<16xf32>
    %swap3A_92 = arith.constant 16 : index
    %swap3A_93 = tpu.vector_load %arg9[%swap3A_92] {strides = array<i32>} : memref<1024xf32, #tpu.memory_space<vmem>>, vector<16xf32>,
    %swap3A_94 = vector.shape_cast %swap3A_93 : vector<16xf32> to vector<16xf32>
    %swap3A_95 = vector.shape_cast %broadcast_in_dim3A_91 : vector<16xf32> to vector<16xf32>
    tpu.vector_store %arg9[%swap3A_92], %swap3A_95 {strides = array<i32>} : memref<1024xf32, #tpu.memory_space<vmem>>, vector<16xf32>,
    %broadcast_in_dim3A_96 = arith.constant 0.000000e+00 : f32
    %broadcast_in_dim3A_97 = vector.broadcast %broadcast_in_dim3A_96 : f32 to vector<16xf32>
    %swap3A_98 = arith.constant 32 : index
    %swap3A_99 = tpu.vector_load %arg9[%swap3A_98] {strides = array<i32>} : memref<1024xf32, #tpu.memory_space<vmem>>, vector<16xf32>,
    %swap3A_100 = vector.shape_cast %swap3A_99 : vector<16xf32> to vector<16xf32>
    %swap3A_101 = vector.shape_cast %broadcast_in_dim3A_97 : vector<16xf32> to vector<16xf32>
    tpu.vector_store %arg9[%swap3A_98], %swap3A_101 {strides = array<i32>} : memref<1024xf32, #tpu.memory_space<vmem>>, vector<16xf32>,
    %broadcast_in_dim3A_102 = arith.constant 0.000000e+00 : f32
    %broadcast_in_dim3A_103 = vector.broadcast %broadcast_in_dim3A_102 : f32 to vector<16xf32>
    %swap3A_104 = arith.constant 48 : index
    %swap3A_105 = tpu.vector_load %arg9[%swap3A_104] {strides = array<i32>} : memref<1024xf32, #tpu.memory_space<vmem>>, vector<16xf32>,
    %swap3A_106 = vector.shape_cast %swap3A_105 : vector<16xf32> to vector<16xf32>
    %swap3A_107 = vector.shape_cast %broadcast_in_dim3A_103 : vector<16xf32> to vector<16xf32>
    tpu.vector_store %arg9[%swap3A_104], %swap3A_107 {strides = array<i32>} : memref<1024xf32, #tpu.memory_space<vmem>>, vector<16xf32>,
    %broadcast_in_dim3A_108 = arith.constant 0.000000e+00 : f32
    %broadcast_in_dim3A_109 = vector.broadcast %broadcast_in_dim3A_108 : f32 to vector<16xf32>
    %swap3A_110 = arith.constant 64 : index
    %swap3A_111 = tpu.vector_load %arg9[%swap3A_110] {strides = array<i32>} : memref<1024xf32, #tpu.memory_space<vmem>>, vector<16xf32>,
    %swap3A_112 = vector.shape_cast %swap3A_111 : vector<16xf32> to vector<16xf32>
    %swap3A_113 = vector.shape_cast %broadcast_in_dim3A_109 : vector<16xf32> to vector<16xf32>
    tpu.vector_store %arg9[%swap3A_110], %swap3A_113 {strides = array<i32>} : memref<1024xf32, #tpu.memory_space<vmem>>, vector<16xf32>,
    %broadcast_in_dim3A_114 = arith.constant 0.000000e+00 : f32
    %broadcast_in_dim3A_115 = vector.broadcast %broadcast_in_dim3A_114 : f32 to vector<16xf32>
    %swap3A_116 = arith.constant 80 : index
    %swap3A_117 = tpu.vector_load %arg9[%swap3A_116] {strides = array<i32>} : memref<1024xf32, #tpu.memory_space<vmem>>, vector<16xf32>,
    %swap3A_118 = vector.shape_cast %swap3A_117 : vector<16xf32> to vector<16xf32>
    %swap3A_119 = vector.shape_cast %broadcast_in_dim3A_115 : vector<16xf32> to vector<16xf32>
    tpu.vector_store %arg9[%swap3A_116], %swap3A_119 {strides = array<i32>} : memref<1024xf32, #tpu.memory_space<vmem>>, vector<16xf32>,
    %broadcast_in_dim3A_120 = arith.constant 0.000000e+00 : f32
    %broadcast_in_dim3A_121 = vector.broadcast %broadcast_in_dim3A_120 : f32 to vector<16xf32>
    %swap3A_122 = arith.constant 96 : index
    %swap3A_123 = tpu.vector_load %arg9[%swap3A_122] {strides = array<i32>} : memref<1024xf32, #tpu.memory_space<vmem>>, vector<16xf32>,
    %swap3A_124 = vector.shape_cast %swap3A_123 : vector<16xf32> to vector<16xf32>
    %swap3A_125 = vector.shape_cast %broadcast_in_dim3A_121 : vector<16xf32> to vector<16xf32>
    tpu.vector_store %arg9[%swap3A_122], %swap3A_125 {strides = array<i32>} : memref<1024xf32, #tpu.memory_space<vmem>>, vector<16xf32>,
    %broadcast_in_dim3A_126 = arith.constant 0.000000e+00 : f32
    %broadcast_in_dim3A_127 = vector.broadcast %broadcast_in_dim3A_126 : f32 to vector<16xf32>
    %swap3A_128 = arith.constant 112 : index
    %swap3A_129 = tpu.vector_load %arg9[%swap3A_128] {strides = array<i32>} : memref<1024xf32, #tpu.memory_space<vmem>>, vector<16xf32>,
    %swap3A_130 = vector.shape_cast %swap3A_129 : vector<16xf32> to vector<16xf32>
    %swap3A_131 = vector.shape_cast %broadcast_in_dim3A_127 : vector<16xf32> to vector<16xf32>
    tpu.vector_store %arg9[%swap3A_128], %swap3A_131 {strides = array<i32>} : memref<1024xf32, #tpu.memory_space<vmem>>, vector<16xf32>,
    %broadcast_in_dim3A_132 = arith.constant 0.000000e+00 : f32
    %broadcast_in_dim3A_133 = vector.broadcast %broadcast_in_dim3A_132 : f32 to vector<16xf32>
    %swap3A_134 = arith.constant 128 : index
    %swap3A_135 = tpu.vector_load %arg9[%swap3A_134] {strides = array<i32>} : memref<1024xf32, #tpu.memory_space<vmem>>, vector<16xf32>,
    %swap3A_136 = vector.shape_cast %swap3A_135 : vector<16xf32> to vector<16xf32>
    %swap3A_137 = vector.shape_cast %broadcast_in_dim3A_133 : vector<16xf32> to vector<16xf32>
    tpu.vector_store %arg9[%swap3A_134], %swap3A_137 {strides = array<i32>} : memref<1024xf32, #tpu.memory_space<vmem>>, vector<16xf32>,
    %broadcast_in_dim3A_138 = arith.constant 0.000000e+00 : f32
    %broadcast_in_dim3A_139 = vector.broadcast %broadcast_in_dim3A_138 : f32 to vector<16xf32>
    %swap3A_140 = arith.constant 144 : index
    %swap3A_141 = tpu.vector_load %arg9[%swap3A_140] {strides = array<i32>} : memref<1024xf32, #tpu.memory_space<vmem>>, vector<16xf32>,
    %swap3A_142 = vector.shape_cast %swap3A_141 : vector<16xf32> to vector<16xf32>
    %swap3A_143 = vector.shape_cast %broadcast_in_dim3A_139 : vector<16xf32> to vector<16xf32>
    tpu.vector_store %arg9[%swap3A_140], %swap3A_143 {strides = array<i32>} : memref<1024xf32, #tpu.memory_space<vmem>>, vector<16xf32>,
    %broadcast_in_dim3A_144 = arith.constant 0.000000e+00 : f32
    %broadcast_in_dim3A_145 = vector.broadcast %broadcast_in_dim3A_144 : f32 to vector<16xf32>
    %swap3A_146 = arith.constant 160 : index
    %swap3A_147 = tpu.vector_load %arg9[%swap3A_146] {strides = array<i32>} : memref<1024xf32, #tpu.memory_space<vmem>>, vector<16xf32>,
    %swap3A_148 = vector.shape_cast %swap3A_147 : vector<16xf32> to vector<16xf32>
    %swap3A_149 = vector.shape_cast %broadcast_in_dim3A_145 : vector<16xf32> to vector<16xf32>
    tpu.vector_store %arg9[%swap3A_146], %swap3A_149 {strides = array<i32>} : memref<1024xf32, #tpu.memory_space<vmem>>, vector<16xf32>,
    %broadcast_in_dim3A_150 = arith.constant 0.000000e+00 : f32
    %broadcast_in_dim3A_151 = vector.broadcast %broadcast_in_dim3A_150 : f32 to vector<16xf32>
    %swap3A_152 = arith.constant 176 : index
    %swap3A_153 = tpu.vector_load %arg9[%swap3A_152] {strides = array<i32>} : memref<1024xf32, #tpu.memory_space<vmem>>, vector<16xf32>,
    %swap3A_154 = vector.shape_cast %swap3A_153 : vector<16xf32> to vector<16xf32>
    %swap3A_155 = vector.shape_cast %broadcast_in_dim3A_151 : vector<16xf32> to vector<16xf32>
    tpu.vector_store %arg9[%swap3A_152], %swap3A_155 {strides = array<i32>} : memref<1024xf32, #tpu.memory_space<vmem>>, vector<16xf32>,
    %broadcast_in_dim3A_156 = arith.constant 0.000000e+00 : f32
    %broadcast_in_dim3A_157 = vector.broadcast %broadcast_in_dim3A_156 : f32 to vector<16xf32>
    %swap3A_158 = arith.constant 192 : index
    %swap3A_159 = tpu.vector_load %arg9[%swap3A_158] {strides = array<i32>} : memref<1024xf32, #tpu.memory_space<vmem>>, vector<16xf32>,
    %swap3A_160 = vector.shape_cast %swap3A_159 : vector<16xf32> to vector<16xf32>
    %swap3A_161 = vector.shape_cast %broadcast_in_dim3A_157 : vector<16xf32> to vector<16xf32>
    tpu.vector_store %arg9[%swap3A_158], %swap3A_161 {strides = array<i32>} : memref<1024xf32, #tpu.memory_space<vmem>>, vector<16xf32>,
    %broadcast_in_dim3A_162 = arith.constant 0.000000e+00 : f32
    %broadcast_in_dim3A_163 = vector.broadcast %broadcast_in_dim3A_162 : f32 to vector<16xf32>
    %swap3A_164 = arith.constant 208 : index
    %swap3A_165 = tpu.vector_load %arg9[%swap3A_164] {strides = array<i32>} : memref<1024xf32, #tpu.memory_space<vmem>>, vector<16xf32>,
    %swap3A_166 = vector.shape_cast %swap3A_165 : vector<16xf32> to vector<16xf32>
    %swap3A_167 = vector.shape_cast %broadcast_in_dim3A_163 : vector<16xf32> to vector<16xf32>
    tpu.vector_store %arg9[%swap3A_164], %swap3A_167 {strides = array<i32>} : memref<1024xf32, #tpu.memory_space<vmem>>, vector<16xf32>,
    %broadcast_in_dim3A_168 = arith.constant 0.000000e+00 : f32
    %broadcast_in_dim3A_169 = vector.broadcast %broadcast_in_dim3A_168 : f32 to vector<16xf32>
    %swap3A_170 = arith.constant 224 : index
    %swap3A_171 = tpu.vector_load %arg9[%swap3A_170] {strides = array<i32>} : memref<1024xf32, #tpu.memory_space<vmem>>, vector<16xf32>,
    %swap3A_172 = vector.shape_cast %swap3A_171 : vector<16xf32> to vector<16xf32>
    %swap3A_173 = vector.shape_cast %broadcast_in_dim3A_169 : vector<16xf32> to vector<16xf32>
    tpu.vector_store %arg9[%swap3A_170], %swap3A_173 {strides = array<i32>} : memref<1024xf32, #tpu.memory_space<vmem>>, vector<16xf32>,
    %broadcast_in_dim3A_174 = arith.constant 0.000000e+00 : f32
    %broadcast_in_dim3A_175 = vector.broadcast %broadcast_in_dim3A_174 : f32 to vector<16xf32>
    %swap3A_176 = arith.constant 240 : index
    %swap3A_177 = tpu.vector_load %arg9[%swap3A_176] {strides = array<i32>} : memref<1024xf32, #tpu.memory_space<vmem>>, vector<16xf32>,
    %swap3A_178 = vector.shape_cast %swap3A_177 : vector<16xf32> to vector<16xf32>
    %swap3A_179 = vector.shape_cast %broadcast_in_dim3A_175 : vector<16xf32> to vector<16xf32>
    tpu.vector_store %arg9[%swap3A_176], %swap3A_179 {strides = array<i32>} : memref<1024xf32, #tpu.memory_space<vmem>>, vector<16xf32>,
    %broadcast_in_dim3A_180 = arith.constant 0.000000e+00 : f32
    %broadcast_in_dim3A_181 = vector.broadcast %broadcast_in_dim3A_180 : f32 to vector<16xf32>
    %swap3A_182 = arith.constant 256 : index
    %swap3A_183 = tpu.vector_load %arg9[%swap3A_182] {strides = array<i32>} : memref<1024xf32, #tpu.memory_space<vmem>>, vector<16xf32>,
    %swap3A_184 = vector.shape_cast %swap3A_183 : vector<16xf32> to vector<16xf32>
    %swap3A_185 = vector.shape_cast %broadcast_in_dim3A_181 : vector<16xf32> to vector<16xf32>
    tpu.vector_store %arg9[%swap3A_182], %swap3A_185 {strides = array<i32>} : memref<1024xf32, #tpu.memory_space<vmem>>, vector<16xf32>,
    %broadcast_in_dim3A_186 = arith.constant 0.000000e+00 : f32
    %broadcast_in_dim3A_187 = vector.broadcast %broadcast_in_dim3A_186 : f32 to vector<16xf32>
    %swap3A_188 = arith.constant 272 : index
    %swap3A_189 = tpu.vector_load %arg9[%swap3A_188] {strides = array<i32>} : memref<1024xf32, #tpu.memory_space<vmem>>, vector<16xf32>,
    %swap3A_190 = vector.shape_cast %swap3A_189 : vector<16xf32> to vector<16xf32>
    %swap3A_191 = vector.shape_cast %broadcast_in_dim3A_187 : vector<16xf32> to vector<16xf32>
    tpu.vector_store %arg9[%swap3A_188], %swap3A_191 {strides = array<i32>} : memref<1024xf32, #tpu.memory_space<vmem>>, vector<16xf32>,
    %broadcast_in_dim3A_192 = arith.constant 0.000000e+00 : f32
    %broadcast_in_dim3A_193 = vector.broadcast %broadcast_in_dim3A_192 : f32 to vector<16xf32>
    %swap3A_194 = arith.constant 288 : index
    %swap3A_195 = tpu.vector_load %arg9[%swap3A_194] {strides = array<i32>} : memref<1024xf32, #tpu.memory_space<vmem>>, vector<16xf32>,
    %swap3A_196 = vector.shape_cast %swap3A_195 : vector<16xf32> to vector<16xf32>
    %swap3A_197 = vector.shape_cast %broadcast_in_dim3A_193 : vector<16xf32> to vector<16xf32>
    tpu.vector_store %arg9[%swap3A_194], %swap3A_197 {strides = array<i32>} : memref<1024xf32, #tpu.memory_space<vmem>>, vector<16xf32>,
    %broadcast_in_dim3A_198 = arith.constant 0.000000e+00 : f32
    %broadcast_in_dim3A_199 = vector.broadcast %broadcast_in_dim3A_198 : f32 to vector<16xf32>
    %swap3A_200 = arith.constant 304 : index
    %swap3A_201 = tpu.vector_load %arg9[%swap3A_200] {strides = array<i32>} : memref<1024xf32, #tpu.memory_space<vmem>>, vector<16xf32>,
    %swap3A_202 = vector.shape_cast %swap3A_201 : vector<16xf32> to vector<16xf32>
    %swap3A_203 = vector.shape_cast %broadcast_in_dim3A_199 : vector<16xf32> to vector<16xf32>
    tpu.vector_store %arg9[%swap3A_200], %swap3A_203 {strides = array<i32>} : memref<1024xf32, #tpu.memory_space<vmem>>, vector<16xf32>,
    %broadcast_in_dim3A_204 = arith.constant 0.000000e+00 : f32
    %broadcast_in_dim3A_205 = vector.broadcast %broadcast_in_dim3A_204 : f32 to vector<16xf32>
    %swap3A_206 = arith.constant 320 : index
    %swap3A_207 = tpu.vector_load %arg9[%swap3A_206] {strides = array<i32>} : memref<1024xf32, #tpu.memory_space<vmem>>, vector<16xf32>,
    %swap3A_208 = vector.shape_cast %swap3A_207 : vector<16xf32> to vector<16xf32>
    %swap3A_209 = vector.shape_cast %broadcast_in_dim3A_205 : vector<16xf32> to vector<16xf32>
    tpu.vector_store %arg9[%swap3A_206], %swap3A_209 {strides = array<i32>} : memref<1024xf32, #tpu.memory_space<vmem>>, vector<16xf32>,
    %broadcast_in_dim3A_210 = arith.constant 0.000000e+00 : f32
    %broadcast_in_dim3A_211 = vector.broadcast %broadcast_in_dim3A_210 : f32 to vector<16xf32>
    %swap3A_212 = arith.constant 336 : index
    %swap3A_213 = tpu.vector_load %arg9[%swap3A_212] {strides = array<i32>} : memref<1024xf32, #tpu.memory_space<vmem>>, vector<16xf32>,
    %swap3A_214 = vector.shape_cast %swap3A_213 : vector<16xf32> to vector<16xf32>
    %swap3A_215 = vector.shape_cast %broadcast_in_dim3A_211 : vector<16xf32> to vector<16xf32>
    tpu.vector_store %arg9[%swap3A_212], %swap3A_215 {strides = array<i32>} : memref<1024xf32, #tpu.memory_space<vmem>>, vector<16xf32>,
    %broadcast_in_dim3A_216 = arith.constant 0.000000e+00 : f32
    %broadcast_in_dim3A_217 = vector.broadcast %broadcast_in_dim3A_216 : f32 to vector<16xf32>
    %swap3A_218 = arith.constant 352 : index
    %swap3A_219 = tpu.vector_load %arg9[%swap3A_218] {strides = array<i32>} : memref<1024xf32, #tpu.memory_space<vmem>>, vector<16xf32>,
    %swap3A_220 = vector.shape_cast %swap3A_219 : vector<16xf32> to vector<16xf32>
    %swap3A_221 = vector.shape_cast %broadcast_in_dim3A_217 : vector<16xf32> to vector<16xf32>
    tpu.vector_store %arg9[%swap3A_218], %swap3A_221 {strides = array<i32>} : memref<1024xf32, #tpu.memory_space<vmem>>, vector<16xf32>,
    %broadcast_in_dim3A_222 = arith.constant 0.000000e+00 : f32
    %broadcast_in_dim3A_223 = vector.broadcast %broadcast_in_dim3A_222 : f32 to vector<16xf32>
    %swap3A_224 = arith.constant 368 : index
    %swap3A_225 = tpu.vector_load %arg9[%swap3A_224] {strides = array<i32>} : memref<1024xf32, #tpu.memory_space<vmem>>, vector<16xf32>,
    %swap3A_226 = vector.shape_cast %swap3A_225 : vector<16xf32> to vector<16xf32>
    %swap3A_227 = vector.shape_cast %broadcast_in_dim3A_223 : vector<16xf32> to vector<16xf32>
    tpu.vector_store %arg9[%swap3A_224], %swap3A_227 {strides = array<i32>} : memref<1024xf32, #tpu.memory_space<vmem>>, vector<16xf32>,
    %broadcast_in_dim3A_228 = arith.constant 0.000000e+00 : f32
    %broadcast_in_dim3A_229 = vector.broadcast %broadcast_in_dim3A_228 : f32 to vector<16xf32>
    %swap3A_230 = arith.constant 384 : index
    %swap3A_231 = tpu.vector_load %arg9[%swap3A_230] {strides = array<i32>} : memref<1024xf32, #tpu.memory_space<vmem>>, vector<16xf32>,
    %swap3A_232 = vector.shape_cast %swap3A_231 : vector<16xf32> to vector<16xf32>
    %swap3A_233 = vector.shape_cast %broadcast_in_dim3A_229 : vector<16xf32> to vector<16xf32>
    tpu.vector_store %arg9[%swap3A_230], %swap3A_233 {strides = array<i32>} : memref<1024xf32, #tpu.memory_space<vmem>>, vector<16xf32>,
    %broadcast_in_dim3A_234 = arith.constant 0.000000e+00 : f32
    %broadcast_in_dim3A_235 = vector.broadcast %broadcast_in_dim3A_234 : f32 to vector<16xf32>
    %swap3A_236 = arith.constant 400 : index
    %swap3A_237 = tpu.vector_load %arg9[%swap3A_236] {strides = array<i32>} : memref<1024xf32, #tpu.memory_space<vmem>>, vector<16xf32>,
    %swap3A_238 = vector.shape_cast %swap3A_237 : vector<16xf32> to vector<16xf32>
    %swap3A_239 = vector.shape_cast %broadcast_in_dim3A_235 : vector<16xf32> to vector<16xf32>
    tpu.vector_store %arg9[%swap3A_236], %swap3A_239 {strides = array<i32>} : memref<1024xf32, #tpu.memory_space<vmem>>, vector<16xf32>,
    %broadcast_in_dim3A_240 = arith.constant 0.000000e+00 : f32
    %broadcast_in_dim3A_241 = vector.broadcast %broadcast_in_dim3A_240 : f32 to vector<16xf32>
    %swap3A_242 = arith.constant 416 : index
    %swap3A_243 = tpu.vector_load %arg9[%swap3A_242] {strides = array<i32>} : memref<1024xf32, #tpu.memory_space<vmem>>, vector<16xf32>,
    %swap3A_244 = vector.shape_cast %swap3A_243 : vector<16xf32> to vector<16xf32>
    %swap3A_245 = vector.shape_cast %broadcast_in_dim3A_241 : vector<16xf32> to vector<16xf32>
    tpu.vector_store %arg9[%swap3A_242], %swap3A_245 {strides = array<i32>} : memref<1024xf32, #tpu.memory_space<vmem>>, vector<16xf32>,
    %broadcast_in_dim3A_246 = arith.constant 0.000000e+00 : f32
    %broadcast_in_dim3A_247 = vector.broadcast %broadcast_in_dim3A_246 : f32 to vector<16xf32>
    %swap3A_248 = arith.constant 432 : index
    %swap3A_249 = tpu.vector_load %arg9[%swap3A_248] {strides = array<i32>} : memref<1024xf32, #tpu.memory_space<vmem>>, vector<16xf32>,
    %swap3A_250 = vector.shape_cast %swap3A_249 : vector<16xf32> to vector<16xf32>
    %swap3A_251 = vector.shape_cast %broadcast_in_dim3A_247 : vector<16xf32> to vector<16xf32>
    tpu.vector_store %arg9[%swap3A_248], %swap3A_251 {strides = array<i32>} : memref<1024xf32, #tpu.memory_space<vmem>>, vector<16xf32>,
    %broadcast_in_dim3A_252 = arith.constant 0.000000e+00 : f32
    %broadcast_in_dim3A_253 = vector.broadcast %broadcast_in_dim3A_252 : f32 to vector<16xf32>
    %swap3A_254 = arith.constant 448 : index
    %swap3A_255 = tpu.vector_load %arg9[%swap3A_254] {strides = array<i32>} : memref<1024xf32, #tpu.memory_space<vmem>>, vector<16xf32>,
    %swap3A_256 = vector.shape_cast %swap3A_255 : vector<16xf32> to vector<16xf32>
    %swap3A_257 = vector.shape_cast %broadcast_in_dim3A_253 : vector<16xf32> to vector<16xf32>
    tpu.vector_store %arg9[%swap3A_254], %swap3A_257 {strides = array<i32>} : memref<1024xf32, #tpu.memory_space<vmem>>, vector<16xf32>,
    %broadcast_in_dim3A_258 = arith.constant 0.000000e+00 : f32
    %broadcast_in_dim3A_259 = vector.broadcast %broadcast_in_dim3A_258 : f32 to vector<16xf32>
    %swap3A_260 = arith.constant 464 : index
    %swap3A_261 = tpu.vector_load %arg9[%swap3A_260] {strides = array<i32>} : memref<1024xf32, #tpu.memory_space<vmem>>, vector<16xf32>,
    %swap3A_262 = vector.shape_cast %swap3A_261 : vector<16xf32> to vector<16xf32>
    %swap3A_263 = vector.shape_cast %broadcast_in_dim3A_259 : vector<16xf32> to vector<16xf32>
    tpu.vector_store %arg9[%swap3A_260], %swap3A_263 {strides = array<i32>} : memref<1024xf32, #tpu.memory_space<vmem>>, vector<16xf32>,
    %broadcast_in_dim3A_264 = arith.constant 0.000000e+00 : f32
    %broadcast_in_dim3A_265 = vector.broadcast %broadcast_in_dim3A_264 : f32 to vector<16xf32>
    %swap3A_266 = arith.constant 480 : index
    %swap3A_267 = tpu.vector_load %arg9[%swap3A_266] {strides = array<i32>} : memref<1024xf32, #tpu.memory_space<vmem>>, vector<16xf32>,
    %swap3A_268 = vector.shape_cast %swap3A_267 : vector<16xf32> to vector<16xf32>
    %swap3A_269 = vector.shape_cast %broadcast_in_dim3A_265 : vector<16xf32> to vector<16xf32>
    tpu.vector_store %arg9[%swap3A_266], %swap3A_269 {strides = array<i32>} : memref<1024xf32, #tpu.memory_space<vmem>>, vector<16xf32>,
    %broadcast_in_dim3A_270 = arith.constant 0.000000e+00 : f32
    %broadcast_in_dim3A_271 = vector.broadcast %broadcast_in_dim3A_270 : f32 to vector<16xf32>
    %swap3A_272 = arith.constant 496 : index
    %swap3A_273 = tpu.vector_load %arg9[%swap3A_272] {strides = array<i32>} : memref<1024xf32, #tpu.memory_space<vmem>>, vector<16xf32>,
    %swap3A_274 = vector.shape_cast %swap3A_273 : vector<16xf32> to vector<16xf32>
    %swap3A_275 = vector.shape_cast %broadcast_in_dim3A_271 : vector<16xf32> to vector<16xf32>
    tpu.vector_store %arg9[%swap3A_272], %swap3A_275 {strides = array<i32>} : memref<1024xf32, #tpu.memory_space<vmem>>, vector<16xf32>,
    %broadcast_in_dim3A_276 = arith.constant 0.000000e+00 : f32
    %broadcast_in_dim3A_277 = vector.broadcast %broadcast_in_dim3A_276 : f32 to vector<16xf32>
    %swap3A_278 = arith.constant 512 : index
    %swap3A_279 = tpu.vector_load %arg9[%swap3A_278] {strides = array<i32>} : memref<1024xf32, #tpu.memory_space<vmem>>, vector<16xf32>,
    %swap3A_280 = vector.shape_cast %swap3A_279 : vector<16xf32> to vector<16xf32>
    %swap3A_281 = vector.shape_cast %broadcast_in_dim3A_277 : vector<16xf32> to vector<16xf32>
    tpu.vector_store %arg9[%swap3A_278], %swap3A_281 {strides = array<i32>} : memref<1024xf32, #tpu.memory_space<vmem>>, vector<16xf32>,
    %broadcast_in_dim3A_282 = arith.constant 0.000000e+00 : f32
    %broadcast_in_dim3A_283 = vector.broadcast %broadcast_in_dim3A_282 : f32 to vector<16xf32>
    %swap3A_284 = arith.constant 528 : index
    %swap3A_285 = tpu.vector_load %arg9[%swap3A_284] {strides = array<i32>} : memref<1024xf32, #tpu.memory_space<vmem>>, vector<16xf32>,
    %swap3A_286 = vector.shape_cast %swap3A_285 : vector<16xf32> to vector<16xf32>
    %swap3A_287 = vector.shape_cast %broadcast_in_dim3A_283 : vector<16xf32> to vector<16xf32>
    tpu.vector_store %arg9[%swap3A_284], %swap3A_287 {strides = array<i32>} : memref<1024xf32, #tpu.memory_space<vmem>>, vector<16xf32>,
    %broadcast_in_dim3A_288 = arith.constant 0.000000e+00 : f32
    %broadcast_in_dim3A_289 = vector.broadcast %broadcast_in_dim3A_288 : f32 to vector<16xf32>
    %swap3A_290 = arith.constant 544 : index
    %swap3A_291 = tpu.vector_load %arg9[%swap3A_290] {strides = array<i32>} : memref<1024xf32, #tpu.memory_space<vmem>>, vector<16xf32>,
    %swap3A_292 = vector.shape_cast %swap3A_291 : vector<16xf32> to vector<16xf32>
    %swap3A_293 = vector.shape_cast %broadcast_in_dim3A_289 : vector<16xf32> to vector<16xf32>
    tpu.vector_store %arg9[%swap3A_290], %swap3A_293 {strides = array<i32>} : memref<1024xf32, #tpu.memory_space<vmem>>, vector<16xf32>,
    %broadcast_in_dim3A_294 = arith.constant 0.000000e+00 : f32
    %broadcast_in_dim3A_295 = vector.broadcast %broadcast_in_dim3A_294 : f32 to vector<16xf32>
    %swap3A_296 = arith.constant 560 : index
    %swap3A_297 = tpu.vector_load %arg9[%swap3A_296] {strides = array<i32>} : memref<1024xf32, #tpu.memory_space<vmem>>, vector<16xf32>,
    %swap3A_298 = vector.shape_cast %swap3A_297 : vector<16xf32> to vector<16xf32>
    %swap3A_299 = vector.shape_cast %broadcast_in_dim3A_295 : vector<16xf32> to vector<16xf32>
    tpu.vector_store %arg9[%swap3A_296], %swap3A_299 {strides = array<i32>} : memref<1024xf32, #tpu.memory_space<vmem>>, vector<16xf32>,
    %broadcast_in_dim3A_300 = arith.constant 0.000000e+00 : f32
    %broadcast_in_dim3A_301 = vector.broadcast %broadcast_in_dim3A_300 : f32 to vector<16xf32>
    %swap3A_302 = arith.constant 576 : index
    %swap3A_303 = tpu.vector_load %arg9[%swap3A_302] {strides = array<i32>} : memref<1024xf32, #tpu.memory_space<vmem>>, vector<16xf32>,
    %swap3A_304 = vector.shape_cast %swap3A_303 : vector<16xf32> to vector<16xf32>
    %swap3A_305 = vector.shape_cast %broadcast_in_dim3A_301 : vector<16xf32> to vector<16xf32>
    tpu.vector_store %arg9[%swap3A_302], %swap3A_305 {strides = array<i32>} : memref<1024xf32, #tpu.memory_space<vmem>>, vector<16xf32>,
    %broadcast_in_dim3A_306 = arith.constant 0.000000e+00 : f32
    %broadcast_in_dim3A_307 = vector.broadcast %broadcast_in_dim3A_306 : f32 to vector<16xf32>
    %swap3A_308 = arith.constant 592 : index
    %swap3A_309 = tpu.vector_load %arg9[%swap3A_308] {strides = array<i32>} : memref<1024xf32, #tpu.memory_space<vmem>>, vector<16xf32>,
    %swap3A_310 = vector.shape_cast %swap3A_309 : vector<16xf32> to vector<16xf32>
    %swap3A_311 = vector.shape_cast %broadcast_in_dim3A_307 : vector<16xf32> to vector<16xf32>
    tpu.vector_store %arg9[%swap3A_308], %swap3A_311 {strides = array<i32>} : memref<1024xf32, #tpu.memory_space<vmem>>, vector<16xf32>,
    %broadcast_in_dim3A_312 = arith.constant 0.000000e+00 : f32
    %broadcast_in_dim3A_313 = vector.broadcast %broadcast_in_dim3A_312 : f32 to vector<16xf32>
    %swap3A_314 = arith.constant 608 : index
    %swap3A_315 = tpu.vector_load %arg9[%swap3A_314] {strides = array<i32>} : memref<1024xf32, #tpu.memory_space<vmem>>, vector<16xf32>,
    %swap3A_316 = vector.shape_cast %swap3A_315 : vector<16xf32> to vector<16xf32>
    %swap3A_317 = vector.shape_cast %broadcast_in_dim3A_313 : vector<16xf32> to vector<16xf32>
    tpu.vector_store %arg9[%swap3A_314], %swap3A_317 {strides = array<i32>} : memref<1024xf32, #tpu.memory_space<vmem>>, vector<16xf32>,
    %broadcast_in_dim3A_318 = arith.constant 0.000000e+00 : f32
    %broadcast_in_dim3A_319 = vector.broadcast %broadcast_in_dim3A_318 : f32 to vector<16xf32>
    %swap3A_320 = arith.constant 624 : index
    %swap3A_321 = tpu.vector_load %arg9[%swap3A_320] {strides = array<i32>} : memref<1024xf32, #tpu.memory_space<vmem>>, vector<16xf32>,
    %swap3A_322 = vector.shape_cast %swap3A_321 : vector<16xf32> to vector<16xf32>
    %swap3A_323 = vector.shape_cast %broadcast_in_dim3A_319 : vector<16xf32> to vector<16xf32>
    tpu.vector_store %arg9[%swap3A_320], %swap3A_323 {strides = array<i32>} : memref<1024xf32, #tpu.memory_space<vmem>>, vector<16xf32>,
    %broadcast_in_dim3A_324 = arith.constant 0.000000e+00 : f32
    %broadcast_in_dim3A_325 = vector.broadcast %broadcast_in_dim3A_324 : f32 to vector<16xf32>
    %swap3A_326 = arith.constant 640 : index
    %swap3A_327 = tpu.vector_load %arg9[%swap3A_326] {strides = array<i32>} : memref<1024xf32, #tpu.memory_space<vmem>>, vector<16xf32>,
    %swap3A_328 = vector.shape_cast %swap3A_327 : vector<16xf32> to vector<16xf32>
    %swap3A_329 = vector.shape_cast %broadcast_in_dim3A_325 : vector<16xf32> to vector<16xf32>
    tpu.vector_store %arg9[%swap3A_326], %swap3A_329 {strides = array<i32>} : memref<1024xf32, #tpu.memory_space<vmem>>, vector<16xf32>,
    %broadcast_in_dim3A_330 = arith.constant 0.000000e+00 : f32
    %broadcast_in_dim3A_331 = vector.broadcast %broadcast_in_dim3A_330 : f32 to vector<16xf32>
    %swap3A_332 = arith.constant 656 : index
    %swap3A_333 = tpu.vector_load %arg9[%swap3A_332] {strides = array<i32>} : memref<1024xf32, #tpu.memory_space<vmem>>, vector<16xf32>,
    %swap3A_334 = vector.shape_cast %swap3A_333 : vector<16xf32> to vector<16xf32>
    %swap3A_335 = vector.shape_cast %broadcast_in_dim3A_331 : vector<16xf32> to vector<16xf32>
    tpu.vector_store %arg9[%swap3A_332], %swap3A_335 {strides = array<i32>} : memref<1024xf32, #tpu.memory_space<vmem>>, vector<16xf32>,
    %broadcast_in_dim3A_336 = arith.constant 0.000000e+00 : f32
    %broadcast_in_dim3A_337 = vector.broadcast %broadcast_in_dim3A_336 : f32 to vector<16xf32>
    %swap3A_338 = arith.constant 672 : index
    %swap3A_339 = tpu.vector_load %arg9[%swap3A_338] {strides = array<i32>} : memref<1024xf32, #tpu.memory_space<vmem>>, vector<16xf32>,
    %swap3A_340 = vector.shape_cast %swap3A_339 : vector<16xf32> to vector<16xf32>
    %swap3A_341 = vector.shape_cast %broadcast_in_dim3A_337 : vector<16xf32> to vector<16xf32>
    tpu.vector_store %arg9[%swap3A_338], %swap3A_341 {strides = array<i32>} : memref<1024xf32, #tpu.memory_space<vmem>>, vector<16xf32>,
    %broadcast_in_dim3A_342 = arith.constant 0.000000e+00 : f32
    %broadcast_in_dim3A_343 = vector.broadcast %broadcast_in_dim3A_342 : f32 to vector<16xf32>
    %swap3A_344 = arith.constant 688 : index
    %swap3A_345 = tpu.vector_load %arg9[%swap3A_344] {strides = array<i32>} : memref<1024xf32, #tpu.memory_space<vmem>>, vector<16xf32>,
    %swap3A_346 = vector.shape_cast %swap3A_345 : vector<16xf32> to vector<16xf32>
    %swap3A_347 = vector.shape_cast %broadcast_in_dim3A_343 : vector<16xf32> to vector<16xf32>
    tpu.vector_store %arg9[%swap3A_344], %swap3A_347 {strides = array<i32>} : memref<1024xf32, #tpu.memory_space<vmem>>, vector<16xf32>,
    %broadcast_in_dim3A_348 = arith.constant 0.000000e+00 : f32
    %broadcast_in_dim3A_349 = vector.broadcast %broadcast_in_dim3A_348 : f32 to vector<16xf32>
    %swap3A_350 = arith.constant 704 : index
    %swap3A_351 = tpu.vector_load %arg9[%swap3A_350] {strides = array<i32>} : memref<1024xf32, #tpu.memory_space<vmem>>, vector<16xf32>,
    %swap3A_352 = vector.shape_cast %swap3A_351 : vector<16xf32> to vector<16xf32>
    %swap3A_353 = vector.shape_cast %broadcast_in_dim3A_349 : vector<16xf32> to vector<16xf32>
    tpu.vector_store %arg9[%swap3A_350], %swap3A_353 {strides = array<i32>} : memref<1024xf32, #tpu.memory_space<vmem>>, vector<16xf32>,
    %broadcast_in_dim3A_354 = arith.constant 0.000000e+00 : f32
    %broadcast_in_dim3A_355 = vector.broadcast %broadcast_in_dim3A_354 : f32 to vector<16xf32>
    %swap3A_356 = arith.constant 720 : index
    %swap3A_357 = tpu.vector_load %arg9[%swap3A_356] {strides = array<i32>} : memref<1024xf32, #tpu.memory_space<vmem>>, vector<16xf32>,
    %swap3A_358 = vector.shape_cast %swap3A_357 : vector<16xf32> to vector<16xf32>
    %swap3A_359 = vector.shape_cast %broadcast_in_dim3A_355 : vector<16xf32> to vector<16xf32>
    tpu.vector_store %arg9[%swap3A_356], %swap3A_359 {strides = array<i32>} : memref<1024xf32, #tpu.memory_space<vmem>>, vector<16xf32>,
    %broadcast_in_dim3A_360 = arith.constant 0.000000e+00 : f32
    %broadcast_in_dim3A_361 = vector.broadcast %broadcast_in_dim3A_360 : f32 to vector<16xf32>
    %swap3A_362 = arith.constant 736 : index
    %swap3A_363 = tpu.vector_load %arg9[%swap3A_362] {strides = array<i32>} : memref<1024xf32, #tpu.memory_space<vmem>>, vector<16xf32>,
    %swap3A_364 = vector.shape_cast %swap3A_363 : vector<16xf32> to vector<16xf32>
    %swap3A_365 = vector.shape_cast %broadcast_in_dim3A_361 : vector<16xf32> to vector<16xf32>
    tpu.vector_store %arg9[%swap3A_362], %swap3A_365 {strides = array<i32>} : memref<1024xf32, #tpu.memory_space<vmem>>, vector<16xf32>,
    %broadcast_in_dim3A_366 = arith.constant 0.000000e+00 : f32
    %broadcast_in_dim3A_367 = vector.broadcast %broadcast_in_dim3A_366 : f32 to vector<16xf32>
    %swap3A_368 = arith.constant 752 : index
    %swap3A_369 = tpu.vector_load %arg9[%swap3A_368] {strides = array<i32>} : memref<1024xf32, #tpu.memory_space<vmem>>, vector<16xf32>,
    %swap3A_370 = vector.shape_cast %swap3A_369 : vector<16xf32> to vector<16xf32>
    %swap3A_371 = vector.shape_cast %broadcast_in_dim3A_367 : vector<16xf32> to vector<16xf32>
    tpu.vector_store %arg9[%swap3A_368], %swap3A_371 {strides = array<i32>} : memref<1024xf32, #tpu.memory_space<vmem>>, vector<16xf32>,
    %broadcast_in_dim3A_372 = arith.constant 0.000000e+00 : f32
    %broadcast_in_dim3A_373 = vector.broadcast %broadcast_in_dim3A_372 : f32 to vector<16xf32>
    %swap3A_374 = arith.constant 768 : index
    %swap3A_375 = tpu.vector_load %arg9[%swap3A_374] {strides = array<i32>} : memref<1024xf32, #tpu.memory_space<vmem>>, vector<16xf32>,
    %swap3A_376 = vector.shape_cast %swap3A_375 : vector<16xf32> to vector<16xf32>
    %swap3A_377 = vector.shape_cast %broadcast_in_dim3A_373 : vector<16xf32> to vector<16xf32>
    tpu.vector_store %arg9[%swap3A_374], %swap3A_377 {strides = array<i32>} : memref<1024xf32, #tpu.memory_space<vmem>>, vector<16xf32>,
    %broadcast_in_dim3A_378 = arith.constant 0.000000e+00 : f32
    %broadcast_in_dim3A_379 = vector.broadcast %broadcast_in_dim3A_378 : f32 to vector<16xf32>
    %swap3A_380 = arith.constant 784 : index
    %swap3A_381 = tpu.vector_load %arg9[%swap3A_380] {strides = array<i32>} : memref<1024xf32, #tpu.memory_space<vmem>>, vector<16xf32>,
    %swap3A_382 = vector.shape_cast %swap3A_381 : vector<16xf32> to vector<16xf32>
    %swap3A_383 = vector.shape_cast %broadcast_in_dim3A_379 : vector<16xf32> to vector<16xf32>
    tpu.vector_store %arg9[%swap3A_380], %swap3A_383 {strides = array<i32>} : memref<1024xf32, #tpu.memory_space<vmem>>, vector<16xf32>,
    %broadcast_in_dim3A_384 = arith.constant 0.000000e+00 : f32
    %broadcast_in_dim3A_385 = vector.broadcast %broadcast_in_dim3A_384 : f32 to vector<16xf32>
    %swap3A_386 = arith.constant 800 : index
    %swap3A_387 = tpu.vector_load %arg9[%swap3A_386] {strides = array<i32>} : memref<1024xf32, #tpu.memory_space<vmem>>, vector<16xf32>,
    %swap3A_388 = vector.shape_cast %swap3A_387 : vector<16xf32> to vector<16xf32>
    %swap3A_389 = vector.shape_cast %broadcast_in_dim3A_385 : vector<16xf32> to vector<16xf32>
    tpu.vector_store %arg9[%swap3A_386], %swap3A_389 {strides = array<i32>} : memref<1024xf32, #tpu.memory_space<vmem>>, vector<16xf32>,
    %broadcast_in_dim3A_390 = arith.constant 0.000000e+00 : f32
    %broadcast_in_dim3A_391 = vector.broadcast %broadcast_in_dim3A_390 : f32 to vector<16xf32>
    %swap3A_392 = arith.constant 816 : index
    %swap3A_393 = tpu.vector_load %arg9[%swap3A_392] {strides = array<i32>} : memref<1024xf32, #tpu.memory_space<vmem>>, vector<16xf32>,
    %swap3A_394 = vector.shape_cast %swap3A_393 : vector<16xf32> to vector<16xf32>
    %swap3A_395 = vector.shape_cast %broadcast_in_dim3A_391 : vector<16xf32> to vector<16xf32>
    tpu.vector_store %arg9[%swap3A_392], %swap3A_395 {strides = array<i32>} : memref<1024xf32, #tpu.memory_space<vmem>>, vector<16xf32>,
    %broadcast_in_dim3A_396 = arith.constant 0.000000e+00 : f32
    %broadcast_in_dim3A_397 = vector.broadcast %broadcast_in_dim3A_396 : f32 to vector<16xf32>
    %swap3A_398 = arith.constant 832 : index
    %swap3A_399 = tpu.vector_load %arg9[%swap3A_398] {strides = array<i32>} : memref<1024xf32, #tpu.memory_space<vmem>>, vector<16xf32>,
    %swap3A_400 = vector.shape_cast %swap3A_399 : vector<16xf32> to vector<16xf32>
    %swap3A_401 = vector.shape_cast %broadcast_in_dim3A_397 : vector<16xf32> to vector<16xf32>
    tpu.vector_store %arg9[%swap3A_398], %swap3A_401 {strides = array<i32>} : memref<1024xf32, #tpu.memory_space<vmem>>, vector<16xf32>,
    %broadcast_in_dim3A_402 = arith.constant 0.000000e+00 : f32
    %broadcast_in_dim3A_403 = vector.broadcast %broadcast_in_dim3A_402 : f32 to vector<16xf32>
    %swap3A_404 = arith.constant 848 : index
    %swap3A_405 = tpu.vector_load %arg9[%swap3A_404] {strides = array<i32>} : memref<1024xf32, #tpu.memory_space<vmem>>, vector<16xf32>,
    %swap3A_406 = vector.shape_cast %swap3A_405 : vector<16xf32> to vector<16xf32>
    %swap3A_407 = vector.shape_cast %broadcast_in_dim3A_403 : vector<16xf32> to vector<16xf32>
    tpu.vector_store %arg9[%swap3A_404], %swap3A_407 {strides = array<i32>} : memref<1024xf32, #tpu.memory_space<vmem>>, vector<16xf32>,
    %broadcast_in_dim3A_408 = arith.constant 0.000000e+00 : f32
    %broadcast_in_dim3A_409 = vector.broadcast %broadcast_in_dim3A_408 : f32 to vector<16xf32>
    %swap3A_410 = arith.constant 864 : index
    %swap3A_411 = tpu.vector_load %arg9[%swap3A_410] {strides = array<i32>} : memref<1024xf32, #tpu.memory_space<vmem>>, vector<16xf32>,
    %swap3A_412 = vector.shape_cast %swap3A_411 : vector<16xf32> to vector<16xf32>
    %swap3A_413 = vector.shape_cast %broadcast_in_dim3A_409 : vector<16xf32> to vector<16xf32>
    tpu.vector_store %arg9[%swap3A_410], %swap3A_413 {strides = array<i32>} : memref<1024xf32, #tpu.memory_space<vmem>>, vector<16xf32>,
    %broadcast_in_dim3A_414 = arith.constant 0.000000e+00 : f32
    %broadcast_in_dim3A_415 = vector.broadcast %broadcast_in_dim3A_414 : f32 to vector<16xf32>
    %swap3A_416 = arith.constant 880 : index
    %swap3A_417 = tpu.vector_load %arg9[%swap3A_416] {strides = array<i32>} : memref<1024xf32, #tpu.memory_space<vmem>>, vector<16xf32>,
    %swap3A_418 = vector.shape_cast %swap3A_417 : vector<16xf32> to vector<16xf32>
    %swap3A_419 = vector.shape_cast %broadcast_in_dim3A_415 : vector<16xf32> to vector<16xf32>
    tpu.vector_store %arg9[%swap3A_416], %swap3A_419 {strides = array<i32>} : memref<1024xf32, #tpu.memory_space<vmem>>, vector<16xf32>,
    %broadcast_in_dim3A_420 = arith.constant 0.000000e+00 : f32
    %broadcast_in_dim3A_421 = vector.broadcast %broadcast_in_dim3A_420 : f32 to vector<16xf32>
    %swap3A_422 = arith.constant 896 : index
    %swap3A_423 = tpu.vector_load %arg9[%swap3A_422] {strides = array<i32>} : memref<1024xf32, #tpu.memory_space<vmem>>, vector<16xf32>,
    %swap3A_424 = vector.shape_cast %swap3A_423 : vector<16xf32> to vector<16xf32>
    %swap3A_425 = vector.shape_cast %broadcast_in_dim3A_421 : vector<16xf32> to vector<16xf32>
    tpu.vector_store %arg9[%swap3A_422], %swap3A_425 {strides = array<i32>} : memref<1024xf32, #tpu.memory_space<vmem>>, vector<16xf32>,
    %broadcast_in_dim3A_426 = arith.constant 0.000000e+00 : f32
    %broadcast_in_dim3A_427 = vector.broadcast %broadcast_in_dim3A_426 : f32 to vector<16xf32>
    %swap3A_428 = arith.constant 912 : index
    %swap3A_429 = tpu.vector_load %arg9[%swap3A_428] {strides = array<i32>} : memref<1024xf32, #tpu.memory_space<vmem>>, vector<16xf32>,
    %swap3A_430 = vector.shape_cast %swap3A_429 : vector<16xf32> to vector<16xf32>
    %swap3A_431 = vector.shape_cast %broadcast_in_dim3A_427 : vector<16xf32> to vector<16xf32>
    tpu.vector_store %arg9[%swap3A_428], %swap3A_431 {strides = array<i32>} : memref<1024xf32, #tpu.memory_space<vmem>>, vector<16xf32>,
    %broadcast_in_dim3A_432 = arith.constant 0.000000e+00 : f32
    %broadcast_in_dim3A_433 = vector.broadcast %broadcast_in_dim3A_432 : f32 to vector<16xf32>
    %swap3A_434 = arith.constant 928 : index
    %swap3A_435 = tpu.vector_load %arg9[%swap3A_434] {strides = array<i32>} : memref<1024xf32, #tpu.memory_space<vmem>>, vector<16xf32>,
    %swap3A_436 = vector.shape_cast %swap3A_435 : vector<16xf32> to vector<16xf32>
    %swap3A_437 = vector.shape_cast %broadcast_in_dim3A_433 : vector<16xf32> to vector<16xf32>
    tpu.vector_store %arg9[%swap3A_434], %swap3A_437 {strides = array<i32>} : memref<1024xf32, #tpu.memory_space<vmem>>, vector<16xf32>,
    %broadcast_in_dim3A_438 = arith.constant 0.000000e+00 : f32
    %broadcast_in_dim3A_439 = vector.broadcast %broadcast_in_dim3A_438 : f32 to vector<16xf32>
    %swap3A_440 = arith.constant 944 : index
    %swap3A_441 = tpu.vector_load %arg9[%swap3A_440] {strides = array<i32>} : memref<1024xf32, #tpu.memory_space<vmem>>, vector<16xf32>,
    %swap3A_442 = vector.shape_cast %swap3A_441 : vector<16xf32> to vector<16xf32>
    %swap3A_443 = vector.shape_cast %broadcast_in_dim3A_439 : vector<16xf32> to vector<16xf32>
    tpu.vector_store %arg9[%swap3A_440], %swap3A_443 {strides = array<i32>} : memref<1024xf32, #tpu.memory_space<vmem>>, vector<16xf32>,
    %broadcast_in_dim3A_444 = arith.constant 0.000000e+00 : f32
    %broadcast_in_dim3A_445 = vector.broadcast %broadcast_in_dim3A_444 : f32 to vector<16xf32>
    %swap3A_446 = arith.constant 960 : index
    %swap3A_447 = tpu.vector_load %arg9[%swap3A_446] {strides = array<i32>} : memref<1024xf32, #tpu.memory_space<vmem>>, vector<16xf32>,
    %swap3A_448 = vector.shape_cast %swap3A_447 : vector<16xf32> to vector<16xf32>
    %swap3A_449 = vector.shape_cast %broadcast_in_dim3A_445 : vector<16xf32> to vector<16xf32>
    tpu.vector_store %arg9[%swap3A_446], %swap3A_449 {strides = array<i32>} : memref<1024xf32, #tpu.memory_space<vmem>>, vector<16xf32>,
    %broadcast_in_dim3A_450 = arith.constant 0.000000e+00 : f32
    %broadcast_in_dim3A_451 = vector.broadcast %broadcast_in_dim3A_450 : f32 to vector<16xf32>
    %swap3A_452 = arith.constant 976 : index
    %swap3A_453 = tpu.vector_load %arg9[%swap3A_452] {strides = array<i32>} : memref<1024xf32, #tpu.memory_space<vmem>>, vector<16xf32>,
    %swap3A_454 = vector.shape_cast %swap3A_453 : vector<16xf32> to vector<16xf32>
    %swap3A_455 = vector.shape_cast %broadcast_in_dim3A_451 : vector<16xf32> to vector<16xf32>
    tpu.vector_store %arg9[%swap3A_452], %swap3A_455 {strides = array<i32>} : memref<1024xf32, #tpu.memory_space<vmem>>, vector<16xf32>,
    %broadcast_in_dim3A_456 = arith.constant 0.000000e+00 : f32
    %broadcast_in_dim3A_457 = vector.broadcast %broadcast_in_dim3A_456 : f32 to vector<16xf32>
    %swap3A_458 = arith.constant 992 : index
    %swap3A_459 = tpu.vector_load %arg9[%swap3A_458] {strides = array<i32>} : memref<1024xf32, #tpu.memory_space<vmem>>, vector<16xf32>,
    %swap3A_460 = vector.shape_cast %swap3A_459 : vector<16xf32> to vector<16xf32>
    %swap3A_461 = vector.shape_cast %broadcast_in_dim3A_457 : vector<16xf32> to vector<16xf32>
    tpu.vector_store %arg9[%swap3A_458], %swap3A_461 {strides = array<i32>} : memref<1024xf32, #tpu.memory_space<vmem>>, vector<16xf32>,
    %broadcast_in_dim3A_462 = arith.constant 0.000000e+00 : f32
    %broadcast_in_dim3A_463 = vector.broadcast %broadcast_in_dim3A_462 : f32 to vector<16xf32>
    %swap3A_464 = arith.constant 1008 : index
    %swap3A_465 = tpu.vector_load %arg9[%swap3A_464] {strides = array<i32>} : memref<1024xf32, #tpu.memory_space<vmem>>, vector<16xf32>,
    %swap3A_466 = vector.shape_cast %swap3A_465 : vector<16xf32> to vector<16xf32>
    %swap3A_467 = vector.shape_cast %broadcast_in_dim3A_463 : vector<16xf32> to vector<16xf32>
    tpu.vector_store %arg9[%swap3A_464], %swap3A_467 {strides = array<i32>} : memref<1024xf32, #tpu.memory_space<vmem>>, vector<16xf32>,
    %broadcast_in_dim3A_468 = arith.constant 0.000000e+00 : f32
    %broadcast_in_dim3A_469 = vector.broadcast %broadcast_in_dim3A_468 : f32 to vector<16xf32>
    %scan3A = arith.constant 0 : i32
    %scan3A_470 = arith.constant 32 : i32
    %scan3A_471 = arith.addi %scan3A, %scan3A_470 : i32
    %scan3A_472 = arith.constant 1 : i32
    %scan3A_473 = scf.for %scan3A_479 = %scan3A to %scan3A_471 step %scan3A_472 iter_args(%scan3A_480 = %broadcast_in_dim3A_469) -> (vector<16xf32>)  : i32 {
      %mul3A_481 = arith.constant 32 : i32
      %mul3A_482 = arith.muli %scan3A_479, %mul3A_481 : i32
      %add3A_483 = arith.addi %add3A_84, %mul3A_482 : i32
      "tpu.region"() ({
        %run_scoped3A = tpu.sem_alloc : memref<!tpu.dma_semaphore, #tpu.memory_space<semaphore_mem>>
        %dma_start3A = arith.constant 0 : i32
        %dma_start3A_490 = tpu.memref_slice %arg2[%add3A_483, %dma_start3A] : memref<32768x1024xf32, #tpu.memory_space<hbm>> -> memref<32x1024xf32, #tpu.memory_space<hbm>>
        %dma_start3A_491 = arith.constant 0 : i32
        %dma_start3A_492 = tpu.memref_slice %arg2[%add3A_483, %dma_start3A_491] : memref<32768x1024xf32, #tpu.memory_space<hbm>> -> memref<32x1024xf32, #tpu.memory_space<hbm>>
        tpu.enqueue_dma source(%dma_start3A_492 : memref<32x1024xf32, #tpu.memory_space<hbm>>) target(%arg7 : memref<32x1024xf32, #tpu.memory_space<vmem>>) target_semaphore(%run_scoped3A : memref<!tpu.dma_semaphore, #tpu.memory_space<semaphore_mem>>)
        %dma_wait3A = arith.constant 0 : i32
        %dma_wait3A_493 = tpu.memref_slice %arg2[%add3A_483, %dma_wait3A] : memref<32768x1024xf32, #tpu.memory_space<hbm>> -> memref<32x1024xf32, #tpu.memory_space<hbm>>
        %dma_wait3A_494 = arith.constant 0 : i32
        %dma_wait3A_495 = tpu.memref_slice %arg2[%add3A_483, %dma_wait3A_494] : memref<32768x1024xf32, #tpu.memory_space<hbm>> -> memref<32x1024xf32, #tpu.memory_space<hbm>>
        tpu.wait_dma2 semaphore(%run_scoped3A : memref<!tpu.dma_semaphore, #tpu.memory_space<semaphore_mem>>) src(%dma_wait3A_495 : memref<32x1024xf32, #tpu.memory_space<hbm>>) dst(%arg7 : memref<32x1024xf32, #tpu.memory_space<vmem>>)
        tpu.yield
      }) : () -> ()
      %scan3A_484 = arith.constant 0 : i32
      %scan3A_485 = arith.constant 32 : i32
      %scan3A_486 = arith.addi %scan3A_484, %scan3A_485 : i32
      %scan3A_487 = arith.constant 1 : i32
      %scan3A_488 = scf.for %scan3A_490 = %scan3A_484 to %scan3A_486 step %scan3A_487 iter_args(%scan3A_491 = %scan3A_480) -> (vector<16xf32>)  : i32 {
        %broadcast_in_dim3A_492 = arith.constant 0.000000e+00 : f32
        %broadcast_in_dim3A_493 = vector.broadcast %broadcast_in_dim3A_492 : f32 to vector<16xf32>
        %get3A_494 = arith.index_cast %scan3A_490 : i32 to index
        %get3A_495 = arith.constant 0 : index
        %get3A_496 = tpu.vector_load %arg7[%get3A_494, %get3A_495] {strides = array<i32>} : memref<32x1024xf32, #tpu.memory_space<vmem>>, vector<1x16xf32>,
        %get3A_497 = vector.shape_cast %get3A_496 : vector<1x16xf32> to vector<16xf32>
        %get3A_498 = arith.constant 0 : index
        %get3A_499 = tpu.vector_load %arg8[%get3A_498] {strides = array<i32>} : memref<1024xf32, #tpu.memory_space<vmem>>, vector<16xf32>,
        %get3A_500 = vector.shape_cast %get3A_499 : vector<16xf32> to vector<16xf32>
        %mul3A_501 = arith.mulf %get3A_497, %get3A_500 : vector<16xf32>
        %add3A_502 = arith.addf %broadcast_in_dim3A_493, %mul3A_501 : vector<16xf32>
        %get3A_503 = arith.index_cast %scan3A_490 : i32 to index
        %get3A_504 = arith.constant 16 : index
        %get3A_505 = tpu.vector_load %arg7[%get3A_503, %get3A_504] {strides = array<i32>} : memref<32x1024xf32, #tpu.memory_space<vmem>>, vector<1x16xf32>,
        %get3A_506 = vector.shape_cast %get3A_505 : vector<1x16xf32> to vector<16xf32>
        %get3A_507 = arith.constant 16 : index
        %get3A_508 = tpu.vector_load %arg8[%get3A_507] {strides = array<i32>} : memref<1024xf32, #tpu.memory_space<vmem>>, vector<16xf32>,
        %get3A_509 = vector.shape_cast %get3A_508 : vector<16xf32> to vector<16xf32>
        %mul3A_510 = arith.mulf %get3A_506, %get3A_509 : vector<16xf32>
        %add3A_511 = arith.addf %add3A_502, %mul3A_510 : vector<16xf32>
        %get3A_512 = arith.index_cast %scan3A_490 : i32 to index
        %get3A_513 = arith.constant 32 : index
        %get3A_514 = tpu.vector_load %arg7[%get3A_512, %get3A_513] {strides = array<i32>} : memref<32x1024xf32, #tpu.memory_space<vmem>>, vector<1x16xf32>,
        %get3A_515 = vector.shape_cast %get3A_514 : vector<1x16xf32> to vector<16xf32>
        %get3A_516 = arith.constant 32 : index
        %get3A_517 = tpu.vector_load %arg8[%get3A_516] {strides = array<i32>} : memref<1024xf32, #tpu.memory_space<vmem>>, vector<16xf32>,
        %get3A_518 = vector.shape_cast %get3A_517 : vector<16xf32> to vector<16xf32>
        %mul3A_519 = arith.mulf %get3A_515, %get3A_518 : vector<16xf32>
        %add3A_520 = arith.addf %add3A_511, %mul3A_519 : vector<16xf32>
        %get3A_521 = arith.index_cast %scan3A_490 : i32 to index
        %get3A_522 = arith.constant 48 : index
        %get3A_523 = tpu.vector_load %arg7[%get3A_521, %get3A_522] {strides = array<i32>} : memref<32x1024xf32, #tpu.memory_space<vmem>>, vector<1x16xf32>,
        %get3A_524 = vector.shape_cast %get3A_523 : vector<1x16xf32> to vector<16xf32>
        %get3A_525 = arith.constant 48 : index
        %get3A_526 = tpu.vector_load %arg8[%get3A_525] {strides = array<i32>} : memref<1024xf32, #tpu.memory_space<vmem>>, vector<16xf32>,
        %get3A_527 = vector.shape_cast %get3A_526 : vector<16xf32> to vector<16xf32>
        %mul3A_528 = arith.mulf %get3A_524, %get3A_527 : vector<16xf32>
        %add3A_529 = arith.addf %add3A_520, %mul3A_528 : vector<16xf32>
        %get3A_530 = arith.index_cast %scan3A_490 : i32 to index
        %get3A_531 = arith.constant 64 : index
        %get3A_532 = tpu.vector_load %arg7[%get3A_530, %get3A_531] {strides = array<i32>} : memref<32x1024xf32, #tpu.memory_space<vmem>>, vector<1x16xf32>,
        %get3A_533 = vector.shape_cast %get3A_532 : vector<1x16xf32> to vector<16xf32>
        %get3A_534 = arith.constant 64 : index
        %get3A_535 = tpu.vector_load %arg8[%get3A_534] {strides = array<i32>} : memref<1024xf32, #tpu.memory_space<vmem>>, vector<16xf32>,
        %get3A_536 = vector.shape_cast %get3A_535 : vector<16xf32> to vector<16xf32>
        %mul3A_537 = arith.mulf %get3A_533, %get3A_536 : vector<16xf32>
        %add3A_538 = arith.addf %add3A_529, %mul3A_537 : vector<16xf32>
        %get3A_539 = arith.index_cast %scan3A_490 : i32 to index
        %get3A_540 = arith.constant 80 : index
        %get3A_541 = tpu.vector_load %arg7[%get3A_539, %get3A_540] {strides = array<i32>} : memref<32x1024xf32, #tpu.memory_space<vmem>>, vector<1x16xf32>,
        %get3A_542 = vector.shape_cast %get3A_541 : vector<1x16xf32> to vector<16xf32>
        %get3A_543 = arith.constant 80 : index
        %get3A_544 = tpu.vector_load %arg8[%get3A_543] {strides = array<i32>} : memref<1024xf32, #tpu.memory_space<vmem>>, vector<16xf32>,
        %get3A_545 = vector.shape_cast %get3A_544 : vector<16xf32> to vector<16xf32>
        %mul3A_546 = arith.mulf %get3A_542, %get3A_545 : vector<16xf32>
        %add3A_547 = arith.addf %add3A_538, %mul3A_546 : vector<16xf32>
        %get3A_548 = arith.index_cast %scan3A_490 : i32 to index
        %get3A_549 = arith.constant 96 : index
        %get3A_550 = tpu.vector_load %arg7[%get3A_548, %get3A_549] {strides = array<i32>} : memref<32x1024xf32, #tpu.memory_space<vmem>>, vector<1x16xf32>,
        %get3A_551 = vector.shape_cast %get3A_550 : vector<1x16xf32> to vector<16xf32>
        %get3A_552 = arith.constant 96 : index
        %get3A_553 = tpu.vector_load %arg8[%get3A_552] {strides = array<i32>} : memref<1024xf32, #tpu.memory_space<vmem>>, vector<16xf32>,
        %get3A_554 = vector.shape_cast %get3A_553 : vector<16xf32> to vector<16xf32>
        %mul3A_555 = arith.mulf %get3A_551, %get3A_554 : vector<16xf32>
        %add3A_556 = arith.addf %add3A_547, %mul3A_555 : vector<16xf32>
        %get3A_557 = arith.index_cast %scan3A_490 : i32 to index
        %get3A_558 = arith.constant 112 : index
        %get3A_559 = tpu.vector_load %arg7[%get3A_557, %get3A_558] {strides = array<i32>} : memref<32x1024xf32, #tpu.memory_space<vmem>>, vector<1x16xf32>,
        %get3A_560 = vector.shape_cast %get3A_559 : vector<1x16xf32> to vector<16xf32>
        %get3A_561 = arith.constant 112 : index
        %get3A_562 = tpu.vector_load %arg8[%get3A_561] {strides = array<i32>} : memref<1024xf32, #tpu.memory_space<vmem>>, vector<16xf32>,
        %get3A_563 = vector.shape_cast %get3A_562 : vector<16xf32> to vector<16xf32>
        %mul3A_564 = arith.mulf %get3A_560, %get3A_563 : vector<16xf32>
        %add3A_565 = arith.addf %add3A_556, %mul3A_564 : vector<16xf32>
        %get3A_566 = arith.index_cast %scan3A_490 : i32 to index
        %get3A_567 = arith.constant 128 : index
        %get3A_568 = tpu.vector_load %arg7[%get3A_566, %get3A_567] {strides = array<i32>} : memref<32x1024xf32, #tpu.memory_space<vmem>>, vector<1x16xf32>,
        %get3A_569 = vector.shape_cast %get3A_568 : vector<1x16xf32> to vector<16xf32>
        %get3A_570 = arith.constant 128 : index
        %get3A_571 = tpu.vector_load %arg8[%get3A_570] {strides = array<i32>} : memref<1024xf32, #tpu.memory_space<vmem>>, vector<16xf32>,
        %get3A_572 = vector.shape_cast %get3A_571 : vector<16xf32> to vector<16xf32>
        %mul3A_573 = arith.mulf %get3A_569, %get3A_572 : vector<16xf32>
        %add3A_574 = arith.addf %add3A_565, %mul3A_573 : vector<16xf32>
        %get3A_575 = arith.index_cast %scan3A_490 : i32 to index
        %get3A_576 = arith.constant 144 : index
        %get3A_577 = tpu.vector_load %arg7[%get3A_575, %get3A_576] {strides = array<i32>} : memref<32x1024xf32, #tpu.memory_space<vmem>>, vector<1x16xf32>,
        %get3A_578 = vector.shape_cast %get3A_577 : vector<1x16xf32> to vector<16xf32>
        %get3A_579 = arith.constant 144 : index
        %get3A_580 = tpu.vector_load %arg8[%get3A_579] {strides = array<i32>} : memref<1024xf32, #tpu.memory_space<vmem>>, vector<16xf32>,
        %get3A_581 = vector.shape_cast %get3A_580 : vector<16xf32> to vector<16xf32>
        %mul3A_582 = arith.mulf %get3A_578, %get3A_581 : vector<16xf32>
        %add3A_583 = arith.addf %add3A_574, %mul3A_582 : vector<16xf32>
        %get3A_584 = arith.index_cast %scan3A_490 : i32 to index
        %get3A_585 = arith.constant 160 : index
        %get3A_586 = tpu.vector_load %arg7[%get3A_584, %get3A_585] {strides = array<i32>} : memref<32x1024xf32, #tpu.memory_space<vmem>>, vector<1x16xf32>,
        %get3A_587 = vector.shape_cast %get3A_586 : vector<1x16xf32> to vector<16xf32>
        %get3A_588 = arith.constant 160 : index
        %get3A_589 = tpu.vector_load %arg8[%get3A_588] {strides = array<i32>} : memref<1024xf32, #tpu.memory_space<vmem>>, vector<16xf32>,
        %get3A_590 = vector.shape_cast %get3A_589 : vector<16xf32> to vector<16xf32>
        %mul3A_591 = arith.mulf %get3A_587, %get3A_590 : vector<16xf32>
        %add3A_592 = arith.addf %add3A_583, %mul3A_591 : vector<16xf32>
        %get3A_593 = arith.index_cast %scan3A_490 : i32 to index
        %get3A_594 = arith.constant 176 : index
        %get3A_595 = tpu.vector_load %arg7[%get3A_593, %get3A_594] {strides = array<i32>} : memref<32x1024xf32, #tpu.memory_space<vmem>>, vector<1x16xf32>,
        %get3A_596 = vector.shape_cast %get3A_595 : vector<1x16xf32> to vector<16xf32>
        %get3A_597 = arith.constant 176 : index
        %get3A_598 = tpu.vector_load %arg8[%get3A_597] {strides = array<i32>} : memref<1024xf32, #tpu.memory_space<vmem>>, vector<16xf32>,
        %get3A_599 = vector.shape_cast %get3A_598 : vector<16xf32> to vector<16xf32>
        %mul3A_600 = arith.mulf %get3A_596, %get3A_599 : vector<16xf32>
        %add3A_601 = arith.addf %add3A_592, %mul3A_600 : vector<16xf32>
        %get3A_602 = arith.index_cast %scan3A_490 : i32 to index
        %get3A_603 = arith.constant 192 : index
        %get3A_604 = tpu.vector_load %arg7[%get3A_602, %get3A_603] {strides = array<i32>} : memref<32x1024xf32, #tpu.memory_space<vmem>>, vector<1x16xf32>,
        %get3A_605 = vector.shape_cast %get3A_604 : vector<1x16xf32> to vector<16xf32>
        %get3A_606 = arith.constant 192 : index
        %get3A_607 = tpu.vector_load %arg8[%get3A_606] {strides = array<i32>} : memref<1024xf32, #tpu.memory_space<vmem>>, vector<16xf32>,
        %get3A_608 = vector.shape_cast %get3A_607 : vector<16xf32> to vector<16xf32>
        %mul3A_609 = arith.mulf %get3A_605, %get3A_608 : vector<16xf32>
        %add3A_610 = arith.addf %add3A_601, %mul3A_609 : vector<16xf32>
        %get3A_611 = arith.index_cast %scan3A_490 : i32 to index
        %get3A_612 = arith.constant 208 : index
        %get3A_613 = tpu.vector_load %arg7[%get3A_611, %get3A_612] {strides = array<i32>} : memref<32x1024xf32, #tpu.memory_space<vmem>>, vector<1x16xf32>,
        %get3A_614 = vector.shape_cast %get3A_613 : vector<1x16xf32> to vector<16xf32>
        %get3A_615 = arith.constant 208 : index
        %get3A_616 = tpu.vector_load %arg8[%get3A_615] {strides = array<i32>} : memref<1024xf32, #tpu.memory_space<vmem>>, vector<16xf32>,
        %get3A_617 = vector.shape_cast %get3A_616 : vector<16xf32> to vector<16xf32>
        %mul3A_618 = arith.mulf %get3A_614, %get3A_617 : vector<16xf32>
        %add3A_619 = arith.addf %add3A_610, %mul3A_618 : vector<16xf32>
        %get3A_620 = arith.index_cast %scan3A_490 : i32 to index
        %get3A_621 = arith.constant 224 : index
        %get3A_622 = tpu.vector_load %arg7[%get3A_620, %get3A_621] {strides = array<i32>} : memref<32x1024xf32, #tpu.memory_space<vmem>>, vector<1x16xf32>,
        %get3A_623 = vector.shape_cast %get3A_622 : vector<1x16xf32> to vector<16xf32>
        %get3A_624 = arith.constant 224 : index
        %get3A_625 = tpu.vector_load %arg8[%get3A_624] {strides = array<i32>} : memref<1024xf32, #tpu.memory_space<vmem>>, vector<16xf32>,
        %get3A_626 = vector.shape_cast %get3A_625 : vector<16xf32> to vector<16xf32>
        %mul3A_627 = arith.mulf %get3A_623, %get3A_626 : vector<16xf32>
        %add3A_628 = arith.addf %add3A_619, %mul3A_627 : vector<16xf32>
        %get3A_629 = arith.index_cast %scan3A_490 : i32 to index
        %get3A_630 = arith.constant 240 : index
        %get3A_631 = tpu.vector_load %arg7[%get3A_629, %get3A_630] {strides = array<i32>} : memref<32x1024xf32, #tpu.memory_space<vmem>>, vector<1x16xf32>,
        %get3A_632 = vector.shape_cast %get3A_631 : vector<1x16xf32> to vector<16xf32>
        %get3A_633 = arith.constant 240 : index
        %get3A_634 = tpu.vector_load %arg8[%get3A_633] {strides = array<i32>} : memref<1024xf32, #tpu.memory_space<vmem>>, vector<16xf32>,
        %get3A_635 = vector.shape_cast %get3A_634 : vector<16xf32> to vector<16xf32>
        %mul3A_636 = arith.mulf %get3A_632, %get3A_635 : vector<16xf32>
        %add3A_637 = arith.addf %add3A_628, %mul3A_636 : vector<16xf32>
        %get3A_638 = arith.index_cast %scan3A_490 : i32 to index
        %get3A_639 = arith.constant 256 : index
        %get3A_640 = tpu.vector_load %arg7[%get3A_638, %get3A_639] {strides = array<i32>} : memref<32x1024xf32, #tpu.memory_space<vmem>>, vector<1x16xf32>,
        %get3A_641 = vector.shape_cast %get3A_640 : vector<1x16xf32> to vector<16xf32>
        %get3A_642 = arith.constant 256 : index
        %get3A_643 = tpu.vector_load %arg8[%get3A_642] {strides = array<i32>} : memref<1024xf32, #tpu.memory_space<vmem>>, vector<16xf32>,
        %get3A_644 = vector.shape_cast %get3A_643 : vector<16xf32> to vector<16xf32>
        %mul3A_645 = arith.mulf %get3A_641, %get3A_644 : vector<16xf32>
        %add3A_646 = arith.addf %add3A_637, %mul3A_645 : vector<16xf32>
        %get3A_647 = arith.index_cast %scan3A_490 : i32 to index
        %get3A_648 = arith.constant 272 : index
        %get3A_649 = tpu.vector_load %arg7[%get3A_647, %get3A_648] {strides = array<i32>} : memref<32x1024xf32, #tpu.memory_space<vmem>>, vector<1x16xf32>,
        %get3A_650 = vector.shape_cast %get3A_649 : vector<1x16xf32> to vector<16xf32>
        %get3A_651 = arith.constant 272 : index
        %get3A_652 = tpu.vector_load %arg8[%get3A_651] {strides = array<i32>} : memref<1024xf32, #tpu.memory_space<vmem>>, vector<16xf32>,
        %get3A_653 = vector.shape_cast %get3A_652 : vector<16xf32> to vector<16xf32>
        %mul3A_654 = arith.mulf %get3A_650, %get3A_653 : vector<16xf32>
        %add3A_655 = arith.addf %add3A_646, %mul3A_654 : vector<16xf32>
        %get3A_656 = arith.index_cast %scan3A_490 : i32 to index
        %get3A_657 = arith.constant 288 : index
        %get3A_658 = tpu.vector_load %arg7[%get3A_656, %get3A_657] {strides = array<i32>} : memref<32x1024xf32, #tpu.memory_space<vmem>>, vector<1x16xf32>,
        %get3A_659 = vector.shape_cast %get3A_658 : vector<1x16xf32> to vector<16xf32>
        %get3A_660 = arith.constant 288 : index
        %get3A_661 = tpu.vector_load %arg8[%get3A_660] {strides = array<i32>} : memref<1024xf32, #tpu.memory_space<vmem>>, vector<16xf32>,
        %get3A_662 = vector.shape_cast %get3A_661 : vector<16xf32> to vector<16xf32>
        %mul3A_663 = arith.mulf %get3A_659, %get3A_662 : vector<16xf32>
        %add3A_664 = arith.addf %add3A_655, %mul3A_663 : vector<16xf32>
        %get3A_665 = arith.index_cast %scan3A_490 : i32 to index
        %get3A_666 = arith.constant 304 : index
        %get3A_667 = tpu.vector_load %arg7[%get3A_665, %get3A_666] {strides = array<i32>} : memref<32x1024xf32, #tpu.memory_space<vmem>>, vector<1x16xf32>,
        %get3A_668 = vector.shape_cast %get3A_667 : vector<1x16xf32> to vector<16xf32>
        %get3A_669 = arith.constant 304 : index
        %get3A_670 = tpu.vector_load %arg8[%get3A_669] {strides = array<i32>} : memref<1024xf32, #tpu.memory_space<vmem>>, vector<16xf32>,
        %get3A_671 = vector.shape_cast %get3A_670 : vector<16xf32> to vector<16xf32>
        %mul3A_672 = arith.mulf %get3A_668, %get3A_671 : vector<16xf32>
        %add3A_673 = arith.addf %add3A_664, %mul3A_672 : vector<16xf32>
        %get3A_674 = arith.index_cast %scan3A_490 : i32 to index
        %get3A_675 = arith.constant 320 : index
        %get3A_676 = tpu.vector_load %arg7[%get3A_674, %get3A_675] {strides = array<i32>} : memref<32x1024xf32, #tpu.memory_space<vmem>>, vector<1x16xf32>,
        %get3A_677 = vector.shape_cast %get3A_676 : vector<1x16xf32> to vector<16xf32>
        %get3A_678 = arith.constant 320 : index
        %get3A_679 = tpu.vector_load %arg8[%get3A_678] {strides = array<i32>} : memref<1024xf32, #tpu.memory_space<vmem>>, vector<16xf32>,
        %get3A_680 = vector.shape_cast %get3A_679 : vector<16xf32> to vector<16xf32>
        %mul3A_681 = arith.mulf %get3A_677, %get3A_680 : vector<16xf32>
        %add3A_682 = arith.addf %add3A_673, %mul3A_681 : vector<16xf32>
        %get3A_683 = arith.index_cast %scan3A_490 : i32 to index
        %get3A_684 = arith.constant 336 : index
        %get3A_685 = tpu.vector_load %arg7[%get3A_683, %get3A_684] {strides = array<i32>} : memref<32x1024xf32, #tpu.memory_space<vmem>>, vector<1x16xf32>,
        %get3A_686 = vector.shape_cast %get3A_685 : vector<1x16xf32> to vector<16xf32>
        %get3A_687 = arith.constant 336 : index
        %get3A_688 = tpu.vector_load %arg8[%get3A_687] {strides = array<i32>} : memref<1024xf32, #tpu.memory_space<vmem>>, vector<16xf32>,
        %get3A_689 = vector.shape_cast %get3A_688 : vector<16xf32> to vector<16xf32>
        %mul3A_690 = arith.mulf %get3A_686, %get3A_689 : vector<16xf32>
        %add3A_691 = arith.addf %add3A_682, %mul3A_690 : vector<16xf32>
        %get3A_692 = arith.index_cast %scan3A_490 : i32 to index
        %get3A_693 = arith.constant 352 : index
        %get3A_694 = tpu.vector_load %arg7[%get3A_692, %get3A_693] {strides = array<i32>} : memref<32x1024xf32, #tpu.memory_space<vmem>>, vector<1x16xf32>,
        %get3A_695 = vector.shape_cast %get3A_694 : vector<1x16xf32> to vector<16xf32>
        %get3A_696 = arith.constant 352 : index
        %get3A_697 = tpu.vector_load %arg8[%get3A_696] {strides = array<i32>} : memref<1024xf32, #tpu.memory_space<vmem>>, vector<16xf32>,
        %get3A_698 = vector.shape_cast %get3A_697 : vector<16xf32> to vector<16xf32>
        %mul3A_699 = arith.mulf %get3A_695, %get3A_698 : vector<16xf32>
        %add3A_700 = arith.addf %add3A_691, %mul3A_699 : vector<16xf32>
        %get3A_701 = arith.index_cast %scan3A_490 : i32 to index
        %get3A_702 = arith.constant 368 : index
        %get3A_703 = tpu.vector_load %arg7[%get3A_701, %get3A_702] {strides = array<i32>} : memref<32x1024xf32, #tpu.memory_space<vmem>>, vector<1x16xf32>,
        %get3A_704 = vector.shape_cast %get3A_703 : vector<1x16xf32> to vector<16xf32>
        %get3A_705 = arith.constant 368 : index
        %get3A_706 = tpu.vector_load %arg8[%get3A_705] {strides = array<i32>} : memref<1024xf32, #tpu.memory_space<vmem>>, vector<16xf32>,
        %get3A_707 = vector.shape_cast %get3A_706 : vector<16xf32> to vector<16xf32>
        %mul3A_708 = arith.mulf %get3A_704, %get3A_707 : vector<16xf32>
        %add3A_709 = arith.addf %add3A_700, %mul3A_708 : vector<16xf32>
        %get3A_710 = arith.index_cast %scan3A_490 : i32 to index
        %get3A_711 = arith.constant 384 : index
        %get3A_712 = tpu.vector_load %arg7[%get3A_710, %get3A_711] {strides = array<i32>} : memref<32x1024xf32, #tpu.memory_space<vmem>>, vector<1x16xf32>,
        %get3A_713 = vector.shape_cast %get3A_712 : vector<1x16xf32> to vector<16xf32>
        %get3A_714 = arith.constant 384 : index
        %get3A_715 = tpu.vector_load %arg8[%get3A_714] {strides = array<i32>} : memref<1024xf32, #tpu.memory_space<vmem>>, vector<16xf32>,
        %get3A_716 = vector.shape_cast %get3A_715 : vector<16xf32> to vector<16xf32>
        %mul3A_717 = arith.mulf %get3A_713, %get3A_716 : vector<16xf32>
        %add3A_718 = arith.addf %add3A_709, %mul3A_717 : vector<16xf32>
        %get3A_719 = arith.index_cast %scan3A_490 : i32 to index
        %get3A_720 = arith.constant 400 : index
        %get3A_721 = tpu.vector_load %arg7[%get3A_719, %get3A_720] {strides = array<i32>} : memref<32x1024xf32, #tpu.memory_space<vmem>>, vector<1x16xf32>,
        %get3A_722 = vector.shape_cast %get3A_721 : vector<1x16xf32> to vector<16xf32>
        %get3A_723 = arith.constant 400 : index
        %get3A_724 = tpu.vector_load %arg8[%get3A_723] {strides = array<i32>} : memref<1024xf32, #tpu.memory_space<vmem>>, vector<16xf32>,
        %get3A_725 = vector.shape_cast %get3A_724 : vector<16xf32> to vector<16xf32>
        %mul3A_726 = arith.mulf %get3A_722, %get3A_725 : vector<16xf32>
        %add3A_727 = arith.addf %add3A_718, %mul3A_726 : vector<16xf32>
        %get3A_728 = arith.index_cast %scan3A_490 : i32 to index
        %get3A_729 = arith.constant 416 : index
        %get3A_730 = tpu.vector_load %arg7[%get3A_728, %get3A_729] {strides = array<i32>} : memref<32x1024xf32, #tpu.memory_space<vmem>>, vector<1x16xf32>,
        %get3A_731 = vector.shape_cast %get3A_730 : vector<1x16xf32> to vector<16xf32>
        %get3A_732 = arith.constant 416 : index
        %get3A_733 = tpu.vector_load %arg8[%get3A_732] {strides = array<i32>} : memref<1024xf32, #tpu.memory_space<vmem>>, vector<16xf32>,
        %get3A_734 = vector.shape_cast %get3A_733 : vector<16xf32> to vector<16xf32>
        %mul3A_735 = arith.mulf %get3A_731, %get3A_734 : vector<16xf32>
        %add3A_736 = arith.addf %add3A_727, %mul3A_735 : vector<16xf32>
        %get3A_737 = arith.index_cast %scan3A_490 : i32 to index
        %get3A_738 = arith.constant 432 : index
        %get3A_739 = tpu.vector_load %arg7[%get3A_737, %get3A_738] {strides = array<i32>} : memref<32x1024xf32, #tpu.memory_space<vmem>>, vector<1x16xf32>,
        %get3A_740 = vector.shape_cast %get3A_739 : vector<1x16xf32> to vector<16xf32>
        %get3A_741 = arith.constant 432 : index
        %get3A_742 = tpu.vector_load %arg8[%get3A_741] {strides = array<i32>} : memref<1024xf32, #tpu.memory_space<vmem>>, vector<16xf32>,
        %get3A_743 = vector.shape_cast %get3A_742 : vector<16xf32> to vector<16xf32>
        %mul3A_744 = arith.mulf %get3A_740, %get3A_743 : vector<16xf32>
        %add3A_745 = arith.addf %add3A_736, %mul3A_744 : vector<16xf32>
        %get3A_746 = arith.index_cast %scan3A_490 : i32 to index
        %get3A_747 = arith.constant 448 : index
        %get3A_748 = tpu.vector_load %arg7[%get3A_746, %get3A_747] {strides = array<i32>} : memref<32x1024xf32, #tpu.memory_space<vmem>>, vector<1x16xf32>,
        %get3A_749 = vector.shape_cast %get3A_748 : vector<1x16xf32> to vector<16xf32>
        %get3A_750 = arith.constant 448 : index
        %get3A_751 = tpu.vector_load %arg8[%get3A_750] {strides = array<i32>} : memref<1024xf32, #tpu.memory_space<vmem>>, vector<16xf32>,
        %get3A_752 = vector.shape_cast %get3A_751 : vector<16xf32> to vector<16xf32>
        %mul3A_753 = arith.mulf %get3A_749, %get3A_752 : vector<16xf32>
        %add3A_754 = arith.addf %add3A_745, %mul3A_753 : vector<16xf32>
        %get3A_755 = arith.index_cast %scan3A_490 : i32 to index
        %get3A_756 = arith.constant 464 : index
        %get3A_757 = tpu.vector_load %arg7[%get3A_755, %get3A_756] {strides = array<i32>} : memref<32x1024xf32, #tpu.memory_space<vmem>>, vector<1x16xf32>,
        %get3A_758 = vector.shape_cast %get3A_757 : vector<1x16xf32> to vector<16xf32>
        %get3A_759 = arith.constant 464 : index
        %get3A_760 = tpu.vector_load %arg8[%get3A_759] {strides = array<i32>} : memref<1024xf32, #tpu.memory_space<vmem>>, vector<16xf32>,
        %get3A_761 = vector.shape_cast %get3A_760 : vector<16xf32> to vector<16xf32>
        %mul3A_762 = arith.mulf %get3A_758, %get3A_761 : vector<16xf32>
        %add3A_763 = arith.addf %add3A_754, %mul3A_762 : vector<16xf32>
        %get3A_764 = arith.index_cast %scan3A_490 : i32 to index
        %get3A_765 = arith.constant 480 : index
        %get3A_766 = tpu.vector_load %arg7[%get3A_764, %get3A_765] {strides = array<i32>} : memref<32x1024xf32, #tpu.memory_space<vmem>>, vector<1x16xf32>,
        %get3A_767 = vector.shape_cast %get3A_766 : vector<1x16xf32> to vector<16xf32>
        %get3A_768 = arith.constant 480 : index
        %get3A_769 = tpu.vector_load %arg8[%get3A_768] {strides = array<i32>} : memref<1024xf32, #tpu.memory_space<vmem>>, vector<16xf32>,
        %get3A_770 = vector.shape_cast %get3A_769 : vector<16xf32> to vector<16xf32>
        %mul3A_771 = arith.mulf %get3A_767, %get3A_770 : vector<16xf32>
        %add3A_772 = arith.addf %add3A_763, %mul3A_771 : vector<16xf32>
        %get3A_773 = arith.index_cast %scan3A_490 : i32 to index
        %get3A_774 = arith.constant 496 : index
        %get3A_775 = tpu.vector_load %arg7[%get3A_773, %get3A_774] {strides = array<i32>} : memref<32x1024xf32, #tpu.memory_space<vmem>>, vector<1x16xf32>,
        %get3A_776 = vector.shape_cast %get3A_775 : vector<1x16xf32> to vector<16xf32>
        %get3A_777 = arith.constant 496 : index
        %get3A_778 = tpu.vector_load %arg8[%get3A_777] {strides = array<i32>} : memref<1024xf32, #tpu.memory_space<vmem>>, vector<16xf32>,
        %get3A_779 = vector.shape_cast %get3A_778 : vector<16xf32> to vector<16xf32>
        %mul3A_780 = arith.mulf %get3A_776, %get3A_779 : vector<16xf32>
        %add3A_781 = arith.addf %add3A_772, %mul3A_780 : vector<16xf32>
        %get3A_782 = arith.index_cast %scan3A_490 : i32 to index
        %get3A_783 = arith.constant 512 : index
        %get3A_784 = tpu.vector_load %arg7[%get3A_782, %get3A_783] {strides = array<i32>} : memref<32x1024xf32, #tpu.memory_space<vmem>>, vector<1x16xf32>,
        %get3A_785 = vector.shape_cast %get3A_784 : vector<1x16xf32> to vector<16xf32>
        %get3A_786 = arith.constant 512 : index
        %get3A_787 = tpu.vector_load %arg8[%get3A_786] {strides = array<i32>} : memref<1024xf32, #tpu.memory_space<vmem>>, vector<16xf32>,
        %get3A_788 = vector.shape_cast %get3A_787 : vector<16xf32> to vector<16xf32>
        %mul3A_789 = arith.mulf %get3A_785, %get3A_788 : vector<16xf32>
        %add3A_790 = arith.addf %add3A_781, %mul3A_789 : vector<16xf32>
        %get3A_791 = arith.index_cast %scan3A_490 : i32 to index
        %get3A_792 = arith.constant 528 : index
        %get3A_793 = tpu.vector_load %arg7[%get3A_791, %get3A_792] {strides = array<i32>} : memref<32x1024xf32, #tpu.memory_space<vmem>>, vector<1x16xf32>,
        %get3A_794 = vector.shape_cast %get3A_793 : vector<1x16xf32> to vector<16xf32>
        %get3A_795 = arith.constant 528 : index
        %get3A_796 = tpu.vector_load %arg8[%get3A_795] {strides = array<i32>} : memref<1024xf32, #tpu.memory_space<vmem>>, vector<16xf32>,
        %get3A_797 = vector.shape_cast %get3A_796 : vector<16xf32> to vector<16xf32>
        %mul3A_798 = arith.mulf %get3A_794, %get3A_797 : vector<16xf32>
        %add3A_799 = arith.addf %add3A_790, %mul3A_798 : vector<16xf32>
        %get3A_800 = arith.index_cast %scan3A_490 : i32 to index
        %get3A_801 = arith.constant 544 : index
        %get3A_802 = tpu.vector_load %arg7[%get3A_800, %get3A_801] {strides = array<i32>} : memref<32x1024xf32, #tpu.memory_space<vmem>>, vector<1x16xf32>,
        %get3A_803 = vector.shape_cast %get3A_802 : vector<1x16xf32> to vector<16xf32>
        %get3A_804 = arith.constant 544 : index
        %get3A_805 = tpu.vector_load %arg8[%get3A_804] {strides = array<i32>} : memref<1024xf32, #tpu.memory_space<vmem>>, vector<16xf32>,
        %get3A_806 = vector.shape_cast %get3A_805 : vector<16xf32> to vector<16xf32>
        %mul3A_807 = arith.mulf %get3A_803, %get3A_806 : vector<16xf32>
        %add3A_808 = arith.addf %add3A_799, %mul3A_807 : vector<16xf32>
        %get3A_809 = arith.index_cast %scan3A_490 : i32 to index
        %get3A_810 = arith.constant 560 : index
        %get3A_811 = tpu.vector_load %arg7[%get3A_809, %get3A_810] {strides = array<i32>} : memref<32x1024xf32, #tpu.memory_space<vmem>>, vector<1x16xf32>,
        %get3A_812 = vector.shape_cast %get3A_811 : vector<1x16xf32> to vector<16xf32>
        %get3A_813 = arith.constant 560 : index
        %get3A_814 = tpu.vector_load %arg8[%get3A_813] {strides = array<i32>} : memref<1024xf32, #tpu.memory_space<vmem>>, vector<16xf32>,
        %get3A_815 = vector.shape_cast %get3A_814 : vector<16xf32> to vector<16xf32>
        %mul3A_816 = arith.mulf %get3A_812, %get3A_815 : vector<16xf32>
        %add3A_817 = arith.addf %add3A_808, %mul3A_816 : vector<16xf32>
        %get3A_818 = arith.index_cast %scan3A_490 : i32 to index
        %get3A_819 = arith.constant 576 : index
        %get3A_820 = tpu.vector_load %arg7[%get3A_818, %get3A_819] {strides = array<i32>} : memref<32x1024xf32, #tpu.memory_space<vmem>>, vector<1x16xf32>,
        %get3A_821 = vector.shape_cast %get3A_820 : vector<1x16xf32> to vector<16xf32>
        %get3A_822 = arith.constant 576 : index
        %get3A_823 = tpu.vector_load %arg8[%get3A_822] {strides = array<i32>} : memref<1024xf32, #tpu.memory_space<vmem>>, vector<16xf32>,
        %get3A_824 = vector.shape_cast %get3A_823 : vector<16xf32> to vector<16xf32>
        %mul3A_825 = arith.mulf %get3A_821, %get3A_824 : vector<16xf32>
        %add3A_826 = arith.addf %add3A_817, %mul3A_825 : vector<16xf32>
        %get3A_827 = arith.index_cast %scan3A_490 : i32 to index
        %get3A_828 = arith.constant 592 : index
        %get3A_829 = tpu.vector_load %arg7[%get3A_827, %get3A_828] {strides = array<i32>} : memref<32x1024xf32, #tpu.memory_space<vmem>>, vector<1x16xf32>,
        %get3A_830 = vector.shape_cast %get3A_829 : vector<1x16xf32> to vector<16xf32>
        %get3A_831 = arith.constant 592 : index
        %get3A_832 = tpu.vector_load %arg8[%get3A_831] {strides = array<i32>} : memref<1024xf32, #tpu.memory_space<vmem>>, vector<16xf32>,
        %get3A_833 = vector.shape_cast %get3A_832 : vector<16xf32> to vector<16xf32>
        %mul3A_834 = arith.mulf %get3A_830, %get3A_833 : vector<16xf32>
        %add3A_835 = arith.addf %add3A_826, %mul3A_834 : vector<16xf32>
        %get3A_836 = arith.index_cast %scan3A_490 : i32 to index
        %get3A_837 = arith.constant 608 : index
        %get3A_838 = tpu.vector_load %arg7[%get3A_836, %get3A_837] {strides = array<i32>} : memref<32x1024xf32, #tpu.memory_space<vmem>>, vector<1x16xf32>,
        %get3A_839 = vector.shape_cast %get3A_838 : vector<1x16xf32> to vector<16xf32>
        %get3A_840 = arith.constant 608 : index
        %get3A_841 = tpu.vector_load %arg8[%get3A_840] {strides = array<i32>} : memref<1024xf32, #tpu.memory_space<vmem>>, vector<16xf32>,
        %get3A_842 = vector.shape_cast %get3A_841 : vector<16xf32> to vector<16xf32>
        %mul3A_843 = arith.mulf %get3A_839, %get3A_842 : vector<16xf32>
        %add3A_844 = arith.addf %add3A_835, %mul3A_843 : vector<16xf32>
        %get3A_845 = arith.index_cast %scan3A_490 : i32 to index
        %get3A_846 = arith.constant 624 : index
        %get3A_847 = tpu.vector_load %arg7[%get3A_845, %get3A_846] {strides = array<i32>} : memref<32x1024xf32, #tpu.memory_space<vmem>>, vector<1x16xf32>,
        %get3A_848 = vector.shape_cast %get3A_847 : vector<1x16xf32> to vector<16xf32>
        %get3A_849 = arith.constant 624 : index
        %get3A_850 = tpu.vector_load %arg8[%get3A_849] {strides = array<i32>} : memref<1024xf32, #tpu.memory_space<vmem>>, vector<16xf32>,
        %get3A_851 = vector.shape_cast %get3A_850 : vector<16xf32> to vector<16xf32>
        %mul3A_852 = arith.mulf %get3A_848, %get3A_851 : vector<16xf32>
        %add3A_853 = arith.addf %add3A_844, %mul3A_852 : vector<16xf32>
        %get3A_854 = arith.index_cast %scan3A_490 : i32 to index
        %get3A_855 = arith.constant 640 : index
        %get3A_856 = tpu.vector_load %arg7[%get3A_854, %get3A_855] {strides = array<i32>} : memref<32x1024xf32, #tpu.memory_space<vmem>>, vector<1x16xf32>,
        %get3A_857 = vector.shape_cast %get3A_856 : vector<1x16xf32> to vector<16xf32>
        %get3A_858 = arith.constant 640 : index
        %get3A_859 = tpu.vector_load %arg8[%get3A_858] {strides = array<i32>} : memref<1024xf32, #tpu.memory_space<vmem>>, vector<16xf32>,
        %get3A_860 = vector.shape_cast %get3A_859 : vector<16xf32> to vector<16xf32>
        %mul3A_861 = arith.mulf %get3A_857, %get3A_860 : vector<16xf32>
        %add3A_862 = arith.addf %add3A_853, %mul3A_861 : vector<16xf32>
        %get3A_863 = arith.index_cast %scan3A_490 : i32 to index
        %get3A_864 = arith.constant 656 : index
        %get3A_865 = tpu.vector_load %arg7[%get3A_863, %get3A_864] {strides = array<i32>} : memref<32x1024xf32, #tpu.memory_space<vmem>>, vector<1x16xf32>,
        %get3A_866 = vector.shape_cast %get3A_865 : vector<1x16xf32> to vector<16xf32>
        %get3A_867 = arith.constant 656 : index
        %get3A_868 = tpu.vector_load %arg8[%get3A_867] {strides = array<i32>} : memref<1024xf32, #tpu.memory_space<vmem>>, vector<16xf32>,
        %get3A_869 = vector.shape_cast %get3A_868 : vector<16xf32> to vector<16xf32>
        %mul3A_870 = arith.mulf %get3A_866, %get3A_869 : vector<16xf32>
        %add3A_871 = arith.addf %add3A_862, %mul3A_870 : vector<16xf32>
        %get3A_872 = arith.index_cast %scan3A_490 : i32 to index
        %get3A_873 = arith.constant 672 : index
        %get3A_874 = tpu.vector_load %arg7[%get3A_872, %get3A_873] {strides = array<i32>} : memref<32x1024xf32, #tpu.memory_space<vmem>>, vector<1x16xf32>,
        %get3A_875 = vector.shape_cast %get3A_874 : vector<1x16xf32> to vector<16xf32>
        %get3A_876 = arith.constant 672 : index
        %get3A_877 = tpu.vector_load %arg8[%get3A_876] {strides = array<i32>} : memref<1024xf32, #tpu.memory_space<vmem>>, vector<16xf32>,
        %get3A_878 = vector.shape_cast %get3A_877 : vector<16xf32> to vector<16xf32>
        %mul3A_879 = arith.mulf %get3A_875, %get3A_878 : vector<16xf32>
        %add3A_880 = arith.addf %add3A_871, %mul3A_879 : vector<16xf32>
        %get3A_881 = arith.index_cast %scan3A_490 : i32 to index
        %get3A_882 = arith.constant 688 : index
        %get3A_883 = tpu.vector_load %arg7[%get3A_881, %get3A_882] {strides = array<i32>} : memref<32x1024xf32, #tpu.memory_space<vmem>>, vector<1x16xf32>,
        %get3A_884 = vector.shape_cast %get3A_883 : vector<1x16xf32> to vector<16xf32>
        %get3A_885 = arith.constant 688 : index
        %get3A_886 = tpu.vector_load %arg8[%get3A_885] {strides = array<i32>} : memref<1024xf32, #tpu.memory_space<vmem>>, vector<16xf32>,
        %get3A_887 = vector.shape_cast %get3A_886 : vector<16xf32> to vector<16xf32>
        %mul3A_888 = arith.mulf %get3A_884, %get3A_887 : vector<16xf32>
        %add3A_889 = arith.addf %add3A_880, %mul3A_888 : vector<16xf32>
        %get3A_890 = arith.index_cast %scan3A_490 : i32 to index
        %get3A_891 = arith.constant 704 : index
        %get3A_892 = tpu.vector_load %arg7[%get3A_890, %get3A_891] {strides = array<i32>} : memref<32x1024xf32, #tpu.memory_space<vmem>>, vector<1x16xf32>,
        %get3A_893 = vector.shape_cast %get3A_892 : vector<1x16xf32> to vector<16xf32>
        %get3A_894 = arith.constant 704 : index
        %get3A_895 = tpu.vector_load %arg8[%get3A_894] {strides = array<i32>} : memref<1024xf32, #tpu.memory_space<vmem>>, vector<16xf32>,
        %get3A_896 = vector.shape_cast %get3A_895 : vector<16xf32> to vector<16xf32>
        %mul3A_897 = arith.mulf %get3A_893, %get3A_896 : vector<16xf32>
        %add3A_898 = arith.addf %add3A_889, %mul3A_897 : vector<16xf32>
        %get3A_899 = arith.index_cast %scan3A_490 : i32 to index
        %get3A_900 = arith.constant 720 : index
        %get3A_901 = tpu.vector_load %arg7[%get3A_899, %get3A_900] {strides = array<i32>} : memref<32x1024xf32, #tpu.memory_space<vmem>>, vector<1x16xf32>,
        %get3A_902 = vector.shape_cast %get3A_901 : vector<1x16xf32> to vector<16xf32>
        %get3A_903 = arith.constant 720 : index
        %get3A_904 = tpu.vector_load %arg8[%get3A_903] {strides = array<i32>} : memref<1024xf32, #tpu.memory_space<vmem>>, vector<16xf32>,
        %get3A_905 = vector.shape_cast %get3A_904 : vector<16xf32> to vector<16xf32>
        %mul3A_906 = arith.mulf %get3A_902, %get3A_905 : vector<16xf32>
        %add3A_907 = arith.addf %add3A_898, %mul3A_906 : vector<16xf32>
        %get3A_908 = arith.index_cast %scan3A_490 : i32 to index
        %get3A_909 = arith.constant 736 : index
        %get3A_910 = tpu.vector_load %arg7[%get3A_908, %get3A_909] {strides = array<i32>} : memref<32x1024xf32, #tpu.memory_space<vmem>>, vector<1x16xf32>,
        %get3A_911 = vector.shape_cast %get3A_910 : vector<1x16xf32> to vector<16xf32>
        %get3A_912 = arith.constant 736 : index
        %get3A_913 = tpu.vector_load %arg8[%get3A_912] {strides = array<i32>} : memref<1024xf32, #tpu.memory_space<vmem>>, vector<16xf32>,
        %get3A_914 = vector.shape_cast %get3A_913 : vector<16xf32> to vector<16xf32>
        %mul3A_915 = arith.mulf %get3A_911, %get3A_914 : vector<16xf32>
        %add3A_916 = arith.addf %add3A_907, %mul3A_915 : vector<16xf32>
        %get3A_917 = arith.index_cast %scan3A_490 : i32 to index
        %get3A_918 = arith.constant 752 : index
        %get3A_919 = tpu.vector_load %arg7[%get3A_917, %get3A_918] {strides = array<i32>} : memref<32x1024xf32, #tpu.memory_space<vmem>>, vector<1x16xf32>,
        %get3A_920 = vector.shape_cast %get3A_919 : vector<1x16xf32> to vector<16xf32>
        %get3A_921 = arith.constant 752 : index
        %get3A_922 = tpu.vector_load %arg8[%get3A_921] {strides = array<i32>} : memref<1024xf32, #tpu.memory_space<vmem>>, vector<16xf32>,
        %get3A_923 = vector.shape_cast %get3A_922 : vector<16xf32> to vector<16xf32>
        %mul3A_924 = arith.mulf %get3A_920, %get3A_923 : vector<16xf32>
        %add3A_925 = arith.addf %add3A_916, %mul3A_924 : vector<16xf32>
        %get3A_926 = arith.index_cast %scan3A_490 : i32 to index
        %get3A_927 = arith.constant 768 : index
        %get3A_928 = tpu.vector_load %arg7[%get3A_926, %get3A_927] {strides = array<i32>} : memref<32x1024xf32, #tpu.memory_space<vmem>>, vector<1x16xf32>,
        %get3A_929 = vector.shape_cast %get3A_928 : vector<1x16xf32> to vector<16xf32>
        %get3A_930 = arith.constant 768 : index
        %get3A_931 = tpu.vector_load %arg8[%get3A_930] {strides = array<i32>} : memref<1024xf32, #tpu.memory_space<vmem>>, vector<16xf32>,
        %get3A_932 = vector.shape_cast %get3A_931 : vector<16xf32> to vector<16xf32>
        %mul3A_933 = arith.mulf %get3A_929, %get3A_932 : vector<16xf32>
        %add3A_934 = arith.addf %add3A_925, %mul3A_933 : vector<16xf32>
        %get3A_935 = arith.index_cast %scan3A_490 : i32 to index
        %get3A_936 = arith.constant 784 : index
        %get3A_937 = tpu.vector_load %arg7[%get3A_935, %get3A_936] {strides = array<i32>} : memref<32x1024xf32, #tpu.memory_space<vmem>>, vector<1x16xf32>,
        %get3A_938 = vector.shape_cast %get3A_937 : vector<1x16xf32> to vector<16xf32>
        %get3A_939 = arith.constant 784 : index
        %get3A_940 = tpu.vector_load %arg8[%get3A_939] {strides = array<i32>} : memref<1024xf32, #tpu.memory_space<vmem>>, vector<16xf32>,
        %get3A_941 = vector.shape_cast %get3A_940 : vector<16xf32> to vector<16xf32>
        %mul3A_942 = arith.mulf %get3A_938, %get3A_941 : vector<16xf32>
        %add3A_943 = arith.addf %add3A_934, %mul3A_942 : vector<16xf32>
        %get3A_944 = arith.index_cast %scan3A_490 : i32 to index
        %get3A_945 = arith.constant 800 : index
        %get3A_946 = tpu.vector_load %arg7[%get3A_944, %get3A_945] {strides = array<i32>} : memref<32x1024xf32, #tpu.memory_space<vmem>>, vector<1x16xf32>,
        %get3A_947 = vector.shape_cast %get3A_946 : vector<1x16xf32> to vector<16xf32>
        %get3A_948 = arith.constant 800 : index
        %get3A_949 = tpu.vector_load %arg8[%get3A_948] {strides = array<i32>} : memref<1024xf32, #tpu.memory_space<vmem>>, vector<16xf32>,
        %get3A_950 = vector.shape_cast %get3A_949 : vector<16xf32> to vector<16xf32>
        %mul3A_951 = arith.mulf %get3A_947, %get3A_950 : vector<16xf32>
        %add3A_952 = arith.addf %add3A_943, %mul3A_951 : vector<16xf32>
        %get3A_953 = arith.index_cast %scan3A_490 : i32 to index
        %get3A_954 = arith.constant 816 : index
        %get3A_955 = tpu.vector_load %arg7[%get3A_953, %get3A_954] {strides = array<i32>} : memref<32x1024xf32, #tpu.memory_space<vmem>>, vector<1x16xf32>,
        %get3A_956 = vector.shape_cast %get3A_955 : vector<1x16xf32> to vector<16xf32>
        %get3A_957 = arith.constant 816 : index
        %get3A_958 = tpu.vector_load %arg8[%get3A_957] {strides = array<i32>} : memref<1024xf32, #tpu.memory_space<vmem>>, vector<16xf32>,
        %get3A_959 = vector.shape_cast %get3A_958 : vector<16xf32> to vector<16xf32>
        %mul3A_960 = arith.mulf %get3A_956, %get3A_959 : vector<16xf32>
        %add3A_961 = arith.addf %add3A_952, %mul3A_960 : vector<16xf32>
        %get3A_962 = arith.index_cast %scan3A_490 : i32 to index
        %get3A_963 = arith.constant 832 : index
        %get3A_964 = tpu.vector_load %arg7[%get3A_962, %get3A_963] {strides = array<i32>} : memref<32x1024xf32, #tpu.memory_space<vmem>>, vector<1x16xf32>,
        %get3A_965 = vector.shape_cast %get3A_964 : vector<1x16xf32> to vector<16xf32>
        %get3A_966 = arith.constant 832 : index
        %get3A_967 = tpu.vector_load %arg8[%get3A_966] {strides = array<i32>} : memref<1024xf32, #tpu.memory_space<vmem>>, vector<16xf32>,
        %get3A_968 = vector.shape_cast %get3A_967 : vector<16xf32> to vector<16xf32>
        %mul3A_969 = arith.mulf %get3A_965, %get3A_968 : vector<16xf32>
        %add3A_970 = arith.addf %add3A_961, %mul3A_969 : vector<16xf32>
        %get3A_971 = arith.index_cast %scan3A_490 : i32 to index
        %get3A_972 = arith.constant 848 : index
        %get3A_973 = tpu.vector_load %arg7[%get3A_971, %get3A_972] {strides = array<i32>} : memref<32x1024xf32, #tpu.memory_space<vmem>>, vector<1x16xf32>,
        %get3A_974 = vector.shape_cast %get3A_973 : vector<1x16xf32> to vector<16xf32>
        %get3A_975 = arith.constant 848 : index
        %get3A_976 = tpu.vector_load %arg8[%get3A_975] {strides = array<i32>} : memref<1024xf32, #tpu.memory_space<vmem>>, vector<16xf32>,
        %get3A_977 = vector.shape_cast %get3A_976 : vector<16xf32> to vector<16xf32>
        %mul3A_978 = arith.mulf %get3A_974, %get3A_977 : vector<16xf32>
        %add3A_979 = arith.addf %add3A_970, %mul3A_978 : vector<16xf32>
        %get3A_980 = arith.index_cast %scan3A_490 : i32 to index
        %get3A_981 = arith.constant 864 : index
        %get3A_982 = tpu.vector_load %arg7[%get3A_980, %get3A_981] {strides = array<i32>} : memref<32x1024xf32, #tpu.memory_space<vmem>>, vector<1x16xf32>,
        %get3A_983 = vector.shape_cast %get3A_982 : vector<1x16xf32> to vector<16xf32>
        %get3A_984 = arith.constant 864 : index
        %get3A_985 = tpu.vector_load %arg8[%get3A_984] {strides = array<i32>} : memref<1024xf32, #tpu.memory_space<vmem>>, vector<16xf32>,
        %get3A_986 = vector.shape_cast %get3A_985 : vector<16xf32> to vector<16xf32>
        %mul3A_987 = arith.mulf %get3A_983, %get3A_986 : vector<16xf32>
        %add3A_988 = arith.addf %add3A_979, %mul3A_987 : vector<16xf32>
        %get3A_989 = arith.index_cast %scan3A_490 : i32 to index
        %get3A_990 = arith.constant 880 : index
        %get3A_991 = tpu.vector_load %arg7[%get3A_989, %get3A_990] {strides = array<i32>} : memref<32x1024xf32, #tpu.memory_space<vmem>>, vector<1x16xf32>,
        %get3A_992 = vector.shape_cast %get3A_991 : vector<1x16xf32> to vector<16xf32>
        %get3A_993 = arith.constant 880 : index
        %get3A_994 = tpu.vector_load %arg8[%get3A_993] {strides = array<i32>} : memref<1024xf32, #tpu.memory_space<vmem>>, vector<16xf32>,
        %get3A_995 = vector.shape_cast %get3A_994 : vector<16xf32> to vector<16xf32>
        %mul3A_996 = arith.mulf %get3A_992, %get3A_995 : vector<16xf32>
        %add3A_997 = arith.addf %add3A_988, %mul3A_996 : vector<16xf32>
        %get3A_998 = arith.index_cast %scan3A_490 : i32 to index
        %get3A_999 = arith.constant 896 : index
        %get3A_1000 = tpu.vector_load %arg7[%get3A_998, %get3A_999] {strides = array<i32>} : memref<32x1024xf32, #tpu.memory_space<vmem>>, vector<1x16xf32>,
        %get3A_1001 = vector.shape_cast %get3A_1000 : vector<1x16xf32> to vector<16xf32>
        %get3A_1002 = arith.constant 896 : index
        %get3A_1003 = tpu.vector_load %arg8[%get3A_1002] {strides = array<i32>} : memref<1024xf32, #tpu.memory_space<vmem>>, vector<16xf32>,
        %get3A_1004 = vector.shape_cast %get3A_1003 : vector<16xf32> to vector<16xf32>
        %mul3A_1005 = arith.mulf %get3A_1001, %get3A_1004 : vector<16xf32>
        %add3A_1006 = arith.addf %add3A_997, %mul3A_1005 : vector<16xf32>
        %get3A_1007 = arith.index_cast %scan3A_490 : i32 to index
        %get3A_1008 = arith.constant 912 : index
        %get3A_1009 = tpu.vector_load %arg7[%get3A_1007, %get3A_1008] {strides = array<i32>} : memref<32x1024xf32, #tpu.memory_space<vmem>>, vector<1x16xf32>,
        %get3A_1010 = vector.shape_cast %get3A_1009 : vector<1x16xf32> to vector<16xf32>
        %get3A_1011 = arith.constant 912 : index
        %get3A_1012 = tpu.vector_load %arg8[%get3A_1011] {strides = array<i32>} : memref<1024xf32, #tpu.memory_space<vmem>>, vector<16xf32>,
        %get3A_1013 = vector.shape_cast %get3A_1012 : vector<16xf32> to vector<16xf32>
        %mul3A_1014 = arith.mulf %get3A_1010, %get3A_1013 : vector<16xf32>
        %add3A_1015 = arith.addf %add3A_1006, %mul3A_1014 : vector<16xf32>
        %get3A_1016 = arith.index_cast %scan3A_490 : i32 to index
        %get3A_1017 = arith.constant 928 : index
        %get3A_1018 = tpu.vector_load %arg7[%get3A_1016, %get3A_1017] {strides = array<i32>} : memref<32x1024xf32, #tpu.memory_space<vmem>>, vector<1x16xf32>,
        %get3A_1019 = vector.shape_cast %get3A_1018 : vector<1x16xf32> to vector<16xf32>
        %get3A_1020 = arith.constant 928 : index
        %get3A_1021 = tpu.vector_load %arg8[%get3A_1020] {strides = array<i32>} : memref<1024xf32, #tpu.memory_space<vmem>>, vector<16xf32>,
        %get3A_1022 = vector.shape_cast %get3A_1021 : vector<16xf32> to vector<16xf32>
        %mul3A_1023 = arith.mulf %get3A_1019, %get3A_1022 : vector<16xf32>
        %add3A_1024 = arith.addf %add3A_1015, %mul3A_1023 : vector<16xf32>
        %get3A_1025 = arith.index_cast %scan3A_490 : i32 to index
        %get3A_1026 = arith.constant 944 : index
        %get3A_1027 = tpu.vector_load %arg7[%get3A_1025, %get3A_1026] {strides = array<i32>} : memref<32x1024xf32, #tpu.memory_space<vmem>>, vector<1x16xf32>,
        %get3A_1028 = vector.shape_cast %get3A_1027 : vector<1x16xf32> to vector<16xf32>
        %get3A_1029 = arith.constant 944 : index
        %get3A_1030 = tpu.vector_load %arg8[%get3A_1029] {strides = array<i32>} : memref<1024xf32, #tpu.memory_space<vmem>>, vector<16xf32>,
        %get3A_1031 = vector.shape_cast %get3A_1030 : vector<16xf32> to vector<16xf32>
        %mul3A_1032 = arith.mulf %get3A_1028, %get3A_1031 : vector<16xf32>
        %add3A_1033 = arith.addf %add3A_1024, %mul3A_1032 : vector<16xf32>
        %get3A_1034 = arith.index_cast %scan3A_490 : i32 to index
        %get3A_1035 = arith.constant 960 : index
        %get3A_1036 = tpu.vector_load %arg7[%get3A_1034, %get3A_1035] {strides = array<i32>} : memref<32x1024xf32, #tpu.memory_space<vmem>>, vector<1x16xf32>,
        %get3A_1037 = vector.shape_cast %get3A_1036 : vector<1x16xf32> to vector<16xf32>
        %get3A_1038 = arith.constant 960 : index
        %get3A_1039 = tpu.vector_load %arg8[%get3A_1038] {strides = array<i32>} : memref<1024xf32, #tpu.memory_space<vmem>>, vector<16xf32>,
        %get3A_1040 = vector.shape_cast %get3A_1039 : vector<16xf32> to vector<16xf32>
        %mul3A_1041 = arith.mulf %get3A_1037, %get3A_1040 : vector<16xf32>
        %add3A_1042 = arith.addf %add3A_1033, %mul3A_1041 : vector<16xf32>
        %get3A_1043 = arith.index_cast %scan3A_490 : i32 to index
        %get3A_1044 = arith.constant 976 : index
        %get3A_1045 = tpu.vector_load %arg7[%get3A_1043, %get3A_1044] {strides = array<i32>} : memref<32x1024xf32, #tpu.memory_space<vmem>>, vector<1x16xf32>,
        %get3A_1046 = vector.shape_cast %get3A_1045 : vector<1x16xf32> to vector<16xf32>
        %get3A_1047 = arith.constant 976 : index
        %get3A_1048 = tpu.vector_load %arg8[%get3A_1047] {strides = array<i32>} : memref<1024xf32, #tpu.memory_space<vmem>>, vector<16xf32>,
        %get3A_1049 = vector.shape_cast %get3A_1048 : vector<16xf32> to vector<16xf32>
        %mul3A_1050 = arith.mulf %get3A_1046, %get3A_1049 : vector<16xf32>
        %add3A_1051 = arith.addf %add3A_1042, %mul3A_1050 : vector<16xf32>
        %get3A_1052 = arith.index_cast %scan3A_490 : i32 to index
        %get3A_1053 = arith.constant 992 : index
        %get3A_1054 = tpu.vector_load %arg7[%get3A_1052, %get3A_1053] {strides = array<i32>} : memref<32x1024xf32, #tpu.memory_space<vmem>>, vector<1x16xf32>,
        %get3A_1055 = vector.shape_cast %get3A_1054 : vector<1x16xf32> to vector<16xf32>
        %get3A_1056 = arith.constant 992 : index
        %get3A_1057 = tpu.vector_load %arg8[%get3A_1056] {strides = array<i32>} : memref<1024xf32, #tpu.memory_space<vmem>>, vector<16xf32>,
        %get3A_1058 = vector.shape_cast %get3A_1057 : vector<16xf32> to vector<16xf32>
        %mul3A_1059 = arith.mulf %get3A_1055, %get3A_1058 : vector<16xf32>
        %add3A_1060 = arith.addf %add3A_1051, %mul3A_1059 : vector<16xf32>
        %get3A_1061 = arith.index_cast %scan3A_490 : i32 to index
        %get3A_1062 = arith.constant 1008 : index
        %get3A_1063 = tpu.vector_load %arg7[%get3A_1061, %get3A_1062] {strides = array<i32>} : memref<32x1024xf32, #tpu.memory_space<vmem>>, vector<1x16xf32>,
        %get3A_1064 = vector.shape_cast %get3A_1063 : vector<1x16xf32> to vector<16xf32>
        %get3A_1065 = arith.constant 1008 : index
        %get3A_1066 = tpu.vector_load %arg8[%get3A_1065] {strides = array<i32>} : memref<1024xf32, #tpu.memory_space<vmem>>, vector<16xf32>,
        %get3A_1067 = vector.shape_cast %get3A_1066 : vector<16xf32> to vector<16xf32>
        %mul3A_1068 = arith.mulf %get3A_1064, %get3A_1067 : vector<16xf32>
        %add3A_1069 = arith.addf %add3A_1060, %mul3A_1068 : vector<16xf32>
        %iota3A_1070 = tpu.iota {dimensions = array<i32: 0>} : vector<16xi32>
        %add3A_1071 = arith.constant 8 : i32
        %add3A_1072 = vector.broadcast %add3A_1071 : i32 to vector<16xi32>
        %add3A_1073 = arith.addi %iota3A_1070, %add3A_1072 : vector<16xi32>
        %and3A_1074 = arith.constant 15 : i32
        %and3A_1075 = vector.broadcast %and3A_1074 : i32 to vector<16xi32>
        %and3A_1076 = arith.andi %add3A_1073, %and3A_1075 : vector<16xi32>
        %lt3A_1077 = arith.constant 0 : i32
        %lt3A_1078 = vector.broadcast %lt3A_1077 : i32 to vector<16xi32>
        %lt3A_1079 = arith.cmpi slt, %and3A_1076, %lt3A_1078 : vector<16xi32>
        %add3A_1080 = arith.constant 16 : i32
        %add3A_1081 = vector.broadcast %add3A_1080 : i32 to vector<16xi32>
        %add3A_1082 = arith.addi %and3A_1076, %add3A_1081 : vector<16xi32>
        %select_n3A_1083 = arith.select %lt3A_1079, %add3A_1082, %and3A_1076 : vector<16xi1>, vector<16xi32>
        %broadcast_in_dim3A_1084 = vector.shape_cast %select_n3A_1083 : vector<16xi32> to vector<16x1xi32>
        %gather3A_1085 = vector.shape_cast %broadcast_in_dim3A_1084 : vector<16x1xi32> to vector<16xi32>
        %gather3A_1086 = tpu.dynamic_gather %add3A_1069[%gather3A_1085] in [0] : vector<16xf32>, vector<16xi32> -> vector<16xf32>
        %add3A_1087 = arith.addf %add3A_1069, %gather3A_1086 : vector<16xf32>
        %iota3A_1088 = tpu.iota {dimensions = array<i32: 0>} : vector<16xi32>
        %add3A_1089 = arith.constant 4 : i32
        %add3A_1090 = vector.broadcast %add3A_1089 : i32 to vector<16xi32>
        %add3A_1091 = arith.addi %iota3A_1088, %add3A_1090 : vector<16xi32>
        %and3A_1092 = arith.constant 15 : i32
        %and3A_1093 = vector.broadcast %and3A_1092 : i32 to vector<16xi32>
        %and3A_1094 = arith.andi %add3A_1091, %and3A_1093 : vector<16xi32>
        %lt3A_1095 = arith.constant 0 : i32
        %lt3A_1096 = vector.broadcast %lt3A_1095 : i32 to vector<16xi32>
        %lt3A_1097 = arith.cmpi slt, %and3A_1094, %lt3A_1096 : vector<16xi32>
        %add3A_1098 = arith.constant 16 : i32
        %add3A_1099 = vector.broadcast %add3A_1098 : i32 to vector<16xi32>
        %add3A_1100 = arith.addi %and3A_1094, %add3A_1099 : vector<16xi32>
        %select_n3A_1101 = arith.select %lt3A_1097, %add3A_1100, %and3A_1094 : vector<16xi1>, vector<16xi32>
        %broadcast_in_dim3A_1102 = vector.shape_cast %select_n3A_1101 : vector<16xi32> to vector<16x1xi32>
        %gather3A_1103 = vector.shape_cast %broadcast_in_dim3A_1102 : vector<16x1xi32> to vector<16xi32>
        %gather3A_1104 = tpu.dynamic_gather %add3A_1087[%gather3A_1103] in [0] : vector<16xf32>, vector<16xi32> -> vector<16xf32>
        %add3A_1105 = arith.addf %add3A_1087, %gather3A_1104 : vector<16xf32>
        %iota3A_1106 = tpu.iota {dimensions = array<i32: 0>} : vector<16xi32>
        %add3A_1107 = arith.constant 2 : i32
        %add3A_1108 = vector.broadcast %add3A_1107 : i32 to vector<16xi32>
        %add3A_1109 = arith.addi %iota3A_1106, %add3A_1108 : vector<16xi32>
        %and3A_1110 = arith.constant 15 : i32
        %and3A_1111 = vector.broadcast %and3A_1110 : i32 to vector<16xi32>
        %and3A_1112 = arith.andi %add3A_1109, %and3A_1111 : vector<16xi32>
        %lt3A_1113 = arith.constant 0 : i32
        %lt3A_1114 = vector.broadcast %lt3A_1113 : i32 to vector<16xi32>
        %lt3A_1115 = arith.cmpi slt, %and3A_1112, %lt3A_1114 : vector<16xi32>
        %add3A_1116 = arith.constant 16 : i32
        %add3A_1117 = vector.broadcast %add3A_1116 : i32 to vector<16xi32>
        %add3A_1118 = arith.addi %and3A_1112, %add3A_1117 : vector<16xi32>
        %select_n3A_1119 = arith.select %lt3A_1115, %add3A_1118, %and3A_1112 : vector<16xi1>, vector<16xi32>
        %broadcast_in_dim3A_1120 = vector.shape_cast %select_n3A_1119 : vector<16xi32> to vector<16x1xi32>
        %gather3A_1121 = vector.shape_cast %broadcast_in_dim3A_1120 : vector<16x1xi32> to vector<16xi32>
        %gather3A_1122 = tpu.dynamic_gather %add3A_1105[%gather3A_1121] in [0] : vector<16xf32>, vector<16xi32> -> vector<16xf32>
        %add3A_1123 = arith.addf %add3A_1105, %gather3A_1122 : vector<16xf32>
        %iota3A_1124 = tpu.iota {dimensions = array<i32: 0>} : vector<16xi32>
        %add3A_1125 = arith.constant 1 : i32
        %add3A_1126 = vector.broadcast %add3A_1125 : i32 to vector<16xi32>
        %add3A_1127 = arith.addi %iota3A_1124, %add3A_1126 : vector<16xi32>
        %and3A_1128 = arith.constant 15 : i32
        %and3A_1129 = vector.broadcast %and3A_1128 : i32 to vector<16xi32>
        %and3A_1130 = arith.andi %add3A_1127, %and3A_1129 : vector<16xi32>
        %lt3A_1131 = arith.constant 0 : i32
        %lt3A_1132 = vector.broadcast %lt3A_1131 : i32 to vector<16xi32>
        %lt3A_1133 = arith.cmpi slt, %and3A_1130, %lt3A_1132 : vector<16xi32>
        %add3A_1134 = arith.constant 16 : i32
        %add3A_1135 = vector.broadcast %add3A_1134 : i32 to vector<16xi32>
        %add3A_1136 = arith.addi %and3A_1130, %add3A_1135 : vector<16xi32>
        %select_n3A_1137 = arith.select %lt3A_1133, %add3A_1136, %and3A_1130 : vector<16xi1>, vector<16xi32>
        %broadcast_in_dim3A_1138 = vector.shape_cast %select_n3A_1137 : vector<16xi32> to vector<16x1xi32>
        %gather3A_1139 = vector.shape_cast %broadcast_in_dim3A_1138 : vector<16x1xi32> to vector<16xi32>
        %gather3A_1140 = tpu.dynamic_gather %add3A_1123[%gather3A_1139] in [0] : vector<16xf32>, vector<16xi32> -> vector<16xf32>
        %add3A_1141 = arith.addf %add3A_1123, %gather3A_1140 : vector<16xf32>
        %mul3A_1142 = arith.constant 32 : i32
        %mul3A_1143 = arith.muli %scan3A_479, %mul3A_1142 : i32
        %add3A_1144 = arith.addi %mul3A_1143, %scan3A_490 : i32
        %convert_element_type3A_1145 = arith.sitofp %add3A_1144 : i32 to f32
        %broadcast_in_dim3A_1146 = vector.broadcast %convert_element_type3A_1145 : f32 to vector<16xf32>
        %lt3A_1147 = arith.cmpf olt, %broadcast_in_dim3A_1146, %min3A_79 : vector<16xf32>
        %broadcast_in_dim3A_1148 = arith.constant 0xFF800000 : f32
        %broadcast_in_dim3A_1149 = vector.broadcast %broadcast_in_dim3A_1148 : f32 to vector<16xf32>
        %select_n3A_1150 = arith.select %lt3A_1147, %add3A_1141, %broadcast_in_dim3A_1149 : vector<16xi1>, vector<16xf32>
        %exp3A = math.exp %select_n3A_1150 : vector<16xf32>
        %get3A_1151 = arith.constant 0 : index
        %get3A_1152 = tpu.vector_load %arg9[%get3A_1151] {strides = array<i32>} : memref<1024xf32, #tpu.memory_space<vmem>>, vector<16xf32>,
        %get3A_1153 = vector.shape_cast %get3A_1152 : vector<16xf32> to vector<16xf32>
        %get3A_1154 = arith.index_cast %scan3A_490 : i32 to index
        %get3A_1155 = arith.constant 0 : index
        %get3A_1156 = tpu.vector_load %arg7[%get3A_1154, %get3A_1155] {strides = array<i32>} : memref<32x1024xf32, #tpu.memory_space<vmem>>, vector<1x16xf32>,
        %get3A_1157 = vector.shape_cast %get3A_1156 : vector<1x16xf32> to vector<16xf32>
        %mul3A_1158 = arith.mulf %exp3A, %get3A_1157 : vector<16xf32>
        %add3A_1159 = arith.addf %get3A_1153, %mul3A_1158 : vector<16xf32>
        %swap3A_1160 = arith.constant 0 : index
        %swap3A_1161 = tpu.vector_load %arg9[%swap3A_1160] {strides = array<i32>} : memref<1024xf32, #tpu.memory_space<vmem>>, vector<16xf32>,
        %swap3A_1162 = vector.shape_cast %swap3A_1161 : vector<16xf32> to vector<16xf32>
        %swap3A_1163 = vector.shape_cast %add3A_1159 : vector<16xf32> to vector<16xf32>
        tpu.vector_store %arg9[%swap3A_1160], %swap3A_1163 {strides = array<i32>} : memref<1024xf32, #tpu.memory_space<vmem>>, vector<16xf32>,
        %get3A_1164 = arith.constant 16 : index
        %get3A_1165 = tpu.vector_load %arg9[%get3A_1164] {strides = array<i32>} : memref<1024xf32, #tpu.memory_space<vmem>>, vector<16xf32>,
        %get3A_1166 = vector.shape_cast %get3A_1165 : vector<16xf32> to vector<16xf32>
        %get3A_1167 = arith.index_cast %scan3A_490 : i32 to index
        %get3A_1168 = arith.constant 16 : index
        %get3A_1169 = tpu.vector_load %arg7[%get3A_1167, %get3A_1168] {strides = array<i32>} : memref<32x1024xf32, #tpu.memory_space<vmem>>, vector<1x16xf32>,
        %get3A_1170 = vector.shape_cast %get3A_1169 : vector<1x16xf32> to vector<16xf32>
        %mul3A_1171 = arith.mulf %exp3A, %get3A_1170 : vector<16xf32>
        %add3A_1172 = arith.addf %get3A_1166, %mul3A_1171 : vector<16xf32>
        %swap3A_1173 = arith.constant 16 : index
        %swap3A_1174 = tpu.vector_load %arg9[%swap3A_1173] {strides = array<i32>} : memref<1024xf32, #tpu.memory_space<vmem>>, vector<16xf32>,
        %swap3A_1175 = vector.shape_cast %swap3A_1174 : vector<16xf32> to vector<16xf32>
        %swap3A_1176 = vector.shape_cast %add3A_1172 : vector<16xf32> to vector<16xf32>
        tpu.vector_store %arg9[%swap3A_1173], %swap3A_1176 {strides = array<i32>} : memref<1024xf32, #tpu.memory_space<vmem>>, vector<16xf32>,
        %get3A_1177 = arith.constant 32 : index
        %get3A_1178 = tpu.vector_load %arg9[%get3A_1177] {strides = array<i32>} : memref<1024xf32, #tpu.memory_space<vmem>>, vector<16xf32>,
        %get3A_1179 = vector.shape_cast %get3A_1178 : vector<16xf32> to vector<16xf32>
        %get3A_1180 = arith.index_cast %scan3A_490 : i32 to index
        %get3A_1181 = arith.constant 32 : index
        %get3A_1182 = tpu.vector_load %arg7[%get3A_1180, %get3A_1181] {strides = array<i32>} : memref<32x1024xf32, #tpu.memory_space<vmem>>, vector<1x16xf32>,
        %get3A_1183 = vector.shape_cast %get3A_1182 : vector<1x16xf32> to vector<16xf32>
        %mul3A_1184 = arith.mulf %exp3A, %get3A_1183 : vector<16xf32>
        %add3A_1185 = arith.addf %get3A_1179, %mul3A_1184 : vector<16xf32>
        %swap3A_1186 = arith.constant 32 : index
        %swap3A_1187 = tpu.vector_load %arg9[%swap3A_1186] {strides = array<i32>} : memref<1024xf32, #tpu.memory_space<vmem>>, vector<16xf32>,
        %swap3A_1188 = vector.shape_cast %swap3A_1187 : vector<16xf32> to vector<16xf32>
        %swap3A_1189 = vector.shape_cast %add3A_1185 : vector<16xf32> to vector<16xf32>
        tpu.vector_store %arg9[%swap3A_1186], %swap3A_1189 {strides = array<i32>} : memref<1024xf32, #tpu.memory_space<vmem>>, vector<16xf32>,
        %get3A_1190 = arith.constant 48 : index
        %get3A_1191 = tpu.vector_load %arg9[%get3A_1190] {strides = array<i32>} : memref<1024xf32, #tpu.memory_space<vmem>>, vector<16xf32>,
        %get3A_1192 = vector.shape_cast %get3A_1191 : vector<16xf32> to vector<16xf32>
        %get3A_1193 = arith.index_cast %scan3A_490 : i32 to index
        %get3A_1194 = arith.constant 48 : index
        %get3A_1195 = tpu.vector_load %arg7[%get3A_1193, %get3A_1194] {strides = array<i32>} : memref<32x1024xf32, #tpu.memory_space<vmem>>, vector<1x16xf32>,
        %get3A_1196 = vector.shape_cast %get3A_1195 : vector<1x16xf32> to vector<16xf32>
        %mul3A_1197 = arith.mulf %exp3A, %get3A_1196 : vector<16xf32>
        %add3A_1198 = arith.addf %get3A_1192, %mul3A_1197 : vector<16xf32>
        %swap3A_1199 = arith.constant 48 : index
        %swap3A_1200 = tpu.vector_load %arg9[%swap3A_1199] {strides = array<i32>} : memref<1024xf32, #tpu.memory_space<vmem>>, vector<16xf32>,
        %swap3A_1201 = vector.shape_cast %swap3A_1200 : vector<16xf32> to vector<16xf32>
        %swap3A_1202 = vector.shape_cast %add3A_1198 : vector<16xf32> to vector<16xf32>
        tpu.vector_store %arg9[%swap3A_1199], %swap3A_1202 {strides = array<i32>} : memref<1024xf32, #tpu.memory_space<vmem>>, vector<16xf32>,
        %get3A_1203 = arith.constant 64 : index
        %get3A_1204 = tpu.vector_load %arg9[%get3A_1203] {strides = array<i32>} : memref<1024xf32, #tpu.memory_space<vmem>>, vector<16xf32>,
        %get3A_1205 = vector.shape_cast %get3A_1204 : vector<16xf32> to vector<16xf32>
        %get3A_1206 = arith.index_cast %scan3A_490 : i32 to index
        %get3A_1207 = arith.constant 64 : index
        %get3A_1208 = tpu.vector_load %arg7[%get3A_1206, %get3A_1207] {strides = array<i32>} : memref<32x1024xf32, #tpu.memory_space<vmem>>, vector<1x16xf32>,
        %get3A_1209 = vector.shape_cast %get3A_1208 : vector<1x16xf32> to vector<16xf32>
        %mul3A_1210 = arith.mulf %exp3A, %get3A_1209 : vector<16xf32>
        %add3A_1211 = arith.addf %get3A_1205, %mul3A_1210 : vector<16xf32>
        %swap3A_1212 = arith.constant 64 : index
        %swap3A_1213 = tpu.vector_load %arg9[%swap3A_1212] {strides = array<i32>} : memref<1024xf32, #tpu.memory_space<vmem>>, vector<16xf32>,
        %swap3A_1214 = vector.shape_cast %swap3A_1213 : vector<16xf32> to vector<16xf32>
        %swap3A_1215 = vector.shape_cast %add3A_1211 : vector<16xf32> to vector<16xf32>
        tpu.vector_store %arg9[%swap3A_1212], %swap3A_1215 {strides = array<i32>} : memref<1024xf32, #tpu.memory_space<vmem>>, vector<16xf32>,
        %get3A_1216 = arith.constant 80 : index
        %get3A_1217 = tpu.vector_load %arg9[%get3A_1216] {strides = array<i32>} : memref<1024xf32, #tpu.memory_space<vmem>>, vector<16xf32>,
        %get3A_1218 = vector.shape_cast %get3A_1217 : vector<16xf32> to vector<16xf32>
        %get3A_1219 = arith.index_cast %scan3A_490 : i32 to index
        %get3A_1220 = arith.constant 80 : index
        %get3A_1221 = tpu.vector_load %arg7[%get3A_1219, %get3A_1220] {strides = array<i32>} : memref<32x1024xf32, #tpu.memory_space<vmem>>, vector<1x16xf32>,
        %get3A_1222 = vector.shape_cast %get3A_1221 : vector<1x16xf32> to vector<16xf32>
        %mul3A_1223 = arith.mulf %exp3A, %get3A_1222 : vector<16xf32>
        %add3A_1224 = arith.addf %get3A_1218, %mul3A_1223 : vector<16xf32>
        %swap3A_1225 = arith.constant 80 : index
        %swap3A_1226 = tpu.vector_load %arg9[%swap3A_1225] {strides = array<i32>} : memref<1024xf32, #tpu.memory_space<vmem>>, vector<16xf32>,
        %swap3A_1227 = vector.shape_cast %swap3A_1226 : vector<16xf32> to vector<16xf32>
        %swap3A_1228 = vector.shape_cast %add3A_1224 : vector<16xf32> to vector<16xf32>
        tpu.vector_store %arg9[%swap3A_1225], %swap3A_1228 {strides = array<i32>} : memref<1024xf32, #tpu.memory_space<vmem>>, vector<16xf32>,
        %get3A_1229 = arith.constant 96 : index
        %get3A_1230 = tpu.vector_load %arg9[%get3A_1229] {strides = array<i32>} : memref<1024xf32, #tpu.memory_space<vmem>>, vector<16xf32>,
        %get3A_1231 = vector.shape_cast %get3A_1230 : vector<16xf32> to vector<16xf32>
        %get3A_1232 = arith.index_cast %scan3A_490 : i32 to index
        %get3A_1233 = arith.constant 96 : index
        %get3A_1234 = tpu.vector_load %arg7[%get3A_1232, %get3A_1233] {strides = array<i32>} : memref<32x1024xf32, #tpu.memory_space<vmem>>, vector<1x16xf32>,
        %get3A_1235 = vector.shape_cast %get3A_1234 : vector<1x16xf32> to vector<16xf32>
        %mul3A_1236 = arith.mulf %exp3A, %get3A_1235 : vector<16xf32>
        %add3A_1237 = arith.addf %get3A_1231, %mul3A_1236 : vector<16xf32>
        %swap3A_1238 = arith.constant 96 : index
        %swap3A_1239 = tpu.vector_load %arg9[%swap3A_1238] {strides = array<i32>} : memref<1024xf32, #tpu.memory_space<vmem>>, vector<16xf32>,
        %swap3A_1240 = vector.shape_cast %swap3A_1239 : vector<16xf32> to vector<16xf32>
        %swap3A_1241 = vector.shape_cast %add3A_1237 : vector<16xf32> to vector<16xf32>
        tpu.vector_store %arg9[%swap3A_1238], %swap3A_1241 {strides = array<i32>} : memref<1024xf32, #tpu.memory_space<vmem>>, vector<16xf32>,
        %get3A_1242 = arith.constant 112 : index
        %get3A_1243 = tpu.vector_load %arg9[%get3A_1242] {strides = array<i32>} : memref<1024xf32, #tpu.memory_space<vmem>>, vector<16xf32>,
        %get3A_1244 = vector.shape_cast %get3A_1243 : vector<16xf32> to vector<16xf32>
        %get3A_1245 = arith.index_cast %scan3A_490 : i32 to index
        %get3A_1246 = arith.constant 112 : index
        %get3A_1247 = tpu.vector_load %arg7[%get3A_1245, %get3A_1246] {strides = array<i32>} : memref<32x1024xf32, #tpu.memory_space<vmem>>, vector<1x16xf32>,
        %get3A_1248 = vector.shape_cast %get3A_1247 : vector<1x16xf32> to vector<16xf32>
        %mul3A_1249 = arith.mulf %exp3A, %get3A_1248 : vector<16xf32>
        %add3A_1250 = arith.addf %get3A_1244, %mul3A_1249 : vector<16xf32>
        %swap3A_1251 = arith.constant 112 : index
        %swap3A_1252 = tpu.vector_load %arg9[%swap3A_1251] {strides = array<i32>} : memref<1024xf32, #tpu.memory_space<vmem>>, vector<16xf32>,
        %swap3A_1253 = vector.shape_cast %swap3A_1252 : vector<16xf32> to vector<16xf32>
        %swap3A_1254 = vector.shape_cast %add3A_1250 : vector<16xf32> to vector<16xf32>
        tpu.vector_store %arg9[%swap3A_1251], %swap3A_1254 {strides = array<i32>} : memref<1024xf32, #tpu.memory_space<vmem>>, vector<16xf32>,
        %get3A_1255 = arith.constant 128 : index
        %get3A_1256 = tpu.vector_load %arg9[%get3A_1255] {strides = array<i32>} : memref<1024xf32, #tpu.memory_space<vmem>>, vector<16xf32>,
        %get3A_1257 = vector.shape_cast %get3A_1256 : vector<16xf32> to vector<16xf32>
        %get3A_1258 = arith.index_cast %scan3A_490 : i32 to index
        %get3A_1259 = arith.constant 128 : index
        %get3A_1260 = tpu.vector_load %arg7[%get3A_1258, %get3A_1259] {strides = array<i32>} : memref<32x1024xf32, #tpu.memory_space<vmem>>, vector<1x16xf32>,
        %get3A_1261 = vector.shape_cast %get3A_1260 : vector<1x16xf32> to vector<16xf32>
        %mul3A_1262 = arith.mulf %exp3A, %get3A_1261 : vector<16xf32>
        %add3A_1263 = arith.addf %get3A_1257, %mul3A_1262 : vector<16xf32>
        %swap3A_1264 = arith.constant 128 : index
        %swap3A_1265 = tpu.vector_load %arg9[%swap3A_1264] {strides = array<i32>} : memref<1024xf32, #tpu.memory_space<vmem>>, vector<16xf32>,
        %swap3A_1266 = vector.shape_cast %swap3A_1265 : vector<16xf32> to vector<16xf32>
        %swap3A_1267 = vector.shape_cast %add3A_1263 : vector<16xf32> to vector<16xf32>
        tpu.vector_store %arg9[%swap3A_1264], %swap3A_1267 {strides = array<i32>} : memref<1024xf32, #tpu.memory_space<vmem>>, vector<16xf32>,
        %get3A_1268 = arith.constant 144 : index
        %get3A_1269 = tpu.vector_load %arg9[%get3A_1268] {strides = array<i32>} : memref<1024xf32, #tpu.memory_space<vmem>>, vector<16xf32>,
        %get3A_1270 = vector.shape_cast %get3A_1269 : vector<16xf32> to vector<16xf32>
        %get3A_1271 = arith.index_cast %scan3A_490 : i32 to index
        %get3A_1272 = arith.constant 144 : index
        %get3A_1273 = tpu.vector_load %arg7[%get3A_1271, %get3A_1272] {strides = array<i32>} : memref<32x1024xf32, #tpu.memory_space<vmem>>, vector<1x16xf32>,
        %get3A_1274 = vector.shape_cast %get3A_1273 : vector<1x16xf32> to vector<16xf32>
        %mul3A_1275 = arith.mulf %exp3A, %get3A_1274 : vector<16xf32>
        %add3A_1276 = arith.addf %get3A_1270, %mul3A_1275 : vector<16xf32>
        %swap3A_1277 = arith.constant 144 : index
        %swap3A_1278 = tpu.vector_load %arg9[%swap3A_1277] {strides = array<i32>} : memref<1024xf32, #tpu.memory_space<vmem>>, vector<16xf32>,
        %swap3A_1279 = vector.shape_cast %swap3A_1278 : vector<16xf32> to vector<16xf32>
        %swap3A_1280 = vector.shape_cast %add3A_1276 : vector<16xf32> to vector<16xf32>
        tpu.vector_store %arg9[%swap3A_1277], %swap3A_1280 {strides = array<i32>} : memref<1024xf32, #tpu.memory_space<vmem>>, vector<16xf32>,
        %get3A_1281 = arith.constant 160 : index
        %get3A_1282 = tpu.vector_load %arg9[%get3A_1281] {strides = array<i32>} : memref<1024xf32, #tpu.memory_space<vmem>>, vector<16xf32>,
        %get3A_1283 = vector.shape_cast %get3A_1282 : vector<16xf32> to vector<16xf32>
        %get3A_1284 = arith.index_cast %scan3A_490 : i32 to index
        %get3A_1285 = arith.constant 160 : index
        %get3A_1286 = tpu.vector_load %arg7[%get3A_1284, %get3A_1285] {strides = array<i32>} : memref<32x1024xf32, #tpu.memory_space<vmem>>, vector<1x16xf32>,
        %get3A_1287 = vector.shape_cast %get3A_1286 : vector<1x16xf32> to vector<16xf32>
        %mul3A_1288 = arith.mulf %exp3A, %get3A_1287 : vector<16xf32>
        %add3A_1289 = arith.addf %get3A_1283, %mul3A_1288 : vector<16xf32>
        %swap3A_1290 = arith.constant 160 : index
        %swap3A_1291 = tpu.vector_load %arg9[%swap3A_1290] {strides = array<i32>} : memref<1024xf32, #tpu.memory_space<vmem>>, vector<16xf32>,
        %swap3A_1292 = vector.shape_cast %swap3A_1291 : vector<16xf32> to vector<16xf32>
        %swap3A_1293 = vector.shape_cast %add3A_1289 : vector<16xf32> to vector<16xf32>
        tpu.vector_store %arg9[%swap3A_1290], %swap3A_1293 {strides = array<i32>} : memref<1024xf32, #tpu.memory_space<vmem>>, vector<16xf32>,
        %get3A_1294 = arith.constant 176 : index
        %get3A_1295 = tpu.vector_load %arg9[%get3A_1294] {strides = array<i32>} : memref<1024xf32, #tpu.memory_space<vmem>>, vector<16xf32>,
        %get3A_1296 = vector.shape_cast %get3A_1295 : vector<16xf32> to vector<16xf32>
        %get3A_1297 = arith.index_cast %scan3A_490 : i32 to index
        %get3A_1298 = arith.constant 176 : index
        %get3A_1299 = tpu.vector_load %arg7[%get3A_1297, %get3A_1298] {strides = array<i32>} : memref<32x1024xf32, #tpu.memory_space<vmem>>, vector<1x16xf32>,
        %get3A_1300 = vector.shape_cast %get3A_1299 : vector<1x16xf32> to vector<16xf32>
        %mul3A_1301 = arith.mulf %exp3A, %get3A_1300 : vector<16xf32>
        %add3A_1302 = arith.addf %get3A_1296, %mul3A_1301 : vector<16xf32>
        %swap3A_1303 = arith.constant 176 : index
        %swap3A_1304 = tpu.vector_load %arg9[%swap3A_1303] {strides = array<i32>} : memref<1024xf32, #tpu.memory_space<vmem>>, vector<16xf32>,
        %swap3A_1305 = vector.shape_cast %swap3A_1304 : vector<16xf32> to vector<16xf32>
        %swap3A_1306 = vector.shape_cast %add3A_1302 : vector<16xf32> to vector<16xf32>
        tpu.vector_store %arg9[%swap3A_1303], %swap3A_1306 {strides = array<i32>} : memref<1024xf32, #tpu.memory_space<vmem>>, vector<16xf32>,
        %get3A_1307 = arith.constant 192 : index
        %get3A_1308 = tpu.vector_load %arg9[%get3A_1307] {strides = array<i32>} : memref<1024xf32, #tpu.memory_space<vmem>>, vector<16xf32>,
        %get3A_1309 = vector.shape_cast %get3A_1308 : vector<16xf32> to vector<16xf32>
        %get3A_1310 = arith.index_cast %scan3A_490 : i32 to index
        %get3A_1311 = arith.constant 192 : index
        %get3A_1312 = tpu.vector_load %arg7[%get3A_1310, %get3A_1311] {strides = array<i32>} : memref<32x1024xf32, #tpu.memory_space<vmem>>, vector<1x16xf32>,
        %get3A_1313 = vector.shape_cast %get3A_1312 : vector<1x16xf32> to vector<16xf32>
        %mul3A_1314 = arith.mulf %exp3A, %get3A_1313 : vector<16xf32>
        %add3A_1315 = arith.addf %get3A_1309, %mul3A_1314 : vector<16xf32>
        %swap3A_1316 = arith.constant 192 : index
        %swap3A_1317 = tpu.vector_load %arg9[%swap3A_1316] {strides = array<i32>} : memref<1024xf32, #tpu.memory_space<vmem>>, vector<16xf32>,
        %swap3A_1318 = vector.shape_cast %swap3A_1317 : vector<16xf32> to vector<16xf32>
        %swap3A_1319 = vector.shape_cast %add3A_1315 : vector<16xf32> to vector<16xf32>
        tpu.vector_store %arg9[%swap3A_1316], %swap3A_1319 {strides = array<i32>} : memref<1024xf32, #tpu.memory_space<vmem>>, vector<16xf32>,
        %get3A_1320 = arith.constant 208 : index
        %get3A_1321 = tpu.vector_load %arg9[%get3A_1320] {strides = array<i32>} : memref<1024xf32, #tpu.memory_space<vmem>>, vector<16xf32>,
        %get3A_1322 = vector.shape_cast %get3A_1321 : vector<16xf32> to vector<16xf32>
        %get3A_1323 = arith.index_cast %scan3A_490 : i32 to index
        %get3A_1324 = arith.constant 208 : index
        %get3A_1325 = tpu.vector_load %arg7[%get3A_1323, %get3A_1324] {strides = array<i32>} : memref<32x1024xf32, #tpu.memory_space<vmem>>, vector<1x16xf32>,
        %get3A_1326 = vector.shape_cast %get3A_1325 : vector<1x16xf32> to vector<16xf32>
        %mul3A_1327 = arith.mulf %exp3A, %get3A_1326 : vector<16xf32>
        %add3A_1328 = arith.addf %get3A_1322, %mul3A_1327 : vector<16xf32>
        %swap3A_1329 = arith.constant 208 : index
        %swap3A_1330 = tpu.vector_load %arg9[%swap3A_1329] {strides = array<i32>} : memref<1024xf32, #tpu.memory_space<vmem>>, vector<16xf32>,
        %swap3A_1331 = vector.shape_cast %swap3A_1330 : vector<16xf32> to vector<16xf32>
        %swap3A_1332 = vector.shape_cast %add3A_1328 : vector<16xf32> to vector<16xf32>
        tpu.vector_store %arg9[%swap3A_1329], %swap3A_1332 {strides = array<i32>} : memref<1024xf32, #tpu.memory_space<vmem>>, vector<16xf32>,
        %get3A_1333 = arith.constant 224 : index
        %get3A_1334 = tpu.vector_load %arg9[%get3A_1333] {strides = array<i32>} : memref<1024xf32, #tpu.memory_space<vmem>>, vector<16xf32>,
        %get3A_1335 = vector.shape_cast %get3A_1334 : vector<16xf32> to vector<16xf32>
        %get3A_1336 = arith.index_cast %scan3A_490 : i32 to index
        %get3A_1337 = arith.constant 224 : index
        %get3A_1338 = tpu.vector_load %arg7[%get3A_1336, %get3A_1337] {strides = array<i32>} : memref<32x1024xf32, #tpu.memory_space<vmem>>, vector<1x16xf32>,
        %get3A_1339 = vector.shape_cast %get3A_1338 : vector<1x16xf32> to vector<16xf32>
        %mul3A_1340 = arith.mulf %exp3A, %get3A_1339 : vector<16xf32>
        %add3A_1341 = arith.addf %get3A_1335, %mul3A_1340 : vector<16xf32>
        %swap3A_1342 = arith.constant 224 : index
        %swap3A_1343 = tpu.vector_load %arg9[%swap3A_1342] {strides = array<i32>} : memref<1024xf32, #tpu.memory_space<vmem>>, vector<16xf32>,
        %swap3A_1344 = vector.shape_cast %swap3A_1343 : vector<16xf32> to vector<16xf32>
        %swap3A_1345 = vector.shape_cast %add3A_1341 : vector<16xf32> to vector<16xf32>
        tpu.vector_store %arg9[%swap3A_1342], %swap3A_1345 {strides = array<i32>} : memref<1024xf32, #tpu.memory_space<vmem>>, vector<16xf32>,
        %get3A_1346 = arith.constant 240 : index
        %get3A_1347 = tpu.vector_load %arg9[%get3A_1346] {strides = array<i32>} : memref<1024xf32, #tpu.memory_space<vmem>>, vector<16xf32>,
        %get3A_1348 = vector.shape_cast %get3A_1347 : vector<16xf32> to vector<16xf32>
        %get3A_1349 = arith.index_cast %scan3A_490 : i32 to index
        %get3A_1350 = arith.constant 240 : index
        %get3A_1351 = tpu.vector_load %arg7[%get3A_1349, %get3A_1350] {strides = array<i32>} : memref<32x1024xf32, #tpu.memory_space<vmem>>, vector<1x16xf32>,
        %get3A_1352 = vector.shape_cast %get3A_1351 : vector<1x16xf32> to vector<16xf32>
        %mul3A_1353 = arith.mulf %exp3A, %get3A_1352 : vector<16xf32>
        %add3A_1354 = arith.addf %get3A_1348, %mul3A_1353 : vector<16xf32>
        %swap3A_1355 = arith.constant 240 : index
        %swap3A_1356 = tpu.vector_load %arg9[%swap3A_1355] {strides = array<i32>} : memref<1024xf32, #tpu.memory_space<vmem>>, vector<16xf32>,
        %swap3A_1357 = vector.shape_cast %swap3A_1356 : vector<16xf32> to vector<16xf32>
        %swap3A_1358 = vector.shape_cast %add3A_1354 : vector<16xf32> to vector<16xf32>
        tpu.vector_store %arg9[%swap3A_1355], %swap3A_1358 {strides = array<i32>} : memref<1024xf32, #tpu.memory_space<vmem>>, vector<16xf32>,
        %get3A_1359 = arith.constant 256 : index
        %get3A_1360 = tpu.vector_load %arg9[%get3A_1359] {strides = array<i32>} : memref<1024xf32, #tpu.memory_space<vmem>>, vector<16xf32>,
        %get3A_1361 = vector.shape_cast %get3A_1360 : vector<16xf32> to vector<16xf32>
        %get3A_1362 = arith.index_cast %scan3A_490 : i32 to index
        %get3A_1363 = arith.constant 256 : index
        %get3A_1364 = tpu.vector_load %arg7[%get3A_1362, %get3A_1363] {strides = array<i32>} : memref<32x1024xf32, #tpu.memory_space<vmem>>, vector<1x16xf32>,
        %get3A_1365 = vector.shape_cast %get3A_1364 : vector<1x16xf32> to vector<16xf32>
        %mul3A_1366 = arith.mulf %exp3A, %get3A_1365 : vector<16xf32>
        %add3A_1367 = arith.addf %get3A_1361, %mul3A_1366 : vector<16xf32>
        %swap3A_1368 = arith.constant 256 : index
        %swap3A_1369 = tpu.vector_load %arg9[%swap3A_1368] {strides = array<i32>} : memref<1024xf32, #tpu.memory_space<vmem>>, vector<16xf32>,
        %swap3A_1370 = vector.shape_cast %swap3A_1369 : vector<16xf32> to vector<16xf32>
        %swap3A_1371 = vector.shape_cast %add3A_1367 : vector<16xf32> to vector<16xf32>
        tpu.vector_store %arg9[%swap3A_1368], %swap3A_1371 {strides = array<i32>} : memref<1024xf32, #tpu.memory_space<vmem>>, vector<16xf32>,
        %get3A_1372 = arith.constant 272 : index
        %get3A_1373 = tpu.vector_load %arg9[%get3A_1372] {strides = array<i32>} : memref<1024xf32, #tpu.memory_space<vmem>>, vector<16xf32>,
        %get3A_1374 = vector.shape_cast %get3A_1373 : vector<16xf32> to vector<16xf32>
        %get3A_1375 = arith.index_cast %scan3A_490 : i32 to index
        %get3A_1376 = arith.constant 272 : index
        %get3A_1377 = tpu.vector_load %arg7[%get3A_1375, %get3A_1376] {strides = array<i32>} : memref<32x1024xf32, #tpu.memory_space<vmem>>, vector<1x16xf32>,
        %get3A_1378 = vector.shape_cast %get3A_1377 : vector<1x16xf32> to vector<16xf32>
        %mul3A_1379 = arith.mulf %exp3A, %get3A_1378 : vector<16xf32>
        %add3A_1380 = arith.addf %get3A_1374, %mul3A_1379 : vector<16xf32>
        %swap3A_1381 = arith.constant 272 : index
        %swap3A_1382 = tpu.vector_load %arg9[%swap3A_1381] {strides = array<i32>} : memref<1024xf32, #tpu.memory_space<vmem>>, vector<16xf32>,
        %swap3A_1383 = vector.shape_cast %swap3A_1382 : vector<16xf32> to vector<16xf32>
        %swap3A_1384 = vector.shape_cast %add3A_1380 : vector<16xf32> to vector<16xf32>
        tpu.vector_store %arg9[%swap3A_1381], %swap3A_1384 {strides = array<i32>} : memref<1024xf32, #tpu.memory_space<vmem>>, vector<16xf32>,
        %get3A_1385 = arith.constant 288 : index
        %get3A_1386 = tpu.vector_load %arg9[%get3A_1385] {strides = array<i32>} : memref<1024xf32, #tpu.memory_space<vmem>>, vector<16xf32>,
        %get3A_1387 = vector.shape_cast %get3A_1386 : vector<16xf32> to vector<16xf32>
        %get3A_1388 = arith.index_cast %scan3A_490 : i32 to index
        %get3A_1389 = arith.constant 288 : index
        %get3A_1390 = tpu.vector_load %arg7[%get3A_1388, %get3A_1389] {strides = array<i32>} : memref<32x1024xf32, #tpu.memory_space<vmem>>, vector<1x16xf32>,
        %get3A_1391 = vector.shape_cast %get3A_1390 : vector<1x16xf32> to vector<16xf32>
        %mul3A_1392 = arith.mulf %exp3A, %get3A_1391 : vector<16xf32>
        %add3A_1393 = arith.addf %get3A_1387, %mul3A_1392 : vector<16xf32>
        %swap3A_1394 = arith.constant 288 : index
        %swap3A_1395 = tpu.vector_load %arg9[%swap3A_1394] {strides = array<i32>} : memref<1024xf32, #tpu.memory_space<vmem>>, vector<16xf32>,
        %swap3A_1396 = vector.shape_cast %swap3A_1395 : vector<16xf32> to vector<16xf32>
        %swap3A_1397 = vector.shape_cast %add3A_1393 : vector<16xf32> to vector<16xf32>
        tpu.vector_store %arg9[%swap3A_1394], %swap3A_1397 {strides = array<i32>} : memref<1024xf32, #tpu.memory_space<vmem>>, vector<16xf32>,
        %get3A_1398 = arith.constant 304 : index
        %get3A_1399 = tpu.vector_load %arg9[%get3A_1398] {strides = array<i32>} : memref<1024xf32, #tpu.memory_space<vmem>>, vector<16xf32>,
        %get3A_1400 = vector.shape_cast %get3A_1399 : vector<16xf32> to vector<16xf32>
        %get3A_1401 = arith.index_cast %scan3A_490 : i32 to index
        %get3A_1402 = arith.constant 304 : index
        %get3A_1403 = tpu.vector_load %arg7[%get3A_1401, %get3A_1402] {strides = array<i32>} : memref<32x1024xf32, #tpu.memory_space<vmem>>, vector<1x16xf32>,
        %get3A_1404 = vector.shape_cast %get3A_1403 : vector<1x16xf32> to vector<16xf32>
        %mul3A_1405 = arith.mulf %exp3A, %get3A_1404 : vector<16xf32>
        %add3A_1406 = arith.addf %get3A_1400, %mul3A_1405 : vector<16xf32>
        %swap3A_1407 = arith.constant 304 : index
        %swap3A_1408 = tpu.vector_load %arg9[%swap3A_1407] {strides = array<i32>} : memref<1024xf32, #tpu.memory_space<vmem>>, vector<16xf32>,
        %swap3A_1409 = vector.shape_cast %swap3A_1408 : vector<16xf32> to vector<16xf32>
        %swap3A_1410 = vector.shape_cast %add3A_1406 : vector<16xf32> to vector<16xf32>
        tpu.vector_store %arg9[%swap3A_1407], %swap3A_1410 {strides = array<i32>} : memref<1024xf32, #tpu.memory_space<vmem>>, vector<16xf32>,
        %get3A_1411 = arith.constant 320 : index
        %get3A_1412 = tpu.vector_load %arg9[%get3A_1411] {strides = array<i32>} : memref<1024xf32, #tpu.memory_space<vmem>>, vector<16xf32>,
        %get3A_1413 = vector.shape_cast %get3A_1412 : vector<16xf32> to vector<16xf32>
        %get3A_1414 = arith.index_cast %scan3A_490 : i32 to index
        %get3A_1415 = arith.constant 320 : index
        %get3A_1416 = tpu.vector_load %arg7[%get3A_1414, %get3A_1415] {strides = array<i32>} : memref<32x1024xf32, #tpu.memory_space<vmem>>, vector<1x16xf32>,
        %get3A_1417 = vector.shape_cast %get3A_1416 : vector<1x16xf32> to vector<16xf32>
        %mul3A_1418 = arith.mulf %exp3A, %get3A_1417 : vector<16xf32>
        %add3A_1419 = arith.addf %get3A_1413, %mul3A_1418 : vector<16xf32>
        %swap3A_1420 = arith.constant 320 : index
        %swap3A_1421 = tpu.vector_load %arg9[%swap3A_1420] {strides = array<i32>} : memref<1024xf32, #tpu.memory_space<vmem>>, vector<16xf32>,
        %swap3A_1422 = vector.shape_cast %swap3A_1421 : vector<16xf32> to vector<16xf32>
        %swap3A_1423 = vector.shape_cast %add3A_1419 : vector<16xf32> to vector<16xf32>
        tpu.vector_store %arg9[%swap3A_1420], %swap3A_1423 {strides = array<i32>} : memref<1024xf32, #tpu.memory_space<vmem>>, vector<16xf32>,
        %get3A_1424 = arith.constant 336 : index
        %get3A_1425 = tpu.vector_load %arg9[%get3A_1424] {strides = array<i32>} : memref<1024xf32, #tpu.memory_space<vmem>>, vector<16xf32>,
        %get3A_1426 = vector.shape_cast %get3A_1425 : vector<16xf32> to vector<16xf32>
        %get3A_1427 = arith.index_cast %scan3A_490 : i32 to index
        %get3A_1428 = arith.constant 336 : index
        %get3A_1429 = tpu.vector_load %arg7[%get3A_1427, %get3A_1428] {strides = array<i32>} : memref<32x1024xf32, #tpu.memory_space<vmem>>, vector<1x16xf32>,
        %get3A_1430 = vector.shape_cast %get3A_1429 : vector<1x16xf32> to vector<16xf32>
        %mul3A_1431 = arith.mulf %exp3A, %get3A_1430 : vector<16xf32>
        %add3A_1432 = arith.addf %get3A_1426, %mul3A_1431 : vector<16xf32>
        %swap3A_1433 = arith.constant 336 : index
        %swap3A_1434 = tpu.vector_load %arg9[%swap3A_1433] {strides = array<i32>} : memref<1024xf32, #tpu.memory_space<vmem>>, vector<16xf32>,
        %swap3A_1435 = vector.shape_cast %swap3A_1434 : vector<16xf32> to vector<16xf32>
        %swap3A_1436 = vector.shape_cast %add3A_1432 : vector<16xf32> to vector<16xf32>
        tpu.vector_store %arg9[%swap3A_1433], %swap3A_1436 {strides = array<i32>} : memref<1024xf32, #tpu.memory_space<vmem>>, vector<16xf32>,
        %get3A_1437 = arith.constant 352 : index
        %get3A_1438 = tpu.vector_load %arg9[%get3A_1437] {strides = array<i32>} : memref<1024xf32, #tpu.memory_space<vmem>>, vector<16xf32>,
        %get3A_1439 = vector.shape_cast %get3A_1438 : vector<16xf32> to vector<16xf32>
        %get3A_1440 = arith.index_cast %scan3A_490 : i32 to index
        %get3A_1441 = arith.constant 352 : index
        %get3A_1442 = tpu.vector_load %arg7[%get3A_1440, %get3A_1441] {strides = array<i32>} : memref<32x1024xf32, #tpu.memory_space<vmem>>, vector<1x16xf32>,
        %get3A_1443 = vector.shape_cast %get3A_1442 : vector<1x16xf32> to vector<16xf32>
        %mul3A_1444 = arith.mulf %exp3A, %get3A_1443 : vector<16xf32>
        %add3A_1445 = arith.addf %get3A_1439, %mul3A_1444 : vector<16xf32>
        %swap3A_1446 = arith.constant 352 : index
        %swap3A_1447 = tpu.vector_load %arg9[%swap3A_1446] {strides = array<i32>} : memref<1024xf32, #tpu.memory_space<vmem>>, vector<16xf32>,
        %swap3A_1448 = vector.shape_cast %swap3A_1447 : vector<16xf32> to vector<16xf32>
        %swap3A_1449 = vector.shape_cast %add3A_1445 : vector<16xf32> to vector<16xf32>
        tpu.vector_store %arg9[%swap3A_1446], %swap3A_1449 {strides = array<i32>} : memref<1024xf32, #tpu.memory_space<vmem>>, vector<16xf32>,
        %get3A_1450 = arith.constant 368 : index
        %get3A_1451 = tpu.vector_load %arg9[%get3A_1450] {strides = array<i32>} : memref<1024xf32, #tpu.memory_space<vmem>>, vector<16xf32>,
        %get3A_1452 = vector.shape_cast %get3A_1451 : vector<16xf32> to vector<16xf32>
        %get3A_1453 = arith.index_cast %scan3A_490 : i32 to index
        %get3A_1454 = arith.constant 368 : index
        %get3A_1455 = tpu.vector_load %arg7[%get3A_1453, %get3A_1454] {strides = array<i32>} : memref<32x1024xf32, #tpu.memory_space<vmem>>, vector<1x16xf32>,
        %get3A_1456 = vector.shape_cast %get3A_1455 : vector<1x16xf32> to vector<16xf32>
        %mul3A_1457 = arith.mulf %exp3A, %get3A_1456 : vector<16xf32>
        %add3A_1458 = arith.addf %get3A_1452, %mul3A_1457 : vector<16xf32>
        %swap3A_1459 = arith.constant 368 : index
        %swap3A_1460 = tpu.vector_load %arg9[%swap3A_1459] {strides = array<i32>} : memref<1024xf32, #tpu.memory_space<vmem>>, vector<16xf32>,
        %swap3A_1461 = vector.shape_cast %swap3A_1460 : vector<16xf32> to vector<16xf32>
        %swap3A_1462 = vector.shape_cast %add3A_1458 : vector<16xf32> to vector<16xf32>
        tpu.vector_store %arg9[%swap3A_1459], %swap3A_1462 {strides = array<i32>} : memref<1024xf32, #tpu.memory_space<vmem>>, vector<16xf32>,
        %get3A_1463 = arith.constant 384 : index
        %get3A_1464 = tpu.vector_load %arg9[%get3A_1463] {strides = array<i32>} : memref<1024xf32, #tpu.memory_space<vmem>>, vector<16xf32>,
        %get3A_1465 = vector.shape_cast %get3A_1464 : vector<16xf32> to vector<16xf32>
        %get3A_1466 = arith.index_cast %scan3A_490 : i32 to index
        %get3A_1467 = arith.constant 384 : index
        %get3A_1468 = tpu.vector_load %arg7[%get3A_1466, %get3A_1467] {strides = array<i32>} : memref<32x1024xf32, #tpu.memory_space<vmem>>, vector<1x16xf32>,
        %get3A_1469 = vector.shape_cast %get3A_1468 : vector<1x16xf32> to vector<16xf32>
        %mul3A_1470 = arith.mulf %exp3A, %get3A_1469 : vector<16xf32>
        %add3A_1471 = arith.addf %get3A_1465, %mul3A_1470 : vector<16xf32>
        %swap3A_1472 = arith.constant 384 : index
        %swap3A_1473 = tpu.vector_load %arg9[%swap3A_1472] {strides = array<i32>} : memref<1024xf32, #tpu.memory_space<vmem>>, vector<16xf32>,
        %swap3A_1474 = vector.shape_cast %swap3A_1473 : vector<16xf32> to vector<16xf32>
        %swap3A_1475 = vector.shape_cast %add3A_1471 : vector<16xf32> to vector<16xf32>
        tpu.vector_store %arg9[%swap3A_1472], %swap3A_1475 {strides = array<i32>} : memref<1024xf32, #tpu.memory_space<vmem>>, vector<16xf32>,
        %get3A_1476 = arith.constant 400 : index
        %get3A_1477 = tpu.vector_load %arg9[%get3A_1476] {strides = array<i32>} : memref<1024xf32, #tpu.memory_space<vmem>>, vector<16xf32>,
        %get3A_1478 = vector.shape_cast %get3A_1477 : vector<16xf32> to vector<16xf32>
        %get3A_1479 = arith.index_cast %scan3A_490 : i32 to index
        %get3A_1480 = arith.constant 400 : index
        %get3A_1481 = tpu.vector_load %arg7[%get3A_1479, %get3A_1480] {strides = array<i32>} : memref<32x1024xf32, #tpu.memory_space<vmem>>, vector<1x16xf32>,
        %get3A_1482 = vector.shape_cast %get3A_1481 : vector<1x16xf32> to vector<16xf32>
        %mul3A_1483 = arith.mulf %exp3A, %get3A_1482 : vector<16xf32>
        %add3A_1484 = arith.addf %get3A_1478, %mul3A_1483 : vector<16xf32>
        %swap3A_1485 = arith.constant 400 : index
        %swap3A_1486 = tpu.vector_load %arg9[%swap3A_1485] {strides = array<i32>} : memref<1024xf32, #tpu.memory_space<vmem>>, vector<16xf32>,
        %swap3A_1487 = vector.shape_cast %swap3A_1486 : vector<16xf32> to vector<16xf32>
        %swap3A_1488 = vector.shape_cast %add3A_1484 : vector<16xf32> to vector<16xf32>
        tpu.vector_store %arg9[%swap3A_1485], %swap3A_1488 {strides = array<i32>} : memref<1024xf32, #tpu.memory_space<vmem>>, vector<16xf32>,
        %get3A_1489 = arith.constant 416 : index
        %get3A_1490 = tpu.vector_load %arg9[%get3A_1489] {strides = array<i32>} : memref<1024xf32, #tpu.memory_space<vmem>>, vector<16xf32>,
        %get3A_1491 = vector.shape_cast %get3A_1490 : vector<16xf32> to vector<16xf32>
        %get3A_1492 = arith.index_cast %scan3A_490 : i32 to index
        %get3A_1493 = arith.constant 416 : index
        %get3A_1494 = tpu.vector_load %arg7[%get3A_1492, %get3A_1493] {strides = array<i32>} : memref<32x1024xf32, #tpu.memory_space<vmem>>, vector<1x16xf32>,
        %get3A_1495 = vector.shape_cast %get3A_1494 : vector<1x16xf32> to vector<16xf32>
        %mul3A_1496 = arith.mulf %exp3A, %get3A_1495 : vector<16xf32>
        %add3A_1497 = arith.addf %get3A_1491, %mul3A_1496 : vector<16xf32>
        %swap3A_1498 = arith.constant 416 : index
        %swap3A_1499 = tpu.vector_load %arg9[%swap3A_1498] {strides = array<i32>} : memref<1024xf32, #tpu.memory_space<vmem>>, vector<16xf32>,
        %swap3A_1500 = vector.shape_cast %swap3A_1499 : vector<16xf32> to vector<16xf32>
        %swap3A_1501 = vector.shape_cast %add3A_1497 : vector<16xf32> to vector<16xf32>
        tpu.vector_store %arg9[%swap3A_1498], %swap3A_1501 {strides = array<i32>} : memref<1024xf32, #tpu.memory_space<vmem>>, vector<16xf32>,
        %get3A_1502 = arith.constant 432 : index
        %get3A_1503 = tpu.vector_load %arg9[%get3A_1502] {strides = array<i32>} : memref<1024xf32, #tpu.memory_space<vmem>>, vector<16xf32>,
        %get3A_1504 = vector.shape_cast %get3A_1503 : vector<16xf32> to vector<16xf32>
        %get3A_1505 = arith.index_cast %scan3A_490 : i32 to index
        %get3A_1506 = arith.constant 432 : index
        %get3A_1507 = tpu.vector_load %arg7[%get3A_1505, %get3A_1506] {strides = array<i32>} : memref<32x1024xf32, #tpu.memory_space<vmem>>, vector<1x16xf32>,
        %get3A_1508 = vector.shape_cast %get3A_1507 : vector<1x16xf32> to vector<16xf32>
        %mul3A_1509 = arith.mulf %exp3A, %get3A_1508 : vector<16xf32>
        %add3A_1510 = arith.addf %get3A_1504, %mul3A_1509 : vector<16xf32>
        %swap3A_1511 = arith.constant 432 : index
        %swap3A_1512 = tpu.vector_load %arg9[%swap3A_1511] {strides = array<i32>} : memref<1024xf32, #tpu.memory_space<vmem>>, vector<16xf32>,
        %swap3A_1513 = vector.shape_cast %swap3A_1512 : vector<16xf32> to vector<16xf32>
        %swap3A_1514 = vector.shape_cast %add3A_1510 : vector<16xf32> to vector<16xf32>
        tpu.vector_store %arg9[%swap3A_1511], %swap3A_1514 {strides = array<i32>} : memref<1024xf32, #tpu.memory_space<vmem>>, vector<16xf32>,
        %get3A_1515 = arith.constant 448 : index
        %get3A_1516 = tpu.vector_load %arg9[%get3A_1515] {strides = array<i32>} : memref<1024xf32, #tpu.memory_space<vmem>>, vector<16xf32>,
        %get3A_1517 = vector.shape_cast %get3A_1516 : vector<16xf32> to vector<16xf32>
        %get3A_1518 = arith.index_cast %scan3A_490 : i32 to index
        %get3A_1519 = arith.constant 448 : index
        %get3A_1520 = tpu.vector_load %arg7[%get3A_1518, %get3A_1519] {strides = array<i32>} : memref<32x1024xf32, #tpu.memory_space<vmem>>, vector<1x16xf32>,
        %get3A_1521 = vector.shape_cast %get3A_1520 : vector<1x16xf32> to vector<16xf32>
        %mul3A_1522 = arith.mulf %exp3A, %get3A_1521 : vector<16xf32>
        %add3A_1523 = arith.addf %get3A_1517, %mul3A_1522 : vector<16xf32>
        %swap3A_1524 = arith.constant 448 : index
        %swap3A_1525 = tpu.vector_load %arg9[%swap3A_1524] {strides = array<i32>} : memref<1024xf32, #tpu.memory_space<vmem>>, vector<16xf32>,
        %swap3A_1526 = vector.shape_cast %swap3A_1525 : vector<16xf32> to vector<16xf32>
        %swap3A_1527 = vector.shape_cast %add3A_1523 : vector<16xf32> to vector<16xf32>
        tpu.vector_store %arg9[%swap3A_1524], %swap3A_1527 {strides = array<i32>} : memref<1024xf32, #tpu.memory_space<vmem>>, vector<16xf32>,
        %get3A_1528 = arith.constant 464 : index
        %get3A_1529 = tpu.vector_load %arg9[%get3A_1528] {strides = array<i32>} : memref<1024xf32, #tpu.memory_space<vmem>>, vector<16xf32>,
        %get3A_1530 = vector.shape_cast %get3A_1529 : vector<16xf32> to vector<16xf32>
        %get3A_1531 = arith.index_cast %scan3A_490 : i32 to index
        %get3A_1532 = arith.constant 464 : index
        %get3A_1533 = tpu.vector_load %arg7[%get3A_1531, %get3A_1532] {strides = array<i32>} : memref<32x1024xf32, #tpu.memory_space<vmem>>, vector<1x16xf32>,
        %get3A_1534 = vector.shape_cast %get3A_1533 : vector<1x16xf32> to vector<16xf32>
        %mul3A_1535 = arith.mulf %exp3A, %get3A_1534 : vector<16xf32>
        %add3A_1536 = arith.addf %get3A_1530, %mul3A_1535 : vector<16xf32>
        %swap3A_1537 = arith.constant 464 : index
        %swap3A_1538 = tpu.vector_load %arg9[%swap3A_1537] {strides = array<i32>} : memref<1024xf32, #tpu.memory_space<vmem>>, vector<16xf32>,
        %swap3A_1539 = vector.shape_cast %swap3A_1538 : vector<16xf32> to vector<16xf32>
        %swap3A_1540 = vector.shape_cast %add3A_1536 : vector<16xf32> to vector<16xf32>
        tpu.vector_store %arg9[%swap3A_1537], %swap3A_1540 {strides = array<i32>} : memref<1024xf32, #tpu.memory_space<vmem>>, vector<16xf32>,
        %get3A_1541 = arith.constant 480 : index
        %get3A_1542 = tpu.vector_load %arg9[%get3A_1541] {strides = array<i32>} : memref<1024xf32, #tpu.memory_space<vmem>>, vector<16xf32>,
        %get3A_1543 = vector.shape_cast %get3A_1542 : vector<16xf32> to vector<16xf32>
        %get3A_1544 = arith.index_cast %scan3A_490 : i32 to index
        %get3A_1545 = arith.constant 480 : index
        %get3A_1546 = tpu.vector_load %arg7[%get3A_1544, %get3A_1545] {strides = array<i32>} : memref<32x1024xf32, #tpu.memory_space<vmem>>, vector<1x16xf32>,
        %get3A_1547 = vector.shape_cast %get3A_1546 : vector<1x16xf32> to vector<16xf32>
        %mul3A_1548 = arith.mulf %exp3A, %get3A_1547 : vector<16xf32>
        %add3A_1549 = arith.addf %get3A_1543, %mul3A_1548 : vector<16xf32>
        %swap3A_1550 = arith.constant 480 : index
        %swap3A_1551 = tpu.vector_load %arg9[%swap3A_1550] {strides = array<i32>} : memref<1024xf32, #tpu.memory_space<vmem>>, vector<16xf32>,
        %swap3A_1552 = vector.shape_cast %swap3A_1551 : vector<16xf32> to vector<16xf32>
        %swap3A_1553 = vector.shape_cast %add3A_1549 : vector<16xf32> to vector<16xf32>
        tpu.vector_store %arg9[%swap3A_1550], %swap3A_1553 {strides = array<i32>} : memref<1024xf32, #tpu.memory_space<vmem>>, vector<16xf32>,
        %get3A_1554 = arith.constant 496 : index
        %get3A_1555 = tpu.vector_load %arg9[%get3A_1554] {strides = array<i32>} : memref<1024xf32, #tpu.memory_space<vmem>>, vector<16xf32>,
        %get3A_1556 = vector.shape_cast %get3A_1555 : vector<16xf32> to vector<16xf32>
        %get3A_1557 = arith.index_cast %scan3A_490 : i32 to index
        %get3A_1558 = arith.constant 496 : index
        %get3A_1559 = tpu.vector_load %arg7[%get3A_1557, %get3A_1558] {strides = array<i32>} : memref<32x1024xf32, #tpu.memory_space<vmem>>, vector<1x16xf32>,
        %get3A_1560 = vector.shape_cast %get3A_1559 : vector<1x16xf32> to vector<16xf32>
        %mul3A_1561 = arith.mulf %exp3A, %get3A_1560 : vector<16xf32>
        %add3A_1562 = arith.addf %get3A_1556, %mul3A_1561 : vector<16xf32>
        %swap3A_1563 = arith.constant 496 : index
        %swap3A_1564 = tpu.vector_load %arg9[%swap3A_1563] {strides = array<i32>} : memref<1024xf32, #tpu.memory_space<vmem>>, vector<16xf32>,
        %swap3A_1565 = vector.shape_cast %swap3A_1564 : vector<16xf32> to vector<16xf32>
        %swap3A_1566 = vector.shape_cast %add3A_1562 : vector<16xf32> to vector<16xf32>
        tpu.vector_store %arg9[%swap3A_1563], %swap3A_1566 {strides = array<i32>} : memref<1024xf32, #tpu.memory_space<vmem>>, vector<16xf32>,
        %get3A_1567 = arith.constant 512 : index
        %get3A_1568 = tpu.vector_load %arg9[%get3A_1567] {strides = array<i32>} : memref<1024xf32, #tpu.memory_space<vmem>>, vector<16xf32>,
        %get3A_1569 = vector.shape_cast %get3A_1568 : vector<16xf32> to vector<16xf32>
        %get3A_1570 = arith.index_cast %scan3A_490 : i32 to index
        %get3A_1571 = arith.constant 512 : index
        %get3A_1572 = tpu.vector_load %arg7[%get3A_1570, %get3A_1571] {strides = array<i32>} : memref<32x1024xf32, #tpu.memory_space<vmem>>, vector<1x16xf32>,
        %get3A_1573 = vector.shape_cast %get3A_1572 : vector<1x16xf32> to vector<16xf32>
        %mul3A_1574 = arith.mulf %exp3A, %get3A_1573 : vector<16xf32>
        %add3A_1575 = arith.addf %get3A_1569, %mul3A_1574 : vector<16xf32>
        %swap3A_1576 = arith.constant 512 : index
        %swap3A_1577 = tpu.vector_load %arg9[%swap3A_1576] {strides = array<i32>} : memref<1024xf32, #tpu.memory_space<vmem>>, vector<16xf32>,
        %swap3A_1578 = vector.shape_cast %swap3A_1577 : vector<16xf32> to vector<16xf32>
        %swap3A_1579 = vector.shape_cast %add3A_1575 : vector<16xf32> to vector<16xf32>
        tpu.vector_store %arg9[%swap3A_1576], %swap3A_1579 {strides = array<i32>} : memref<1024xf32, #tpu.memory_space<vmem>>, vector<16xf32>,
        %get3A_1580 = arith.constant 528 : index
        %get3A_1581 = tpu.vector_load %arg9[%get3A_1580] {strides = array<i32>} : memref<1024xf32, #tpu.memory_space<vmem>>, vector<16xf32>,
        %get3A_1582 = vector.shape_cast %get3A_1581 : vector<16xf32> to vector<16xf32>
        %get3A_1583 = arith.index_cast %scan3A_490 : i32 to index
        %get3A_1584 = arith.constant 528 : index
        %get3A_1585 = tpu.vector_load %arg7[%get3A_1583, %get3A_1584] {strides = array<i32>} : memref<32x1024xf32, #tpu.memory_space<vmem>>, vector<1x16xf32>,
        %get3A_1586 = vector.shape_cast %get3A_1585 : vector<1x16xf32> to vector<16xf32>
        %mul3A_1587 = arith.mulf %exp3A, %get3A_1586 : vector<16xf32>
        %add3A_1588 = arith.addf %get3A_1582, %mul3A_1587 : vector<16xf32>
        %swap3A_1589 = arith.constant 528 : index
        %swap3A_1590 = tpu.vector_load %arg9[%swap3A_1589] {strides = array<i32>} : memref<1024xf32, #tpu.memory_space<vmem>>, vector<16xf32>,
        %swap3A_1591 = vector.shape_cast %swap3A_1590 : vector<16xf32> to vector<16xf32>
        %swap3A_1592 = vector.shape_cast %add3A_1588 : vector<16xf32> to vector<16xf32>
        tpu.vector_store %arg9[%swap3A_1589], %swap3A_1592 {strides = array<i32>} : memref<1024xf32, #tpu.memory_space<vmem>>, vector<16xf32>,
        %get3A_1593 = arith.constant 544 : index
        %get3A_1594 = tpu.vector_load %arg9[%get3A_1593] {strides = array<i32>} : memref<1024xf32, #tpu.memory_space<vmem>>, vector<16xf32>,
        %get3A_1595 = vector.shape_cast %get3A_1594 : vector<16xf32> to vector<16xf32>
        %get3A_1596 = arith.index_cast %scan3A_490 : i32 to index
        %get3A_1597 = arith.constant 544 : index
        %get3A_1598 = tpu.vector_load %arg7[%get3A_1596, %get3A_1597] {strides = array<i32>} : memref<32x1024xf32, #tpu.memory_space<vmem>>, vector<1x16xf32>,
        %get3A_1599 = vector.shape_cast %get3A_1598 : vector<1x16xf32> to vector<16xf32>
        %mul3A_1600 = arith.mulf %exp3A, %get3A_1599 : vector<16xf32>
        %add3A_1601 = arith.addf %get3A_1595, %mul3A_1600 : vector<16xf32>
        %swap3A_1602 = arith.constant 544 : index
        %swap3A_1603 = tpu.vector_load %arg9[%swap3A_1602] {strides = array<i32>} : memref<1024xf32, #tpu.memory_space<vmem>>, vector<16xf32>,
        %swap3A_1604 = vector.shape_cast %swap3A_1603 : vector<16xf32> to vector<16xf32>
        %swap3A_1605 = vector.shape_cast %add3A_1601 : vector<16xf32> to vector<16xf32>
        tpu.vector_store %arg9[%swap3A_1602], %swap3A_1605 {strides = array<i32>} : memref<1024xf32, #tpu.memory_space<vmem>>, vector<16xf32>,
        %get3A_1606 = arith.constant 560 : index
        %get3A_1607 = tpu.vector_load %arg9[%get3A_1606] {strides = array<i32>} : memref<1024xf32, #tpu.memory_space<vmem>>, vector<16xf32>,
        %get3A_1608 = vector.shape_cast %get3A_1607 : vector<16xf32> to vector<16xf32>
        %get3A_1609 = arith.index_cast %scan3A_490 : i32 to index
        %get3A_1610 = arith.constant 560 : index
        %get3A_1611 = tpu.vector_load %arg7[%get3A_1609, %get3A_1610] {strides = array<i32>} : memref<32x1024xf32, #tpu.memory_space<vmem>>, vector<1x16xf32>,
        %get3A_1612 = vector.shape_cast %get3A_1611 : vector<1x16xf32> to vector<16xf32>
        %mul3A_1613 = arith.mulf %exp3A, %get3A_1612 : vector<16xf32>
        %add3A_1614 = arith.addf %get3A_1608, %mul3A_1613 : vector<16xf32>
        %swap3A_1615 = arith.constant 560 : index
        %swap3A_1616 = tpu.vector_load %arg9[%swap3A_1615] {strides = array<i32>} : memref<1024xf32, #tpu.memory_space<vmem>>, vector<16xf32>,
        %swap3A_1617 = vector.shape_cast %swap3A_1616 : vector<16xf32> to vector<16xf32>
        %swap3A_1618 = vector.shape_cast %add3A_1614 : vector<16xf32> to vector<16xf32>
        tpu.vector_store %arg9[%swap3A_1615], %swap3A_1618 {strides = array<i32>} : memref<1024xf32, #tpu.memory_space<vmem>>, vector<16xf32>,
        %get3A_1619 = arith.constant 576 : index
        %get3A_1620 = tpu.vector_load %arg9[%get3A_1619] {strides = array<i32>} : memref<1024xf32, #tpu.memory_space<vmem>>, vector<16xf32>,
        %get3A_1621 = vector.shape_cast %get3A_1620 : vector<16xf32> to vector<16xf32>
        %get3A_1622 = arith.index_cast %scan3A_490 : i32 to index
        %get3A_1623 = arith.constant 576 : index
        %get3A_1624 = tpu.vector_load %arg7[%get3A_1622, %get3A_1623] {strides = array<i32>} : memref<32x1024xf32, #tpu.memory_space<vmem>>, vector<1x16xf32>,
        %get3A_1625 = vector.shape_cast %get3A_1624 : vector<1x16xf32> to vector<16xf32>
        %mul3A_1626 = arith.mulf %exp3A, %get3A_1625 : vector<16xf32>
        %add3A_1627 = arith.addf %get3A_1621, %mul3A_1626 : vector<16xf32>
        %swap3A_1628 = arith.constant 576 : index
        %swap3A_1629 = tpu.vector_load %arg9[%swap3A_1628] {strides = array<i32>} : memref<1024xf32, #tpu.memory_space<vmem>>, vector<16xf32>,
        %swap3A_1630 = vector.shape_cast %swap3A_1629 : vector<16xf32> to vector<16xf32>
        %swap3A_1631 = vector.shape_cast %add3A_1627 : vector<16xf32> to vector<16xf32>
        tpu.vector_store %arg9[%swap3A_1628], %swap3A_1631 {strides = array<i32>} : memref<1024xf32, #tpu.memory_space<vmem>>, vector<16xf32>,
        %get3A_1632 = arith.constant 592 : index
        %get3A_1633 = tpu.vector_load %arg9[%get3A_1632] {strides = array<i32>} : memref<1024xf32, #tpu.memory_space<vmem>>, vector<16xf32>,
        %get3A_1634 = vector.shape_cast %get3A_1633 : vector<16xf32> to vector<16xf32>
        %get3A_1635 = arith.index_cast %scan3A_490 : i32 to index
        %get3A_1636 = arith.constant 592 : index
        %get3A_1637 = tpu.vector_load %arg7[%get3A_1635, %get3A_1636] {strides = array<i32>} : memref<32x1024xf32, #tpu.memory_space<vmem>>, vector<1x16xf32>,
        %get3A_1638 = vector.shape_cast %get3A_1637 : vector<1x16xf32> to vector<16xf32>
        %mul3A_1639 = arith.mulf %exp3A, %get3A_1638 : vector<16xf32>
        %add3A_1640 = arith.addf %get3A_1634, %mul3A_1639 : vector<16xf32>
        %swap3A_1641 = arith.constant 592 : index
        %swap3A_1642 = tpu.vector_load %arg9[%swap3A_1641] {strides = array<i32>} : memref<1024xf32, #tpu.memory_space<vmem>>, vector<16xf32>,
        %swap3A_1643 = vector.shape_cast %swap3A_1642 : vector<16xf32> to vector<16xf32>
        %swap3A_1644 = vector.shape_cast %add3A_1640 : vector<16xf32> to vector<16xf32>
        tpu.vector_store %arg9[%swap3A_1641], %swap3A_1644 {strides = array<i32>} : memref<1024xf32, #tpu.memory_space<vmem>>, vector<16xf32>,
        %get3A_1645 = arith.constant 608 : index
        %get3A_1646 = tpu.vector_load %arg9[%get3A_1645] {strides = array<i32>} : memref<1024xf32, #tpu.memory_space<vmem>>, vector<16xf32>,
        %get3A_1647 = vector.shape_cast %get3A_1646 : vector<16xf32> to vector<16xf32>
        %get3A_1648 = arith.index_cast %scan3A_490 : i32 to index
        %get3A_1649 = arith.constant 608 : index
        %get3A_1650 = tpu.vector_load %arg7[%get3A_1648, %get3A_1649] {strides = array<i32>} : memref<32x1024xf32, #tpu.memory_space<vmem>>, vector<1x16xf32>,
        %get3A_1651 = vector.shape_cast %get3A_1650 : vector<1x16xf32> to vector<16xf32>
        %mul3A_1652 = arith.mulf %exp3A, %get3A_1651 : vector<16xf32>
        %add3A_1653 = arith.addf %get3A_1647, %mul3A_1652 : vector<16xf32>
        %swap3A_1654 = arith.constant 608 : index
        %swap3A_1655 = tpu.vector_load %arg9[%swap3A_1654] {strides = array<i32>} : memref<1024xf32, #tpu.memory_space<vmem>>, vector<16xf32>,
        %swap3A_1656 = vector.shape_cast %swap3A_1655 : vector<16xf32> to vector<16xf32>
        %swap3A_1657 = vector.shape_cast %add3A_1653 : vector<16xf32> to vector<16xf32>
        tpu.vector_store %arg9[%swap3A_1654], %swap3A_1657 {strides = array<i32>} : memref<1024xf32, #tpu.memory_space<vmem>>, vector<16xf32>,
        %get3A_1658 = arith.constant 624 : index
        %get3A_1659 = tpu.vector_load %arg9[%get3A_1658] {strides = array<i32>} : memref<1024xf32, #tpu.memory_space<vmem>>, vector<16xf32>,
        %get3A_1660 = vector.shape_cast %get3A_1659 : vector<16xf32> to vector<16xf32>
        %get3A_1661 = arith.index_cast %scan3A_490 : i32 to index
        %get3A_1662 = arith.constant 624 : index
        %get3A_1663 = tpu.vector_load %arg7[%get3A_1661, %get3A_1662] {strides = array<i32>} : memref<32x1024xf32, #tpu.memory_space<vmem>>, vector<1x16xf32>,
        %get3A_1664 = vector.shape_cast %get3A_1663 : vector<1x16xf32> to vector<16xf32>
        %mul3A_1665 = arith.mulf %exp3A, %get3A_1664 : vector<16xf32>
        %add3A_1666 = arith.addf %get3A_1660, %mul3A_1665 : vector<16xf32>
        %swap3A_1667 = arith.constant 624 : index
        %swap3A_1668 = tpu.vector_load %arg9[%swap3A_1667] {strides = array<i32>} : memref<1024xf32, #tpu.memory_space<vmem>>, vector<16xf32>,
        %swap3A_1669 = vector.shape_cast %swap3A_1668 : vector<16xf32> to vector<16xf32>
        %swap3A_1670 = vector.shape_cast %add3A_1666 : vector<16xf32> to vector<16xf32>
        tpu.vector_store %arg9[%swap3A_1667], %swap3A_1670 {strides = array<i32>} : memref<1024xf32, #tpu.memory_space<vmem>>, vector<16xf32>,
        %get3A_1671 = arith.constant 640 : index
        %get3A_1672 = tpu.vector_load %arg9[%get3A_1671] {strides = array<i32>} : memref<1024xf32, #tpu.memory_space<vmem>>, vector<16xf32>,
        %get3A_1673 = vector.shape_cast %get3A_1672 : vector<16xf32> to vector<16xf32>
        %get3A_1674 = arith.index_cast %scan3A_490 : i32 to index
        %get3A_1675 = arith.constant 640 : index
        %get3A_1676 = tpu.vector_load %arg7[%get3A_1674, %get3A_1675] {strides = array<i32>} : memref<32x1024xf32, #tpu.memory_space<vmem>>, vector<1x16xf32>,
        %get3A_1677 = vector.shape_cast %get3A_1676 : vector<1x16xf32> to vector<16xf32>
        %mul3A_1678 = arith.mulf %exp3A, %get3A_1677 : vector<16xf32>
        %add3A_1679 = arith.addf %get3A_1673, %mul3A_1678 : vector<16xf32>
        %swap3A_1680 = arith.constant 640 : index
        %swap3A_1681 = tpu.vector_load %arg9[%swap3A_1680] {strides = array<i32>} : memref<1024xf32, #tpu.memory_space<vmem>>, vector<16xf32>,
        %swap3A_1682 = vector.shape_cast %swap3A_1681 : vector<16xf32> to vector<16xf32>
        %swap3A_1683 = vector.shape_cast %add3A_1679 : vector<16xf32> to vector<16xf32>
        tpu.vector_store %arg9[%swap3A_1680], %swap3A_1683 {strides = array<i32>} : memref<1024xf32, #tpu.memory_space<vmem>>, vector<16xf32>,
        %get3A_1684 = arith.constant 656 : index
        %get3A_1685 = tpu.vector_load %arg9[%get3A_1684] {strides = array<i32>} : memref<1024xf32, #tpu.memory_space<vmem>>, vector<16xf32>,
        %get3A_1686 = vector.shape_cast %get3A_1685 : vector<16xf32> to vector<16xf32>
        %get3A_1687 = arith.index_cast %scan3A_490 : i32 to index
        %get3A_1688 = arith.constant 656 : index
        %get3A_1689 = tpu.vector_load %arg7[%get3A_1687, %get3A_1688] {strides = array<i32>} : memref<32x1024xf32, #tpu.memory_space<vmem>>, vector<1x16xf32>,
        %get3A_1690 = vector.shape_cast %get3A_1689 : vector<1x16xf32> to vector<16xf32>
        %mul3A_1691 = arith.mulf %exp3A, %get3A_1690 : vector<16xf32>
        %add3A_1692 = arith.addf %get3A_1686, %mul3A_1691 : vector<16xf32>
        %swap3A_1693 = arith.constant 656 : index
        %swap3A_1694 = tpu.vector_load %arg9[%swap3A_1693] {strides = array<i32>} : memref<1024xf32, #tpu.memory_space<vmem>>, vector<16xf32>,
        %swap3A_1695 = vector.shape_cast %swap3A_1694 : vector<16xf32> to vector<16xf32>
        %swap3A_1696 = vector.shape_cast %add3A_1692 : vector<16xf32> to vector<16xf32>
        tpu.vector_store %arg9[%swap3A_1693], %swap3A_1696 {strides = array<i32>} : memref<1024xf32, #tpu.memory_space<vmem>>, vector<16xf32>,
        %get3A_1697 = arith.constant 672 : index
        %get3A_1698 = tpu.vector_load %arg9[%get3A_1697] {strides = array<i32>} : memref<1024xf32, #tpu.memory_space<vmem>>, vector<16xf32>,
        %get3A_1699 = vector.shape_cast %get3A_1698 : vector<16xf32> to vector<16xf32>
        %get3A_1700 = arith.index_cast %scan3A_490 : i32 to index
        %get3A_1701 = arith.constant 672 : index
        %get3A_1702 = tpu.vector_load %arg7[%get3A_1700, %get3A_1701] {strides = array<i32>} : memref<32x1024xf32, #tpu.memory_space<vmem>>, vector<1x16xf32>,
        %get3A_1703 = vector.shape_cast %get3A_1702 : vector<1x16xf32> to vector<16xf32>
        %mul3A_1704 = arith.mulf %exp3A, %get3A_1703 : vector<16xf32>
        %add3A_1705 = arith.addf %get3A_1699, %mul3A_1704 : vector<16xf32>
        %swap3A_1706 = arith.constant 672 : index
        %swap3A_1707 = tpu.vector_load %arg9[%swap3A_1706] {strides = array<i32>} : memref<1024xf32, #tpu.memory_space<vmem>>, vector<16xf32>,
        %swap3A_1708 = vector.shape_cast %swap3A_1707 : vector<16xf32> to vector<16xf32>
        %swap3A_1709 = vector.shape_cast %add3A_1705 : vector<16xf32> to vector<16xf32>
        tpu.vector_store %arg9[%swap3A_1706], %swap3A_1709 {strides = array<i32>} : memref<1024xf32, #tpu.memory_space<vmem>>, vector<16xf32>,
        %get3A_1710 = arith.constant 688 : index
        %get3A_1711 = tpu.vector_load %arg9[%get3A_1710] {strides = array<i32>} : memref<1024xf32, #tpu.memory_space<vmem>>, vector<16xf32>,
        %get3A_1712 = vector.shape_cast %get3A_1711 : vector<16xf32> to vector<16xf32>
        %get3A_1713 = arith.index_cast %scan3A_490 : i32 to index
        %get3A_1714 = arith.constant 688 : index
        %get3A_1715 = tpu.vector_load %arg7[%get3A_1713, %get3A_1714] {strides = array<i32>} : memref<32x1024xf32, #tpu.memory_space<vmem>>, vector<1x16xf32>,
        %get3A_1716 = vector.shape_cast %get3A_1715 : vector<1x16xf32> to vector<16xf32>
        %mul3A_1717 = arith.mulf %exp3A, %get3A_1716 : vector<16xf32>
        %add3A_1718 = arith.addf %get3A_1712, %mul3A_1717 : vector<16xf32>
        %swap3A_1719 = arith.constant 688 : index
        %swap3A_1720 = tpu.vector_load %arg9[%swap3A_1719] {strides = array<i32>} : memref<1024xf32, #tpu.memory_space<vmem>>, vector<16xf32>,
        %swap3A_1721 = vector.shape_cast %swap3A_1720 : vector<16xf32> to vector<16xf32>
        %swap3A_1722 = vector.shape_cast %add3A_1718 : vector<16xf32> to vector<16xf32>
        tpu.vector_store %arg9[%swap3A_1719], %swap3A_1722 {strides = array<i32>} : memref<1024xf32, #tpu.memory_space<vmem>>, vector<16xf32>,
        %get3A_1723 = arith.constant 704 : index
        %get3A_1724 = tpu.vector_load %arg9[%get3A_1723] {strides = array<i32>} : memref<1024xf32, #tpu.memory_space<vmem>>, vector<16xf32>,
        %get3A_1725 = vector.shape_cast %get3A_1724 : vector<16xf32> to vector<16xf32>
        %get3A_1726 = arith.index_cast %scan3A_490 : i32 to index
        %get3A_1727 = arith.constant 704 : index
        %get3A_1728 = tpu.vector_load %arg7[%get3A_1726, %get3A_1727] {strides = array<i32>} : memref<32x1024xf32, #tpu.memory_space<vmem>>, vector<1x16xf32>,
        %get3A_1729 = vector.shape_cast %get3A_1728 : vector<1x16xf32> to vector<16xf32>
        %mul3A_1730 = arith.mulf %exp3A, %get3A_1729 : vector<16xf32>
        %add3A_1731 = arith.addf %get3A_1725, %mul3A_1730 : vector<16xf32>
        %swap3A_1732 = arith.constant 704 : index
        %swap3A_1733 = tpu.vector_load %arg9[%swap3A_1732] {strides = array<i32>} : memref<1024xf32, #tpu.memory_space<vmem>>, vector<16xf32>,
        %swap3A_1734 = vector.shape_cast %swap3A_1733 : vector<16xf32> to vector<16xf32>
        %swap3A_1735 = vector.shape_cast %add3A_1731 : vector<16xf32> to vector<16xf32>
        tpu.vector_store %arg9[%swap3A_1732], %swap3A_1735 {strides = array<i32>} : memref<1024xf32, #tpu.memory_space<vmem>>, vector<16xf32>,
        %get3A_1736 = arith.constant 720 : index
        %get3A_1737 = tpu.vector_load %arg9[%get3A_1736] {strides = array<i32>} : memref<1024xf32, #tpu.memory_space<vmem>>, vector<16xf32>,
        %get3A_1738 = vector.shape_cast %get3A_1737 : vector<16xf32> to vector<16xf32>
        %get3A_1739 = arith.index_cast %scan3A_490 : i32 to index
        %get3A_1740 = arith.constant 720 : index
        %get3A_1741 = tpu.vector_load %arg7[%get3A_1739, %get3A_1740] {strides = array<i32>} : memref<32x1024xf32, #tpu.memory_space<vmem>>, vector<1x16xf32>,
        %get3A_1742 = vector.shape_cast %get3A_1741 : vector<1x16xf32> to vector<16xf32>
        %mul3A_1743 = arith.mulf %exp3A, %get3A_1742 : vector<16xf32>
        %add3A_1744 = arith.addf %get3A_1738, %mul3A_1743 : vector<16xf32>
        %swap3A_1745 = arith.constant 720 : index
        %swap3A_1746 = tpu.vector_load %arg9[%swap3A_1745] {strides = array<i32>} : memref<1024xf32, #tpu.memory_space<vmem>>, vector<16xf32>,
        %swap3A_1747 = vector.shape_cast %swap3A_1746 : vector<16xf32> to vector<16xf32>
        %swap3A_1748 = vector.shape_cast %add3A_1744 : vector<16xf32> to vector<16xf32>
        tpu.vector_store %arg9[%swap3A_1745], %swap3A_1748 {strides = array<i32>} : memref<1024xf32, #tpu.memory_space<vmem>>, vector<16xf32>,
        %get3A_1749 = arith.constant 736 : index
        %get3A_1750 = tpu.vector_load %arg9[%get3A_1749] {strides = array<i32>} : memref<1024xf32, #tpu.memory_space<vmem>>, vector<16xf32>,
        %get3A_1751 = vector.shape_cast %get3A_1750 : vector<16xf32> to vector<16xf32>
        %get3A_1752 = arith.index_cast %scan3A_490 : i32 to index
        %get3A_1753 = arith.constant 736 : index
        %get3A_1754 = tpu.vector_load %arg7[%get3A_1752, %get3A_1753] {strides = array<i32>} : memref<32x1024xf32, #tpu.memory_space<vmem>>, vector<1x16xf32>,
        %get3A_1755 = vector.shape_cast %get3A_1754 : vector<1x16xf32> to vector<16xf32>
        %mul3A_1756 = arith.mulf %exp3A, %get3A_1755 : vector<16xf32>
        %add3A_1757 = arith.addf %get3A_1751, %mul3A_1756 : vector<16xf32>
        %swap3A_1758 = arith.constant 736 : index
        %swap3A_1759 = tpu.vector_load %arg9[%swap3A_1758] {strides = array<i32>} : memref<1024xf32, #tpu.memory_space<vmem>>, vector<16xf32>,
        %swap3A_1760 = vector.shape_cast %swap3A_1759 : vector<16xf32> to vector<16xf32>
        %swap3A_1761 = vector.shape_cast %add3A_1757 : vector<16xf32> to vector<16xf32>
        tpu.vector_store %arg9[%swap3A_1758], %swap3A_1761 {strides = array<i32>} : memref<1024xf32, #tpu.memory_space<vmem>>, vector<16xf32>,
        %get3A_1762 = arith.constant 752 : index
        %get3A_1763 = tpu.vector_load %arg9[%get3A_1762] {strides = array<i32>} : memref<1024xf32, #tpu.memory_space<vmem>>, vector<16xf32>,
        %get3A_1764 = vector.shape_cast %get3A_1763 : vector<16xf32> to vector<16xf32>
        %get3A_1765 = arith.index_cast %scan3A_490 : i32 to index
        %get3A_1766 = arith.constant 752 : index
        %get3A_1767 = tpu.vector_load %arg7[%get3A_1765, %get3A_1766] {strides = array<i32>} : memref<32x1024xf32, #tpu.memory_space<vmem>>, vector<1x16xf32>,
        %get3A_1768 = vector.shape_cast %get3A_1767 : vector<1x16xf32> to vector<16xf32>
        %mul3A_1769 = arith.mulf %exp3A, %get3A_1768 : vector<16xf32>
        %add3A_1770 = arith.addf %get3A_1764, %mul3A_1769 : vector<16xf32>
        %swap3A_1771 = arith.constant 752 : index
        %swap3A_1772 = tpu.vector_load %arg9[%swap3A_1771] {strides = array<i32>} : memref<1024xf32, #tpu.memory_space<vmem>>, vector<16xf32>,
        %swap3A_1773 = vector.shape_cast %swap3A_1772 : vector<16xf32> to vector<16xf32>
        %swap3A_1774 = vector.shape_cast %add3A_1770 : vector<16xf32> to vector<16xf32>
        tpu.vector_store %arg9[%swap3A_1771], %swap3A_1774 {strides = array<i32>} : memref<1024xf32, #tpu.memory_space<vmem>>, vector<16xf32>,
        %get3A_1775 = arith.constant 768 : index
        %get3A_1776 = tpu.vector_load %arg9[%get3A_1775] {strides = array<i32>} : memref<1024xf32, #tpu.memory_space<vmem>>, vector<16xf32>,
        %get3A_1777 = vector.shape_cast %get3A_1776 : vector<16xf32> to vector<16xf32>
        %get3A_1778 = arith.index_cast %scan3A_490 : i32 to index
        %get3A_1779 = arith.constant 768 : index
        %get3A_1780 = tpu.vector_load %arg7[%get3A_1778, %get3A_1779] {strides = array<i32>} : memref<32x1024xf32, #tpu.memory_space<vmem>>, vector<1x16xf32>,
        %get3A_1781 = vector.shape_cast %get3A_1780 : vector<1x16xf32> to vector<16xf32>
        %mul3A_1782 = arith.mulf %exp3A, %get3A_1781 : vector<16xf32>
        %add3A_1783 = arith.addf %get3A_1777, %mul3A_1782 : vector<16xf32>
        %swap3A_1784 = arith.constant 768 : index
        %swap3A_1785 = tpu.vector_load %arg9[%swap3A_1784] {strides = array<i32>} : memref<1024xf32, #tpu.memory_space<vmem>>, vector<16xf32>,
        %swap3A_1786 = vector.shape_cast %swap3A_1785 : vector<16xf32> to vector<16xf32>
        %swap3A_1787 = vector.shape_cast %add3A_1783 : vector<16xf32> to vector<16xf32>
        tpu.vector_store %arg9[%swap3A_1784], %swap3A_1787 {strides = array<i32>} : memref<1024xf32, #tpu.memory_space<vmem>>, vector<16xf32>,
        %get3A_1788 = arith.constant 784 : index
        %get3A_1789 = tpu.vector_load %arg9[%get3A_1788] {strides = array<i32>} : memref<1024xf32, #tpu.memory_space<vmem>>, vector<16xf32>,
        %get3A_1790 = vector.shape_cast %get3A_1789 : vector<16xf32> to vector<16xf32>
        %get3A_1791 = arith.index_cast %scan3A_490 : i32 to index
        %get3A_1792 = arith.constant 784 : index
        %get3A_1793 = tpu.vector_load %arg7[%get3A_1791, %get3A_1792] {strides = array<i32>} : memref<32x1024xf32, #tpu.memory_space<vmem>>, vector<1x16xf32>,
        %get3A_1794 = vector.shape_cast %get3A_1793 : vector<1x16xf32> to vector<16xf32>
        %mul3A_1795 = arith.mulf %exp3A, %get3A_1794 : vector<16xf32>
        %add3A_1796 = arith.addf %get3A_1790, %mul3A_1795 : vector<16xf32>
        %swap3A_1797 = arith.constant 784 : index
        %swap3A_1798 = tpu.vector_load %arg9[%swap3A_1797] {strides = array<i32>} : memref<1024xf32, #tpu.memory_space<vmem>>, vector<16xf32>,
        %swap3A_1799 = vector.shape_cast %swap3A_1798 : vector<16xf32> to vector<16xf32>
        %swap3A_1800 = vector.shape_cast %add3A_1796 : vector<16xf32> to vector<16xf32>
        tpu.vector_store %arg9[%swap3A_1797], %swap3A_1800 {strides = array<i32>} : memref<1024xf32, #tpu.memory_space<vmem>>, vector<16xf32>,
        %get3A_1801 = arith.constant 800 : index
        %get3A_1802 = tpu.vector_load %arg9[%get3A_1801] {strides = array<i32>} : memref<1024xf32, #tpu.memory_space<vmem>>, vector<16xf32>,
        %get3A_1803 = vector.shape_cast %get3A_1802 : vector<16xf32> to vector<16xf32>
        %get3A_1804 = arith.index_cast %scan3A_490 : i32 to index
        %get3A_1805 = arith.constant 800 : index
        %get3A_1806 = tpu.vector_load %arg7[%get3A_1804, %get3A_1805] {strides = array<i32>} : memref<32x1024xf32, #tpu.memory_space<vmem>>, vector<1x16xf32>,
        %get3A_1807 = vector.shape_cast %get3A_1806 : vector<1x16xf32> to vector<16xf32>
        %mul3A_1808 = arith.mulf %exp3A, %get3A_1807 : vector<16xf32>
        %add3A_1809 = arith.addf %get3A_1803, %mul3A_1808 : vector<16xf32>
        %swap3A_1810 = arith.constant 800 : index
        %swap3A_1811 = tpu.vector_load %arg9[%swap3A_1810] {strides = array<i32>} : memref<1024xf32, #tpu.memory_space<vmem>>, vector<16xf32>,
        %swap3A_1812 = vector.shape_cast %swap3A_1811 : vector<16xf32> to vector<16xf32>
        %swap3A_1813 = vector.shape_cast %add3A_1809 : vector<16xf32> to vector<16xf32>
        tpu.vector_store %arg9[%swap3A_1810], %swap3A_1813 {strides = array<i32>} : memref<1024xf32, #tpu.memory_space<vmem>>, vector<16xf32>,
        %get3A_1814 = arith.constant 816 : index
        %get3A_1815 = tpu.vector_load %arg9[%get3A_1814] {strides = array<i32>} : memref<1024xf32, #tpu.memory_space<vmem>>, vector<16xf32>,
        %get3A_1816 = vector.shape_cast %get3A_1815 : vector<16xf32> to vector<16xf32>
        %get3A_1817 = arith.index_cast %scan3A_490 : i32 to index
        %get3A_1818 = arith.constant 816 : index
        %get3A_1819 = tpu.vector_load %arg7[%get3A_1817, %get3A_1818] {strides = array<i32>} : memref<32x1024xf32, #tpu.memory_space<vmem>>, vector<1x16xf32>,
        %get3A_1820 = vector.shape_cast %get3A_1819 : vector<1x16xf32> to vector<16xf32>
        %mul3A_1821 = arith.mulf %exp3A, %get3A_1820 : vector<16xf32>
        %add3A_1822 = arith.addf %get3A_1816, %mul3A_1821 : vector<16xf32>
        %swap3A_1823 = arith.constant 816 : index
        %swap3A_1824 = tpu.vector_load %arg9[%swap3A_1823] {strides = array<i32>} : memref<1024xf32, #tpu.memory_space<vmem>>, vector<16xf32>,
        %swap3A_1825 = vector.shape_cast %swap3A_1824 : vector<16xf32> to vector<16xf32>
        %swap3A_1826 = vector.shape_cast %add3A_1822 : vector<16xf32> to vector<16xf32>
        tpu.vector_store %arg9[%swap3A_1823], %swap3A_1826 {strides = array<i32>} : memref<1024xf32, #tpu.memory_space<vmem>>, vector<16xf32>,
        %get3A_1827 = arith.constant 832 : index
        %get3A_1828 = tpu.vector_load %arg9[%get3A_1827] {strides = array<i32>} : memref<1024xf32, #tpu.memory_space<vmem>>, vector<16xf32>,
        %get3A_1829 = vector.shape_cast %get3A_1828 : vector<16xf32> to vector<16xf32>
        %get3A_1830 = arith.index_cast %scan3A_490 : i32 to index
        %get3A_1831 = arith.constant 832 : index
        %get3A_1832 = tpu.vector_load %arg7[%get3A_1830, %get3A_1831] {strides = array<i32>} : memref<32x1024xf32, #tpu.memory_space<vmem>>, vector<1x16xf32>,
        %get3A_1833 = vector.shape_cast %get3A_1832 : vector<1x16xf32> to vector<16xf32>
        %mul3A_1834 = arith.mulf %exp3A, %get3A_1833 : vector<16xf32>
        %add3A_1835 = arith.addf %get3A_1829, %mul3A_1834 : vector<16xf32>
        %swap3A_1836 = arith.constant 832 : index
        %swap3A_1837 = tpu.vector_load %arg9[%swap3A_1836] {strides = array<i32>} : memref<1024xf32, #tpu.memory_space<vmem>>, vector<16xf32>,
        %swap3A_1838 = vector.shape_cast %swap3A_1837 : vector<16xf32> to vector<16xf32>
        %swap3A_1839 = vector.shape_cast %add3A_1835 : vector<16xf32> to vector<16xf32>
        tpu.vector_store %arg9[%swap3A_1836], %swap3A_1839 {strides = array<i32>} : memref<1024xf32, #tpu.memory_space<vmem>>, vector<16xf32>,
        %get3A_1840 = arith.constant 848 : index
        %get3A_1841 = tpu.vector_load %arg9[%get3A_1840] {strides = array<i32>} : memref<1024xf32, #tpu.memory_space<vmem>>, vector<16xf32>,
        %get3A_1842 = vector.shape_cast %get3A_1841 : vector<16xf32> to vector<16xf32>
        %get3A_1843 = arith.index_cast %scan3A_490 : i32 to index
        %get3A_1844 = arith.constant 848 : index
        %get3A_1845 = tpu.vector_load %arg7[%get3A_1843, %get3A_1844] {strides = array<i32>} : memref<32x1024xf32, #tpu.memory_space<vmem>>, vector<1x16xf32>,
        %get3A_1846 = vector.shape_cast %get3A_1845 : vector<1x16xf32> to vector<16xf32>
        %mul3A_1847 = arith.mulf %exp3A, %get3A_1846 : vector<16xf32>
        %add3A_1848 = arith.addf %get3A_1842, %mul3A_1847 : vector<16xf32>
        %swap3A_1849 = arith.constant 848 : index
        %swap3A_1850 = tpu.vector_load %arg9[%swap3A_1849] {strides = array<i32>} : memref<1024xf32, #tpu.memory_space<vmem>>, vector<16xf32>,
        %swap3A_1851 = vector.shape_cast %swap3A_1850 : vector<16xf32> to vector<16xf32>
        %swap3A_1852 = vector.shape_cast %add3A_1848 : vector<16xf32> to vector<16xf32>
        tpu.vector_store %arg9[%swap3A_1849], %swap3A_1852 {strides = array<i32>} : memref<1024xf32, #tpu.memory_space<vmem>>, vector<16xf32>,
        %get3A_1853 = arith.constant 864 : index
        %get3A_1854 = tpu.vector_load %arg9[%get3A_1853] {strides = array<i32>} : memref<1024xf32, #tpu.memory_space<vmem>>, vector<16xf32>,
        %get3A_1855 = vector.shape_cast %get3A_1854 : vector<16xf32> to vector<16xf32>
        %get3A_1856 = arith.index_cast %scan3A_490 : i32 to index
        %get3A_1857 = arith.constant 864 : index
        %get3A_1858 = tpu.vector_load %arg7[%get3A_1856, %get3A_1857] {strides = array<i32>} : memref<32x1024xf32, #tpu.memory_space<vmem>>, vector<1x16xf32>,
        %get3A_1859 = vector.shape_cast %get3A_1858 : vector<1x16xf32> to vector<16xf32>
        %mul3A_1860 = arith.mulf %exp3A, %get3A_1859 : vector<16xf32>
        %add3A_1861 = arith.addf %get3A_1855, %mul3A_1860 : vector<16xf32>
        %swap3A_1862 = arith.constant 864 : index
        %swap3A_1863 = tpu.vector_load %arg9[%swap3A_1862] {strides = array<i32>} : memref<1024xf32, #tpu.memory_space<vmem>>, vector<16xf32>,
        %swap3A_1864 = vector.shape_cast %swap3A_1863 : vector<16xf32> to vector<16xf32>
        %swap3A_1865 = vector.shape_cast %add3A_1861 : vector<16xf32> to vector<16xf32>
        tpu.vector_store %arg9[%swap3A_1862], %swap3A_1865 {strides = array<i32>} : memref<1024xf32, #tpu.memory_space<vmem>>, vector<16xf32>,
        %get3A_1866 = arith.constant 880 : index
        %get3A_1867 = tpu.vector_load %arg9[%get3A_1866] {strides = array<i32>} : memref<1024xf32, #tpu.memory_space<vmem>>, vector<16xf32>,
        %get3A_1868 = vector.shape_cast %get3A_1867 : vector<16xf32> to vector<16xf32>
        %get3A_1869 = arith.index_cast %scan3A_490 : i32 to index
        %get3A_1870 = arith.constant 880 : index
        %get3A_1871 = tpu.vector_load %arg7[%get3A_1869, %get3A_1870] {strides = array<i32>} : memref<32x1024xf32, #tpu.memory_space<vmem>>, vector<1x16xf32>,
        %get3A_1872 = vector.shape_cast %get3A_1871 : vector<1x16xf32> to vector<16xf32>
        %mul3A_1873 = arith.mulf %exp3A, %get3A_1872 : vector<16xf32>
        %add3A_1874 = arith.addf %get3A_1868, %mul3A_1873 : vector<16xf32>
        %swap3A_1875 = arith.constant 880 : index
        %swap3A_1876 = tpu.vector_load %arg9[%swap3A_1875] {strides = array<i32>} : memref<1024xf32, #tpu.memory_space<vmem>>, vector<16xf32>,
        %swap3A_1877 = vector.shape_cast %swap3A_1876 : vector<16xf32> to vector<16xf32>
        %swap3A_1878 = vector.shape_cast %add3A_1874 : vector<16xf32> to vector<16xf32>
        tpu.vector_store %arg9[%swap3A_1875], %swap3A_1878 {strides = array<i32>} : memref<1024xf32, #tpu.memory_space<vmem>>, vector<16xf32>,
        %get3A_1879 = arith.constant 896 : index
        %get3A_1880 = tpu.vector_load %arg9[%get3A_1879] {strides = array<i32>} : memref<1024xf32, #tpu.memory_space<vmem>>, vector<16xf32>,
        %get3A_1881 = vector.shape_cast %get3A_1880 : vector<16xf32> to vector<16xf32>
        %get3A_1882 = arith.index_cast %scan3A_490 : i32 to index
        %get3A_1883 = arith.constant 896 : index
        %get3A_1884 = tpu.vector_load %arg7[%get3A_1882, %get3A_1883] {strides = array<i32>} : memref<32x1024xf32, #tpu.memory_space<vmem>>, vector<1x16xf32>,
        %get3A_1885 = vector.shape_cast %get3A_1884 : vector<1x16xf32> to vector<16xf32>
        %mul3A_1886 = arith.mulf %exp3A, %get3A_1885 : vector<16xf32>
        %add3A_1887 = arith.addf %get3A_1881, %mul3A_1886 : vector<16xf32>
        %swap3A_1888 = arith.constant 896 : index
        %swap3A_1889 = tpu.vector_load %arg9[%swap3A_1888] {strides = array<i32>} : memref<1024xf32, #tpu.memory_space<vmem>>, vector<16xf32>,
        %swap3A_1890 = vector.shape_cast %swap3A_1889 : vector<16xf32> to vector<16xf32>
        %swap3A_1891 = vector.shape_cast %add3A_1887 : vector<16xf32> to vector<16xf32>
        tpu.vector_store %arg9[%swap3A_1888], %swap3A_1891 {strides = array<i32>} : memref<1024xf32, #tpu.memory_space<vmem>>, vector<16xf32>,
        %get3A_1892 = arith.constant 912 : index
        %get3A_1893 = tpu.vector_load %arg9[%get3A_1892] {strides = array<i32>} : memref<1024xf32, #tpu.memory_space<vmem>>, vector<16xf32>,
        %get3A_1894 = vector.shape_cast %get3A_1893 : vector<16xf32> to vector<16xf32>
        %get3A_1895 = arith.index_cast %scan3A_490 : i32 to index
        %get3A_1896 = arith.constant 912 : index
        %get3A_1897 = tpu.vector_load %arg7[%get3A_1895, %get3A_1896] {strides = array<i32>} : memref<32x1024xf32, #tpu.memory_space<vmem>>, vector<1x16xf32>,
        %get3A_1898 = vector.shape_cast %get3A_1897 : vector<1x16xf32> to vector<16xf32>
        %mul3A_1899 = arith.mulf %exp3A, %get3A_1898 : vector<16xf32>
        %add3A_1900 = arith.addf %get3A_1894, %mul3A_1899 : vector<16xf32>
        %swap3A_1901 = arith.constant 912 : index
        %swap3A_1902 = tpu.vector_load %arg9[%swap3A_1901] {strides = array<i32>} : memref<1024xf32, #tpu.memory_space<vmem>>, vector<16xf32>,
        %swap3A_1903 = vector.shape_cast %swap3A_1902 : vector<16xf32> to vector<16xf32>
        %swap3A_1904 = vector.shape_cast %add3A_1900 : vector<16xf32> to vector<16xf32>
        tpu.vector_store %arg9[%swap3A_1901], %swap3A_1904 {strides = array<i32>} : memref<1024xf32, #tpu.memory_space<vmem>>, vector<16xf32>,
        %get3A_1905 = arith.constant 928 : index
        %get3A_1906 = tpu.vector_load %arg9[%get3A_1905] {strides = array<i32>} : memref<1024xf32, #tpu.memory_space<vmem>>, vector<16xf32>,
        %get3A_1907 = vector.shape_cast %get3A_1906 : vector<16xf32> to vector<16xf32>
        %get3A_1908 = arith.index_cast %scan3A_490 : i32 to index
        %get3A_1909 = arith.constant 928 : index
        %get3A_1910 = tpu.vector_load %arg7[%get3A_1908, %get3A_1909] {strides = array<i32>} : memref<32x1024xf32, #tpu.memory_space<vmem>>, vector<1x16xf32>,
        %get3A_1911 = vector.shape_cast %get3A_1910 : vector<1x16xf32> to vector<16xf32>
        %mul3A_1912 = arith.mulf %exp3A, %get3A_1911 : vector<16xf32>
        %add3A_1913 = arith.addf %get3A_1907, %mul3A_1912 : vector<16xf32>
        %swap3A_1914 = arith.constant 928 : index
        %swap3A_1915 = tpu.vector_load %arg9[%swap3A_1914] {strides = array<i32>} : memref<1024xf32, #tpu.memory_space<vmem>>, vector<16xf32>,
        %swap3A_1916 = vector.shape_cast %swap3A_1915 : vector<16xf32> to vector<16xf32>
        %swap3A_1917 = vector.shape_cast %add3A_1913 : vector<16xf32> to vector<16xf32>
        tpu.vector_store %arg9[%swap3A_1914], %swap3A_1917 {strides = array<i32>} : memref<1024xf32, #tpu.memory_space<vmem>>, vector<16xf32>,
        %get3A_1918 = arith.constant 944 : index
        %get3A_1919 = tpu.vector_load %arg9[%get3A_1918] {strides = array<i32>} : memref<1024xf32, #tpu.memory_space<vmem>>, vector<16xf32>,
        %get3A_1920 = vector.shape_cast %get3A_1919 : vector<16xf32> to vector<16xf32>
        %get3A_1921 = arith.index_cast %scan3A_490 : i32 to index
        %get3A_1922 = arith.constant 944 : index
        %get3A_1923 = tpu.vector_load %arg7[%get3A_1921, %get3A_1922] {strides = array<i32>} : memref<32x1024xf32, #tpu.memory_space<vmem>>, vector<1x16xf32>,
        %get3A_1924 = vector.shape_cast %get3A_1923 : vector<1x16xf32> to vector<16xf32>
        %mul3A_1925 = arith.mulf %exp3A, %get3A_1924 : vector<16xf32>
        %add3A_1926 = arith.addf %get3A_1920, %mul3A_1925 : vector<16xf32>
        %swap3A_1927 = arith.constant 944 : index
        %swap3A_1928 = tpu.vector_load %arg9[%swap3A_1927] {strides = array<i32>} : memref<1024xf32, #tpu.memory_space<vmem>>, vector<16xf32>,
        %swap3A_1929 = vector.shape_cast %swap3A_1928 : vector<16xf32> to vector<16xf32>
        %swap3A_1930 = vector.shape_cast %add3A_1926 : vector<16xf32> to vector<16xf32>
        tpu.vector_store %arg9[%swap3A_1927], %swap3A_1930 {strides = array<i32>} : memref<1024xf32, #tpu.memory_space<vmem>>, vector<16xf32>,
        %get3A_1931 = arith.constant 960 : index
        %get3A_1932 = tpu.vector_load %arg9[%get3A_1931] {strides = array<i32>} : memref<1024xf32, #tpu.memory_space<vmem>>, vector<16xf32>,
        %get3A_1933 = vector.shape_cast %get3A_1932 : vector<16xf32> to vector<16xf32>
        %get3A_1934 = arith.index_cast %scan3A_490 : i32 to index
        %get3A_1935 = arith.constant 960 : index
        %get3A_1936 = tpu.vector_load %arg7[%get3A_1934, %get3A_1935] {strides = array<i32>} : memref<32x1024xf32, #tpu.memory_space<vmem>>, vector<1x16xf32>,
        %get3A_1937 = vector.shape_cast %get3A_1936 : vector<1x16xf32> to vector<16xf32>
        %mul3A_1938 = arith.mulf %exp3A, %get3A_1937 : vector<16xf32>
        %add3A_1939 = arith.addf %get3A_1933, %mul3A_1938 : vector<16xf32>
        %swap3A_1940 = arith.constant 960 : index
        %swap3A_1941 = tpu.vector_load %arg9[%swap3A_1940] {strides = array<i32>} : memref<1024xf32, #tpu.memory_space<vmem>>, vector<16xf32>,
        %swap3A_1942 = vector.shape_cast %swap3A_1941 : vector<16xf32> to vector<16xf32>
        %swap3A_1943 = vector.shape_cast %add3A_1939 : vector<16xf32> to vector<16xf32>
        tpu.vector_store %arg9[%swap3A_1940], %swap3A_1943 {strides = array<i32>} : memref<1024xf32, #tpu.memory_space<vmem>>, vector<16xf32>,
        %get3A_1944 = arith.constant 976 : index
        %get3A_1945 = tpu.vector_load %arg9[%get3A_1944] {strides = array<i32>} : memref<1024xf32, #tpu.memory_space<vmem>>, vector<16xf32>,
        %get3A_1946 = vector.shape_cast %get3A_1945 : vector<16xf32> to vector<16xf32>
        %get3A_1947 = arith.index_cast %scan3A_490 : i32 to index
        %get3A_1948 = arith.constant 976 : index
        %get3A_1949 = tpu.vector_load %arg7[%get3A_1947, %get3A_1948] {strides = array<i32>} : memref<32x1024xf32, #tpu.memory_space<vmem>>, vector<1x16xf32>,
        %get3A_1950 = vector.shape_cast %get3A_1949 : vector<1x16xf32> to vector<16xf32>
        %mul3A_1951 = arith.mulf %exp3A, %get3A_1950 : vector<16xf32>
        %add3A_1952 = arith.addf %get3A_1946, %mul3A_1951 : vector<16xf32>
        %swap3A_1953 = arith.constant 976 : index
        %swap3A_1954 = tpu.vector_load %arg9[%swap3A_1953] {strides = array<i32>} : memref<1024xf32, #tpu.memory_space<vmem>>, vector<16xf32>,
        %swap3A_1955 = vector.shape_cast %swap3A_1954 : vector<16xf32> to vector<16xf32>
        %swap3A_1956 = vector.shape_cast %add3A_1952 : vector<16xf32> to vector<16xf32>
        tpu.vector_store %arg9[%swap3A_1953], %swap3A_1956 {strides = array<i32>} : memref<1024xf32, #tpu.memory_space<vmem>>, vector<16xf32>,
        %get3A_1957 = arith.constant 992 : index
        %get3A_1958 = tpu.vector_load %arg9[%get3A_1957] {strides = array<i32>} : memref<1024xf32, #tpu.memory_space<vmem>>, vector<16xf32>,
        %get3A_1959 = vector.shape_cast %get3A_1958 : vector<16xf32> to vector<16xf32>
        %get3A_1960 = arith.index_cast %scan3A_490 : i32 to index
        %get3A_1961 = arith.constant 992 : index
        %get3A_1962 = tpu.vector_load %arg7[%get3A_1960, %get3A_1961] {strides = array<i32>} : memref<32x1024xf32, #tpu.memory_space<vmem>>, vector<1x16xf32>,
        %get3A_1963 = vector.shape_cast %get3A_1962 : vector<1x16xf32> to vector<16xf32>
        %mul3A_1964 = arith.mulf %exp3A, %get3A_1963 : vector<16xf32>
        %add3A_1965 = arith.addf %get3A_1959, %mul3A_1964 : vector<16xf32>
        %swap3A_1966 = arith.constant 992 : index
        %swap3A_1967 = tpu.vector_load %arg9[%swap3A_1966] {strides = array<i32>} : memref<1024xf32, #tpu.memory_space<vmem>>, vector<16xf32>,
        %swap3A_1968 = vector.shape_cast %swap3A_1967 : vector<16xf32> to vector<16xf32>
        %swap3A_1969 = vector.shape_cast %add3A_1965 : vector<16xf32> to vector<16xf32>
        tpu.vector_store %arg9[%swap3A_1966], %swap3A_1969 {strides = array<i32>} : memref<1024xf32, #tpu.memory_space<vmem>>, vector<16xf32>,
        %get3A_1970 = arith.constant 1008 : index
        %get3A_1971 = tpu.vector_load %arg9[%get3A_1970] {strides = array<i32>} : memref<1024xf32, #tpu.memory_space<vmem>>, vector<16xf32>,
        %get3A_1972 = vector.shape_cast %get3A_1971 : vector<16xf32> to vector<16xf32>
        %get3A_1973 = arith.index_cast %scan3A_490 : i32 to index
        %get3A_1974 = arith.constant 1008 : index
        %get3A_1975 = tpu.vector_load %arg7[%get3A_1973, %get3A_1974] {strides = array<i32>} : memref<32x1024xf32, #tpu.memory_space<vmem>>, vector<1x16xf32>,
        %get3A_1976 = vector.shape_cast %get3A_1975 : vector<1x16xf32> to vector<16xf32>
        %mul3A_1977 = arith.mulf %exp3A, %get3A_1976 : vector<16xf32>
        %add3A_1978 = arith.addf %get3A_1972, %mul3A_1977 : vector<16xf32>
        %swap3A_1979 = arith.constant 1008 : index
        %swap3A_1980 = tpu.vector_load %arg9[%swap3A_1979] {strides = array<i32>} : memref<1024xf32, #tpu.memory_space<vmem>>, vector<16xf32>,
        %swap3A_1981 = vector.shape_cast %swap3A_1980 : vector<16xf32> to vector<16xf32>
        %swap3A_1982 = vector.shape_cast %add3A_1978 : vector<16xf32> to vector<16xf32>
        tpu.vector_store %arg9[%swap3A_1979], %swap3A_1982 {strides = array<i32>} : memref<1024xf32, #tpu.memory_space<vmem>>, vector<16xf32>,
        %add3A_1983 = arith.addf %scan3A_491, %exp3A : vector<16xf32>
        scf.yield %add3A_1983 : vector<16xf32>
      }
      %scan3A_489 = arith.constant 32 : i32
      scf.yield %scan3A_488 : vector<16xf32>
    }
    %scan3A_474 = arith.constant 32 : i32
    %swap3A_475 = arith.constant 0 : index
    %swap3A_476 = tpu.vector_load %arg11[%swap3A_475] {strides = array<i32>} : memref<16xf32, #tpu.memory_space<vmem>>, vector<16xf32>,
    %swap3A_477 = vector.shape_cast %swap3A_476 : vector<16xf32> to vector<16xf32>
    %swap3A_478 = vector.shape_cast %scan3A_473 : vector<16xf32> to vector<16xf32>
    tpu.vector_store %arg11[%swap3A_475], %swap3A_478 {strides = array<i32>} : memref<16xf32, #tpu.memory_space<vmem>>, vector<16xf32>,
    "tpu.region"() ({
      %run_scoped3A = tpu.sem_alloc : memref<!tpu.dma_semaphore, #tpu.memory_space<semaphore_mem>>
      %dma_start3A = arith.constant 0 : i32
      %dma_start3A_479 = tpu.memref_slice %arg5[%arg0, %arg1, %dma_start3A] : memref<2x16x1024xf32, #tpu.memory_space<hbm>> -> memref<1x1x1024xf32, #tpu.memory_space<hbm>>
      %dma_start3A_480 = tpu.memref_squeeze %dma_start3A_479 : memref<1x1x1024xf32, #tpu.memory_space<hbm>> -> memref<1024xf32, #tpu.memory_space<hbm>>
      %dma_start3A_481 = arith.constant 0 : i32
      %dma_start3A_482 = tpu.memref_slice %arg5[%arg0, %arg1, %dma_start3A_481] : memref<2x16x1024xf32, #tpu.memory_space<hbm>> -> memref<1x1x1024xf32, #tpu.memory_space<hbm>>
      %dma_start3A_483 = tpu.memref_squeeze %dma_start3A_482 : memref<1x1x1024xf32, #tpu.memory_space<hbm>> -> memref<1024xf32, #tpu.memory_space<hbm>>
      tpu.enqueue_dma source(%arg9 : memref<1024xf32, #tpu.memory_space<vmem>>) target(%dma_start3A_483 : memref<1024xf32, #tpu.memory_space<hbm>>) target_semaphore(%run_scoped3A : memref<!tpu.dma_semaphore, #tpu.memory_space<semaphore_mem>>)
      %dma_wait3A = arith.constant 0 : i32
      %dma_wait3A_484 = tpu.memref_slice %arg5[%arg0, %arg1, %dma_wait3A] : memref<2x16x1024xf32, #tpu.memory_space<hbm>> -> memref<1x1x1024xf32, #tpu.memory_space<hbm>>
      %dma_wait3A_485 = tpu.memref_squeeze %dma_wait3A_484 : memref<1x1x1024xf32, #tpu.memory_space<hbm>> -> memref<1024xf32, #tpu.memory_space<hbm>>
      %dma_wait3A_486 = arith.constant 0 : i32
      %dma_wait3A_487 = tpu.memref_slice %arg5[%arg0, %arg1, %dma_wait3A_486] : memref<2x16x1024xf32, #tpu.memory_space<hbm>> -> memref<1x1x1024xf32, #tpu.memory_space<hbm>>
      %dma_wait3A_488 = tpu.memref_squeeze %dma_wait3A_487 : memref<1x1x1024xf32, #tpu.memory_space<hbm>> -> memref<1024xf32, #tpu.memory_space<hbm>>
      tpu.wait_dma2 semaphore(%run_scoped3A : memref<!tpu.dma_semaphore, #tpu.memory_space<semaphore_mem>>) src(%arg9 : memref<1024xf32, #tpu.memory_space<vmem>>) dst(%dma_wait3A_488 : memref<1024xf32, #tpu.memory_space<hbm>>)
      tpu.yield
    }) : () -> ()
    "tpu.region"() ({
      %run_scoped3A = tpu.sem_alloc : memref<!tpu.dma_semaphore, #tpu.memory_space<semaphore_mem>>
      %dma_start3A = arith.constant 0 : i32
      %dma_start3A_479 = tpu.memref_slice %arg6[%arg0, %arg1, %dma_start3A] : memref<2x16x16xf32, #tpu.memory_space<hbm>> -> memref<1x1x16xf32, #tpu.memory_space<hbm>>
      %dma_start3A_480 = tpu.memref_squeeze %dma_start3A_479 : memref<1x1x16xf32, #tpu.memory_space<hbm>> -> memref<16xf32, #tpu.memory_space<hbm>>
      %dma_start3A_481 = arith.constant 0 : i32
      %dma_start3A_482 = tpu.memref_slice %arg6[%arg0, %arg1, %dma_start3A_481] : memref<2x16x16xf32, #tpu.memory_space<hbm>> -> memref<1x1x16xf32, #tpu.memory_space<hbm>>
      %dma_start3A_483 = tpu.memref_squeeze %dma_start3A_482 : memref<1x1x16xf32, #tpu.memory_space<hbm>> -> memref<16xf32, #tpu.memory_space<hbm>>
      tpu.enqueue_dma source(%arg11 : memref<16xf32, #tpu.memory_space<vmem>>) target(%dma_start3A_483 : memref<16xf32, #tpu.memory_space<hbm>>) target_semaphore(%run_scoped3A : memref<!tpu.dma_semaphore, #tpu.memory_space<semaphore_mem>>)
      %dma_wait3A = arith.constant 0 : i32
      %dma_wait3A_484 = tpu.memref_slice %arg6[%arg0, %arg1, %dma_wait3A] : memref<2x16x16xf32, #tpu.memory_space<hbm>> -> memref<1x1x16xf32, #tpu.memory_space<hbm>>
      %dma_wait3A_485 = tpu.memref_squeeze %dma_wait3A_484 : memref<1x1x16xf32, #tpu.memory_space<hbm>> -> memref<16xf32, #tpu.memory_space<hbm>>
      %dma_wait3A_486 = arith.constant 0 : i32
      %dma_wait3A_487 = tpu.memref_slice %arg6[%arg0, %arg1, %dma_wait3A_486] : memref<2x16x16xf32, #tpu.memory_space<hbm>> -> memref<1x1x16xf32, #tpu.memory_space<hbm>>
      %dma_wait3A_488 = tpu.memref_squeeze %dma_wait3A_487 : memref<1x1x16xf32, #tpu.memory_space<hbm>> -> memref<16xf32, #tpu.memory_space<hbm>>
      tpu.wait_dma2 semaphore(%run_scoped3A : memref<!tpu.dma_semaphore, #tpu.memory_space<semaphore_mem>>) src(%arg11 : memref<16xf32, #tpu.memory_space<vmem>>) dst(%dma_wait3A_488 : memref<16xf32, #tpu.memory_space<hbm>>)
      tpu.yield
    }) : () -> ()
    return
  }
}

module attributes {stable_mosaic.version = 14 : i64} {
  func.func @_merge_body(%arg0: memref<2x16x1024xf32, #tpu.memory_space<vmem>>, %arg1: memref<2x16x16xf32, #tpu.memory_space<vmem>>, %arg2: memref<16x1024xf32, #tpu.memory_space<vmem>>) attributes {dimension_semantics = [], scalar_prefetch = 0 : i64, scratch_operands = 0 : i64, tpu.core_type = #tpu.core_type<tc>} {
    %get3A = arith.constant 0 : index
    %get3A_0 = arith.constant 0 : index
    %get3A_1 = arith.constant 0 : index
    %get3A_2 = vector.load %arg1[%get3A, %get3A_0, %get3A_1] : memref<2x16x16xf32, #tpu.memory_space<vmem>>, vector<1x16x1xf32>
    %get3A_3 = vector.shape_cast %get3A_2 : vector<1x16x1xf32> to vector<16x1xf32>
    %get3A_4 = arith.constant 1 : index
    %get3A_5 = arith.constant 0 : index
    %get3A_6 = arith.constant 0 : index
    %get3A_7 = vector.load %arg1[%get3A_4, %get3A_5, %get3A_6] : memref<2x16x16xf32, #tpu.memory_space<vmem>>, vector<1x16x1xf32>
    %get3A_8 = vector.shape_cast %get3A_7 : vector<1x16x1xf32> to vector<16x1xf32>
    %add3A = arith.addf %get3A_3, %get3A_8 : vector<16x1xf32>
    %get3A_9 = arith.constant 0 : index
    %get3A_10 = arith.constant 0 : index
    %get3A_11 = arith.constant 0 : index
    %get3A_12 = vector.load %arg0[%get3A_9, %get3A_10, %get3A_11] : memref<2x16x1024xf32, #tpu.memory_space<vmem>>, vector<1x16x1024xf32>
    %get3A_13 = vector.shape_cast %get3A_12 : vector<1x16x1024xf32> to vector<16x1024xf32>
    %get3A_14 = arith.constant 1 : index
    %get3A_15 = arith.constant 0 : index
    %get3A_16 = arith.constant 0 : index
    %get3A_17 = vector.load %arg0[%get3A_14, %get3A_15, %get3A_16] : memref<2x16x1024xf32, #tpu.memory_space<vmem>>, vector<1x16x1024xf32>
    %get3A_18 = vector.shape_cast %get3A_17 : vector<1x16x1024xf32> to vector<16x1024xf32>
    %add3A_19 = arith.addf %get3A_13, %get3A_18 : vector<16x1024xf32>
    %div3A = vector.broadcast %add3A : vector<16x1xf32> to vector<16x1024xf32>
    %div3A_20 = arith.divf %add3A_19, %div3A : vector<16x1024xf32>
    %swap3A = arith.constant 0 : index
    %swap3A_21 = arith.constant 0 : index
    %swap3A_22 = vector.load %arg2[%swap3A, %swap3A_21] : memref<16x1024xf32, #tpu.memory_space<vmem>>, vector<16x1024xf32>
    tpu.vector_store %arg2[%swap3A, %swap3A_21], %div3A_20 {strides = array<i32>} : memref<16x1024xf32, #tpu.memory_space<vmem>>, vector<16x1024xf32>,
    return
  }
}

</mosaic_0001>

<sc_bundles>
// kernel: kernel.4.cloned.1.call-start
scs
__scs_entry_jumppad:
0x0: {  	(pc) =	sbr.rel $0x88, $3  }
0x1: {  	(tag) =	ssettag $0x0;
	lr =	simm.s32 $0x1  }
0x2: {  	[smem:$0x3F9E] =	sst lr;
	_ =	strace $0xD0000000  }
0x3: {  	_ = 	snop  }
0x4: {  	_ = 	snop  }
0x5: {  	_ = 	snop  }
0x6: {  	_ = 	snop  }
0x7: {  	_ = 	snop  }
__scs_overlays_trampoline_lowered:
0x8: {  	[smem:$0x3FAD] =	sst s0  }
0x9: {  	[smem:$0x3FAE] =	sst s1  }
0xa: {  	[smem:$0x3FAF] =	sst s2  }
0xb: {  	[smem:$0x3FB0] =	sst s3  }
0xc: {  	[smem:$0x3FB1] =	sst s4  }
0xd: {  	[smem:$0x3FB2] =	sst s5  }
0xe: {  	[smem:$0x3FB3] =	sst s6  }
0xf: {  	[smem:$0x3FB4] =	sst s7  }
0x10: {  	[smem:$0x3FB5] =	sst s8  }
0x11: {  	[smem:$0x3FB6] =	sst s9;
	s0 =	simm.s32 @!p0 $0x0  }
0x12: {  	s1 =	sld [smem:$0x3F9C];
	s0 =	simm.s32 @p0 $0x1  }
0x13: {  	[smem:$0x3FB7] =	sst s0;
	s0 =	simm.s32 @!p1 $0x0  }
0x14: {  	s2 =	sld [smem:$0x3F9B];
	s0 =	simm.s32 @p1 $0x1  }
0x15: {  	[smem:$0x3FB8] =	sst s0;
	s0 =	simm.s32 @!p2 $0x0  }
0x16: {  	s3 =	sld [smem:$0x3FDB];
	s0 =	simm.s32 @p2 $0x1  }
0x17: {  	s4 =	simm.s32 $0x1BF5;
	[smem:$0x3FBA] =	sst s0  }
0x18: {  	s0 =	sld [smem:$0x3F9D];
	_ =	swait.ge [sflag:s4], $0x0  }
0x19: {  	s7 =	sld [smem:$0x3F9E]  }
0x1a: {  	s8 =	sadd.s32 $0xFFFFE003, lr  }
0x1b: {  	s9 =	sadd.s32 $0xFFFFFEF7, lr;
	s5 =	simm.s32 $0xFFFFFFFF;
	p2 =	slt.u32 s8, $0xFFFFF086  }
0x1c: {  	p1 =	slt.u32 s9, $0xF7A;
	s5 =	simm.s32 @!p2 $0x0  }
0x1d: {  	s5 =	simm.s32 @p1 $0x1;
	p0 =	seq.s32 s7, s2  }
0x1e: {  	s7 =	smul.u32 @!p0 $0xF7A, s2;
	p2 =	seq.s32 @!p0 s5, $0x0  }
0x1f: {  	s9 =	smul.u32 $0xF7A, s1;
	s8 =	simm.s32 @!p0 $0x1BF5;
	p2 =	por !p2, p0  }
0x20: {  	[sflag:s8] =	ssyncset.s32 @!p0 $0xFFFFF086;
	s6 =	sadd.s32 @!p0 s3, s7;
	s7 =	simm.s32 @!p0 $0x108  }
0x21: {  	s3 =	sadd.s32 s3, s9;
	s6 =	sadd.s32 @!p0 $0x88, s6;
	s7 =	simm.s32 @p2 $0x1082  }
0x22: {  	[simem:s7], [sflag:s8] =	dma.local @!p0 [hbm:s6], $0xF7A  }
0x23: {  	s9 =	sor.u32 $0xD0000000, s2;
	s6 =	simm.s32 $0x108;
	_ =	swait.ge @!p0 [sflag:s8], $0x0  }
0x24: {  	s3 =	sadd.s32 $0x88, s3;
	s6 =	simm.s32 @!p1 $0x1082;
	[sflag:s4] =	ssyncset.s32 $0xFFFFF086  }
0x25: {  	[simem:s6], [sflag:s4] =	dma.local [hbm:s3], $0xF7A  }
0x26: {  	[smem:$0x3F9E] =	sst s1;
	(tag) =	ssettag s2;
	_ =	strace s9  }
0x27: {  	s1 =	sld [smem:$0x3FAE]  }
0x28: {  	s2 =	sld [smem:$0x3FAF]  }
0x29: {  	s4 =	sld [smem:$0x3FB1]  }
0x2a: {  	p0 =	seq.s32 s5, $0x0;
	s5 =	sld [smem:$0x3FB2]  }
0x2b: {  	s6 =	sld [smem:$0x3FB3]  }
0x2c: {  	s7 =	sld [smem:$0x3FB4]  }
0x2d: {  	s3 =	simm.s32 $0x108;
	s8 =	sld [smem:$0x3FB5]  }
0x2e: {  	s3 =	simm.s32 @!p0 $0x1082;
	s9 =	sld [smem:$0x3FB6]  }
0x2f: {  	lr =	sadd.s32 s0, s3;
	s0 =	sld [smem:$0x3FAD]  }
0x30: {  	s3 =	sld [smem:$0x3FB0]  }
0x31: {  	[smem:$0x3FB9] =	sst s10  }
0x32: {  	s10 =	sld [smem:$0x3FB7];
	_ =	sdelay $0x3  }
0x33: {  	p0 =	seq.s32 s10, $0x1;
	s10 =	sld [smem:$0x3FB9];
	_ =	sdelay $0x3  }
0x34: {  	[smem:$0x3FB9] =	sst s10  }
0x35: {  	s10 =	sld [smem:$0x3FB8];
	_ =	sdelay $0x3  }
0x36: {  	p1 =	seq.s32 s10, $0x1;
	s10 =	sld [smem:$0x3FB9];
	_ =	sdelay $0x3  }
0x37: {  	[smem:$0x3FB9] =	sst s10  }
0x38: {  	s10 =	sld [smem:$0x3FBA]  }
0x39: {  	_ = 	snop;
	(pc) =	sbr.ind lr, $3  }
0x3a: {  	_ = 	snop  }
0x3b: {  	_ = 	snop  }
0x3c: {  	p2 =	seq.s32 s10, $0x1;
	s10 =	sld [smem:$0x3FB9]  }
0x3d: {  	_ =	shalt  }
0x3e: {  	_ =	shalt  }
0x3f: {  	_ =	shalt  }
0x40: {  	_ =	shalt  }
0x41: {  	_ =	shalt  }
0x42: {  	_ =	shalt  }
0x43: {  	_ =	shalt  }
0x44: {  	_ =	shalt  }
0x45: {  	_ =	shalt  }
0x46: {  	_ =	shalt  }
0x47: {  	_ =	shalt  }
0x48: {  	_ =	shalt  }
0x49: {  	_ =	shalt  }
0x4a: {  	_ =	shalt  }
0x4b: {  	_ =	shalt  }
0x4c: {  	_ =	shalt  }
0x4d: {  	_ =	shalt  }
0x4e: {  	_ =	shalt  }
0x4f: {  	_ =	shalt  }
0x50: {  	_ =	shalt  }
0x51: {  	_ =	shalt  }
0x52: {  	_ =	shalt  }
0x53: {  	_ =	shalt  }
0x54: {  	_ =	shalt  }
0x55: {  	_ =	shalt  }
0x56: {  	_ =	shalt  }
0x57: {  	_ =	shalt  }
0x58: {  	_ =	shalt  }
0x59: {  	_ =	shalt  }
0x5a: {  	_ =	shalt  }
0x5b: {  	_ =	shalt  }
0x5c: {  	_ =	shalt  }
0x5d: {  	_ =	shalt  }
0x5e: {  	_ =	shalt  }
0x5f: {  	_ =	shalt  }
0x60: {  	_ =	shalt  }
0x61: {  	_ =	shalt  }
0x62: {  	_ =	shalt  }
0x63: {  	_ =	shalt  }
0x64: {  	_ =	shalt  }
0x65: {  	_ =	shalt  }
0x66: {  	_ =	shalt  }
0x67: {  	_ =	shalt  }
0x68: {  	_ =	shalt  }
0x69: {  	_ =	shalt  }
0x6a: {  	_ =	shalt  }
0x6b: {  	_ =	shalt  }
0x6c: {  	_ =	shalt  }
0x6d: {  	_ =	shalt  }
0x6e: {  	_ =	shalt  }
0x6f: {  	_ =	shalt  }
0x70: {  	_ =	shalt  }
0x71: {  	_ =	shalt  }
0x72: {  	_ =	shalt  }
0x73: {  	_ =	shalt  }
0x74: {  	_ =	shalt  }
0x75: {  	_ =	shalt  }
0x76: {  	_ =	shalt  }
0x77: {  	_ =	shalt  }
0x78: {  	_ =	shalt  }
0x79: {  	_ =	shalt  }
0x7a: {  	_ =	shalt  }
0x7b: {  	_ =	shalt  }
0x7c: {  	_ =	shalt  }
0x7d: {  	_ =	shalt  }
0x7e: {  	_ =	shalt  }
0x7f: {  	_ =	shalt  }
0x80: {  	_ =	shalt  }
0x81: {  	_ =	shalt  }
0x82: {  	_ =	shalt  }
0x83: {  	_ =	shalt  }
0x84: {  	_ =	shalt  }
0x85: {  	_ =	shalt  }
0x86: {  	_ =	shalt  }
0x87: {  	_ =	shalt  }
.Lfunc_end0:
.L_simem_size_0:
called_computation_lowered:
.L_overlay_start_0:
0x88: {  	s2 =	sld [smem:$0x3FD9]  }
0x89: {  	s3 =	sld [smem:$0x3FFE];
	_ =	sdelay $0x1  }
0x8a: {  	s1 =	srdreg.scid  }
0x8b: {  	s0 =	sand.u32 $0x1, s1  }
0x8c: {  	s17 =	sshll.u32 s0, $0xA;
	s2 =	sadd.s32 s3, s2  }
0x8d: {  	s2 =	sadd.s32 s2, s17  }
0x8e: {  	[smem:$0x3FC5] =	sst s2  }
0x8f: {  	_ = 	snop  }
0x90: {  	s2 =	sld [smem:$0x3FC9]  }
0x91: {  	s18 =	sld [smem:$0x3FC8]  }
0x92: {  	s4 =	sld [smem:$0x3FC7]  }
0x93: {  	s5 =	sld [smem:$0x3FD0];
	(tm) =	ssettm $0x1  }
0x94: {  	s6 =	sld [smem:$0x3FFB];
	_ =	sdelay $0x3  }
0x95: {  	_ =	strace s6  }
0x96: {  	s6 =	sld [smem:$0x3FFC];
	_ =	sdelay $0x3  }
0x97: {  	_ =	strace s6  }
0x98: {  	s6 =	sld [smem:$0x3FFD];
	_ =	sdelay $0x3  }
0x99: {  	_ =	strace s6  }
0x9a: {  	_ =	strace $0x8FFFFFFF  }
0x9b: {  	s19 =	sld [smem:$0x3FDB];
	_ =	sdelay $0x1  }
0x9c: {  	s7 =	simm.s32 $_scs_section_size  }
0x9d: {  	s8 =	simm.s32 $_size__tile_overlayer_lowered;
	s9 =	simm.s32 $_tile_overlayer_lowered  }
0x9e: {  	s22 =	simm.s32 $0x1BFF;
	s21 =	sshll.u32 s9, $0x1;
	s6 =	sadd.s32 s7, s19  }
0x9f: {  	s10 =	simm.s32 $0x0;
	s20 =	sshll.u32 s8, $0x1;
	s8 =	sadd.s32 s21, s6  }
0xa0: {  	[timem:s10], [sflag:s22] =	dma.local [hbm:s8], s20  }
0xa1: {  	_ =	swait.ge [sflag:s22], s20  }
0xa2: {  	s7 =	ssub.s32 $0x0, s20;
	[sflag:s22] =	ssyncset.done $0x0  }
0xa3: {  	[sflag:s22] =	ssyncadd.s32 s7;
	_ =	sdelay $0x1  }
0xa4: {  	s23 =	simm.s32 $0x1B8B  }
0xa5: {  	_ =	swait.ge [sflag:s23], $0x1  }
0xa6: {  	[sflag:s23] =	ssyncset.done $0x0  }
0xa7: {  	s25 =	simm.s32 $0x1B8E;
	s24 =	sld [smem:$0x3FFE];
	[sflag:s23] =	ssyncadd.s32 $0xFFFFFFFF  }
0xa8: {  	s26 =	simm.s32 $execute0_lowered;
	[smem:$0x3FD2] =	sst s25  }
0xa9: {  	s8 =	sshll.u32 s26, $0x1;
	_ =	strace $0x80000046;
	[dreg:$0x1] =	wrdreg $0xFFFFFFFF  }
0xaa: {  	s28 =	simm.s32 $_size_execute0_lowered;
	s6 =	sadd.s32 s6, s8;
	[dreg:$0x0] =	wrdreg $0x0  }
0xab: {  	s8 =	sshll.u32 s28, $0x1;
	[dreg:$0x2] =	wrdreg s6  }
0xac: {  	[dreg:$0x3] =	wrdreg s8  }
0xad: {  	[dreg:$0x4] =	wrdreg $0xC0  }
0xae: {  	_ =	task [dreg:s10], $0x5FFFF  }
0xaf: {  	[dreg:$0x1] =	wrdreg $0xFFFFFFFF  }
0xb0: {  	[dreg:$0x0] =	wrdreg $0x60  }
0xb1: {  	[dreg:$0x2] =	wrdreg s2  }
0xb2: {  	[dreg:$0x3] =	wrdreg s18  }
0xb3: {  	[dreg:$0x4] =	wrdreg s4  }
0xb4: {  	[dreg:$0x5] =	wrdreg s24  }
0xb5: {  	[dreg:$0x6] =	wrdreg s5  }
0xb6: {  	[dreg:$0x7] =	wrdreg $0x9  }
0xb7: {  	_ =	task.clear_ibuf [dreg:s10], $0x8FFFF;
	_ =	strace $0x90000046  }
0xb8: {  	s29 =	simm.s32 $0x9;
	_ =	strace $0x80000048  }
0xb9: {  	_ =	swait.ge [sflag:s29], $0x1  }
0xba: {  	[sflag:s29] =	ssyncadd.s32 $0xFFFFFFFF  }
0xbb: {  	_ =	strace $0x90000048  }
0xbc: {  	_ =	sfence  }
0xbd: {  	s30 =	sld [smem:$0x0];
	_ =	sdelay $0x2  }
0xbe: {  	s31 =	sshll.u32 s1, $0xD;
	s1 =	sshrl.u32 s1, $0x2  }
0xbf: {  	s3 =	sand.u32 $0x4000, s31;
	s1 =	sadd.s32 s1, s30  }
0xc0: {  	s0 =	sor.u32 s3, s0;
	s1 =	sshll.u32 s1, $0x11  }
0xc1: {  	s0 =	sor.u32 s1, s0  }
0xc2: {  	s0 =	sadd.s32 $0x8F2B, s0  }
0xc3: {  	[sflag:s0] =	ssyncadd.remote.s32 $0x1  }
0xc4: {  	_ =	sfence.sel $0xFFFF  }
0xc5: {  	[dreg:$0x0] =	wrdreg $0xFFFFFFFF;
	(pc) =	sbr.abs _section_cstart, $3  }
0xc6: {  	[dreg:$0x1] =	wrdreg $0xFFFFFFFF  }
0xc7: {  	_ =	task.clear_ibuf [dreg:s10], $0x2FFFF;
	_ =	strace $0x9FFFFFFF  }
0xc8: {  	(tm) =	ssettm $0x7FFFFFFF  }
0xc9: {  	_ =	shalt  }
tec
execute0_lowered:
.L_overlay_start_1:
0x0: {  	(tag) =	ssettag $0x1  }
0x1: {  	s1 =	rddreg [dreg:$0x0]  }
0x2: {  	s0 =	rddreg [dreg:$0x3]  }
0x3: {  	s2 =	rddreg [dreg:$0x4];
	s5 =	simm.s32 $0x0;
	s4 =	srdreg.scid  }
0x4: {  	v0 =	vimm.s32 $0xFEDCBA98;
	s3 =	stileid.u32;
	v1 =	vimm.s32 $0x76543210;
	s12 =	simm.s32 $0x8000;
	s13 =	simm.s32 $0x80  }
0x5: {  	v4 =	vimm.s32 $0x3210FEDC;
	v5 =	vimm.s32 $0xBA987654;
	s14 =	simm.s32 $0x400;
	s16 =	simm.s32 $0x8880;
	s17 =	simm.s32 $0x0  }
0x6: {  	v6 =	vimm.s32 $0x10FEDCBA;
	v7 =	vimm.s32 $0x98765432;
	[smem:$0x7FF] =	sst s5;
	s4 =	sand.u32 $0x1, s4;
	s6 =	sshrl.u32 s3, $0x3  }
0x7: {  	v3 =	vlaneseq.u32;
	v8 =	vimm.s32 $0xFEDCBA9;
	v9 =	vimm.s32 $0x87654321;
	s9 =	sshll.u32 s3, $0x7;
	s31 =	sshll.u32 s3, $0xB;
	s7 =	sshll.u32 s4, $0xE  }
0x8: {  	v0 =	vunpack.c.l.s4.s8 v0;
	v1 =	vunpack.c.l.s4.s8 v1;
	v2 =	vmov s3;
	s8 =	sshll.u32 s6, $0xD;
	_ =	strace $0x80000047;
	s28 =	sand.u32 $0x380, s9  }
0x9: {  	v4 =	vunpack.c.l.s4.s8 v4;
	v5 =	vunpack.c.l.s4.s8 v5;
	v6 =	vunpack.c.l.s4.s8 v6;
	s29 =	sshll.u32 s4, $0xB;
	s6 =	sshll.u32 s6, $0xA;
	s10 =	ssub.s32 $0x2, s4  }
0xa: {  	v7 =	vunpack.c.l.s4.s8 v7;
	v8 =	vunpack.c.l.s4.s8 v8;
	v9 =	vunpack.c.l.s4.s8 v9;
	s4 =	sshll.u32 s4, $0xA;
	s7 =	sor.u32 s7, s8;
	s11 =	sshrl.u32 s10, $0x1  }
0xb: {  	v0 =	vunpack.c.0.s8.s32 v0;
	v1 =	vunpack.c.0.s8.s32 v1;
	s6 =	sor.u32 s29, s6;
	s15 =	scvt.s32.f32 s4;
	v4 =	vunpack.c.0.s8.s32 v4;
	s7 =	sor.u32 s28, s7  }
0xc: {  	v5 =	vunpack.c.0.s8.s32 v5;
	v6 =	vunpack.c.0.s8.s32 v6;
	v7 =	vunpack.c.0.s8.s32 v7;
	s30 =	ssub.s32 s10, s11;
	s6 =	sor.u32 s28, s6;
	s10 =	simm.s32 $0x8800  }
0xd: {  	v8 =	vunpack.c.0.s8.s32 v8;
	v9 =	vunpack.c.0.s8.s32 v9;
	s11 =	simm.s32 $0x1;
	v0 =	vand.u32 $0xF, v0;
	s7 =	sshrl.u32 s7, $0x3;
	s8 =	sshrl.u32 s6, $0x3  }
0xe: {  	vm0 =	veq.s32 v2, v3;
	s6 =	sor.u32 s4, s31;
	s9 =	smax.u32 s30, $0x1;
	v2 =	vcombine.low v7, v6;
	s0 =	sadd.s32 s7, s0;
	v0 =	vcombine.low v0, v1  }
0xf: {  	v3 =	vmov s15;
	s15 =	simm.s32 $0x8400;
	s8 =	sadd.s32 s2, s8;
	v1 =	vcombine.low v5, v4;
	v4 =	vcombine.low v9, v8;
	s7 =	sadd.s32 $0xC00, s0  }
.LBB2_1:
0x10: {  	s0 =	rddreg [dreg:$0x1]  }
0x11: {  	[tilespmem:s10], [sflag:$0x1] =	stream.linear.gather [hbm4b:s0+s5], $0x80, $0x38;
	[tilespmem:$0x8900] =	vst v63  }
0x12: {  	_ =	swait.ge [sflag:s11], $0x80  }
0x13: {  	[sflag:s11] =	ssyncset.done $0x0  }
0x14: {  	[sflag:s11] =	ssyncadd.s32 $0xFFFFFF80  }
0x15: {  	s31 =	rddreg [dreg:$0x2]  }
0x16: {  	[tilespmem:s12], [sflag:$0x1] =	stream.linear.gather [hbm4b:s31+s5], $0x400, $0x38;
	[tilespmem:$0x8900] =	vst v63  }
0x17: {  	_ =	swait.ge [sflag:s11], $0x400  }
0x18: {  	[sflag:s11] =	ssyncset.done $0x0  }
0x19: {  	v5 =	vimm.f32 $0.0e+00;
	[sflag:s11] =	ssyncadd.s32 $0xFFFFFC00  }
0x1a: {  	[tilespmem:$0x8400] =	vst v5  }
0x1b: {  	[tilespmem:$0x8410] =	vst v5  }
0x1c: {  	[tilespmem:$0x8420] =	vst v5  }
0x1d: {  	[tilespmem:$0x8430] =	vst v5  }
0x1e: {  	[tilespmem:$0x8440] =	vst v5  }
0x1f: {  	[tilespmem:$0x8450] =	vst v5  }
0x20: {  	[tilespmem:$0x8460] =	vst v5  }
0x21: {  	[tilespmem:$0x8470] =	vst v5  }
0x22: {  	[tilespmem:$0x8480] =	vst v5  }
0x23: {  	[tilespmem:$0x8490] =	vst v5  }
0x24: {  	[tilespmem:$0x84A0] =	vst v5  }
0x25: {  	[tilespmem:$0x84B0] =	vst v5  }
0x26: {  	[tilespmem:$0x84C0] =	vst v5  }
0x27: {  	[tilespmem:$0x84D0] =	vst v5  }
0x28: {  	[tilespmem:$0x84E0] =	vst v5  }
0x29: {  	[tilespmem:$0x84F0] =	vst v5  }
0x2a: {  	[tilespmem:$0x8500] =	vst v5  }
0x2b: {  	[tilespmem:$0x8510] =	vst v5  }
0x2c: {  	[tilespmem:$0x8520] =	vst v5  }
0x2d: {  	[tilespmem:$0x8530] =	vst v5  }
0x2e: {  	[tilespmem:$0x8540] =	vst v5  }
0x2f: {  	[tilespmem:$0x8550] =	vst v5  }
0x30: {  	[tilespmem:$0x8560] =	vst v5  }
0x31: {  	[tilespmem:$0x8570] =	vst v5  }
0x32: {  	[tilespmem:$0x8580] =	vst v5  }
0x33: {  	[tilespmem:$0x8590] =	vst v5  }
0x34: {  	[tilespmem:$0x85A0] =	vst v5  }
0x35: {  	[tilespmem:$0x85B0] =	vst v5  }
0x36: {  	[tilespmem:$0x85C0] =	vst v5  }
0x37: {  	[tilespmem:$0x85D0] =	vst v5  }
0x38: {  	[tilespmem:$0x85E0] =	vst v5  }
0x39: {  	[tilespmem:$0x85F0] =	vst v5  }
0x3a: {  	[tilespmem:$0x8600] =	vst v5  }
0x3b: {  	[tilespmem:$0x8610] =	vst v5  }
0x3c: {  	[tilespmem:$0x8620] =	vst v5  }
0x3d: {  	[tilespmem:$0x8630] =	vst v5  }
0x3e: {  	v6 =	vld [tilespmem:$0x8800];
	[tilespmem:$0x8640] =	vst v5  }
0x3f: {  	[tilespmem:$0x8650] =	vst v5  }
0x40: {  	[tilespmem:$0x8660] =	vst v5  }
0x41: {  	[tilespmem:$0x8670] =	vst v5  }
0x42: {  	[tilespmem:$0x8680] =	vst v5  }
0x43: {  	[tilespmem:$0x8690] =	vst v5;
	v6 =	vcvt.s32.f32 v6  }
0x44: {  	[tilespmem:$0x86A0] =	vst v5  }
0x45: {  	[tilespmem:$0x86B0] =	vst v5;
	v6 =	vnsel vm0, $0x0, v6  }
0x46: {  	[tilespmem:$0x86C0] =	vst v5;
	v7 =	vperm.xlane v6, v0  }
0x47: {  	[tilespmem:$0x86D0] =	vst v5  }
0x48: {  	[tilespmem:$0x86E0] =	vst v5;
	v6 =	vadd.f32 v6, v7  }
0x49: {  	[tilespmem:$0x86F0] =	vst v5  }
0x4a: {  	[tilespmem:$0x8700] =	vst v5;
	v7 =	vperm.xlane v6, v1  }
0x4b: {  	[tilespmem:$0x8710] =	vst v5  }
0x4c: {  	[tilespmem:$0x8720] =	vst v5;
	v6 =	vadd.f32 v6, v7  }
0x4d: {  	[tilespmem:$0x8730] =	vst v5  }
0x4e: {  	[tilespmem:$0x8740] =	vst v5;
	v7 =	vperm.xlane v6, v2  }
0x4f: {  	[tilespmem:$0x8750] =	vst v5  }
0x50: {  	[tilespmem:$0x8760] =	vst v5;
	v6 =	vadd.f32 v6, v7  }
0x51: {  	[tilespmem:$0x8770] =	vst v5  }
0x52: {  	[tilespmem:$0x8780] =	vst v5;
	v7 =	vperm.xlane v6, v4  }
0x53: {  	[tilespmem:$0x8790] =	vst v5  }
0x54: {  	[tilespmem:$0x87A0] =	vst v5;
	v6 =	vadd.f32 v6, v7  }
0x55: {  	[tilespmem:$0x87B0] =	vst v5  }
0x56: {  	[tilespmem:$0x87C0] =	vst v5;
	v6 =	vsub.f32 v6, v3  }
0x57: {  	[tilespmem:$0x87D0] =	vst v5  }
0x58: {  	[tilespmem:$0x87E0] =	vst v5;
	v6 =	vmax.f32 v6, $0.0e+00  }
0x59: {  	s18 =	simm.s32 $0x0;
	s19 =	simm.s32 $0x0;
	[tilespmem:$0x87F0] =	vst v5;
	v6 =	vmin.f32 v6, $1.024000000e+03  }
.LBB2_2:
0x5a: {  	s0 =	sshll.u32 s19, $0x5  }
0x5b: {  	s0 =	sadd.s32 s6, s0  }
0x5c: {  	s0 =	sshll.u32 s0, $0x7  }
0x5d: {  	s20 =	simm.s32 $0x0;
	s0 =	sadd.s32 s1, s0  }
0x5e: {  	[tilespmem:s20], [sflag:$0x1] =	stream.linear.gather [hbm4b:s0+s20], $0x8000, $0x38;
	[tilespmem:$0x8900] =	vst v63  }
0x5f: {  	_ =	swait.ge [sflag:s11], $0x8000  }
0x60: {  	s21 =	simm.s32 $0xFFFF8000;
	s22 =	smov.u32 s18;
	[sflag:s11] =	ssyncset.done $0x0  }
0x61: {  	s23 =	simm.s32 $0x0;
	s24 =	simm.s32 $0x0;
	[sflag:s11] =	ssyncadd.s32 $0xFFFF8000  }
.LBB2_3:
0x62: {  	s0 =	sadd.s32 $0x8000, s21  }
0x63: {  	s2 =	sand.u32 $0x380, s24;
	s0 =	sand.u32 $0x6000, s0  }
0x64: {  	v7 =	vld [tilespmem:$0x8000];
	s25 =	sor.u32 s2, s0  }
0x65: {  	v8 =	vld [tilespmem:s25+$0x0]  }
0x66: {  	v10 =	vld [tilespmem:$0x8010]  }
0x67: {  	v9 =	vld [tilespmem:s25+$0x10]  }
0x68: {  	v12 =	vld [tilespmem:$0x8020]  }
0x69: {  	v11 =	vld [tilespmem:s25+$0x20]  }
0x6a: {  	v14 =	vld [tilespmem:$0x8030];
	v7 =	vmul.f32 v7, v8  }
0x6b: {  	v13 =	vld [tilespmem:s25+$0x30]  }
0x6c: {  	v15 =	vld [tilespmem:$0x8040];
	v9 =	vmul.f32 v10, v9;
	v7 =	vadd.f32 $0.0e+00, v7  }
0x6d: {  	v55 =	vld [tilespmem:s25+$0x40]  }
0x6e: {  	v58 =	vld [tilespmem:$0x8050];
	v56 =	vmul.f32 v12, v11;
	v7 =	vadd.f32 v9, v7  }
0x6f: {  	v57 =	vld [tilespmem:s25+$0x50]  }
0x70: {  	v61 =	vld [tilespmem:$0x8060];
	v59 =	vmul.f32 v14, v13;
	v7 =	vadd.f32 v56, v7  }
0x71: {  	v60 =	vld [tilespmem:s25+$0x60]  }
0x72: {  	v18 =	vld [tilespmem:$0x8070];
	v62 =	vmul.f32 v15, v55;
	v7 =	vadd.f32 v59, v7  }
0x73: {  	v63 =	vld [tilespmem:s25+$0x70]  }
0x74: {  	v21 =	vld [tilespmem:$0x8080];
	v19 =	vmul.f32 v58, v57;
	v7 =	vadd.f32 v62, v7  }
0x75: {  	v20 =	vld [tilespmem:s25+$0x400]  }
0x76: {  	v24 =	vld [tilespmem:$0x8090];
	v22 =	vmul.f32 v61, v60;
	v7 =	vadd.f32 v19, v7  }
0x77: {  	v23 =	vld [tilespmem:s25+$0x410]  }
0x78: {  	v27 =	vld [tilespmem:$0x80A0];
	v25 =	vmul.f32 v18, v63;
	v7 =	vadd.f32 v22, v7  }
0x79: {  	v26 =	vld [tilespmem:s25+$0x420]  }
0x7a: {  	v30 =	vld [tilespmem:$0x80B0];
	v28 =	vmul.f32 v21, v20;
	v7 =	vadd.f32 v25, v7  }
0x7b: {  	v29 =	vld [tilespmem:s25+$0x430]  }
0x7c: {  	v33 =	vld [tilespmem:$0x80C0];
	v31 =	vmul.f32 v24, v23;
	v7 =	vadd.f32 v28, v7  }
0x7d: {  	v32 =	vld [tilespmem:s25+$0x440]  }
0x7e: {  	v36 =	vld [tilespmem:$0x80D0];
	v34 =	vmul.f32 v27, v26;
	v7 =	vadd.f32 v31, v7  }
0x7f: {  	v35 =	vld [tilespmem:s25+$0x450]  }
0x80: {  	v39 =	vld [tilespmem:$0x80E0];
	v37 =	vmul.f32 v30, v29;
	v7 =	vadd.f32 v34, v7  }
0x81: {  	v38 =	vld [tilespmem:s25+$0x460]  }
0x82: {  	v42 =	vld [tilespmem:$0x80F0];
	v40 =	vmul.f32 v33, v32;
	v7 =	vadd.f32 v37, v7  }
0x83: {  	v41 =	vld [tilespmem:s25+$0x470]  }
0x84: {  	v45 =	vld [tilespmem:$0x8100];
	v43 =	vmul.f32 v36, v35;
	v7 =	vadd.f32 v40, v7  }
0x85: {  	v44 =	vld [tilespmem:s25+$0x800]  }
0x86: {  	v48 =	vld [tilespmem:$0x8110];
	v46 =	vmul.f32 v39, v38;
	v7 =	vadd.f32 v43, v7  }
0x87: {  	v47 =	vld [tilespmem:s25+$0x810]  }
0x88: {  	v51 =	vld [tilespmem:$0x8120];
	v49 =	vmul.f32 v42, v41;
	v7 =	vadd.f32 v46, v7  }
0x89: {  	v50 =	vld [tilespmem:s25+$0x820]  }
0x8a: {  	v54 =	vld [tilespmem:$0x8130];
	v52 =	vmul.f32 v45, v44;
	v7 =	vadd.f32 v49, v7  }
0x8b: {  	v53 =	vld [tilespmem:s25+$0x830]  }
0x8c: {  	v55 =	vmul.f32 v48, v47;
	v57 =	vld [tilespmem:$0x8140];
	v7 =	vadd.f32 v52, v7  }
0x8d: {  	v56 =	vld [tilespmem:s25+$0x840]  }
0x8e: {  	v58 =	vmul.f32 v51, v50;
	v60 =	vld [tilespmem:$0x8150];
	v7 =	vadd.f32 v55, v7  }
0x8f: {  	v59 =	vld [tilespmem:s25+$0x850]  }
0x90: {  	v61 =	vmul.f32 v54, v53;
	v63 =	vld [tilespmem:$0x8160];
	v7 =	vadd.f32 v58, v7  }
0x91: {  	v62 =	vld [tilespmem:s25+$0x860]  }
0x92: {  	v18 =	vld [tilespmem:s25+$0x870];
	v17 =	vmul.f32 v57, v56;
	v7 =	vadd.f32 v61, v7  }
0x93: {  	v19 =	vld [tilespmem:$0x8170]  }
0x94: {  	v21 =	vld [tilespmem:s25+$0xC00];
	v20 =	vmul.f32 v60, v59;
	v7 =	vadd.f32 v17, v7  }
0x95: {  	v22 =	vld [tilespmem:$0x8180]  }
0x96: {  	v24 =	vld [tilespmem:s25+$0xC10];
	v23 =	vmul.f32 v63, v62;
	v7 =	vadd.f32 v20, v7  }
0x97: {  	v25 =	vld [tilespmem:$0x8190]  }
0x98: {  	v27 =	vld [tilespmem:s25+$0xC20];
	v26 =	vmul.f32 v19, v18;
	v7 =	vadd.f32 v23, v7  }
0x99: {  	v28 =	vld [tilespmem:$0x81A0]  }
0x9a: {  	v30 =	vld [tilespmem:s25+$0xC30];
	v29 =	vmul.f32 v22, v21;
	v7 =	vadd.f32 v26, v7  }
0x9b: {  	v31 =	vld [tilespmem:$0x81B0]  }
0x9c: {  	v33 =	vld [tilespmem:s25+$0xC40];
	v32 =	vmul.f32 v25, v24;
	v7 =	vadd.f32 v29, v7  }
0x9d: {  	v34 =	vld [tilespmem:$0x81C0]  }
0x9e: {  	v36 =	vld [tilespmem:s25+$0xC50];
	v35 =	vmul.f32 v28, v27;
	v7 =	vadd.f32 v32, v7  }
0x9f: {  	v37 =	vld [tilespmem:$0x81D0]  }
0xa0: {  	v39 =	vld [tilespmem:s25+$0xC60];
	v38 =	vmul.f32 v31, v30;
	v7 =	vadd.f32 v35, v7  }
0xa1: {  	v40 =	vld [tilespmem:$0x81E0]  }
0xa2: {  	v42 =	vld [tilespmem:s25+$0xC70];
	v41 =	vmul.f32 v34, v33;
	v7 =	vadd.f32 v38, v7  }
0xa3: {  	v43 =	vld [tilespmem:$0x81F0]  }
0xa4: {  	v45 =	vld [tilespmem:s25+$0x1000];
	v44 =	vmul.f32 v37, v36;
	v7 =	vadd.f32 v41, v7  }
0xa5: {  	v46 =	vld [tilespmem:$0x8200]  }
0xa6: {  	v48 =	vld [tilespmem:s25+$0x1010];
	v47 =	vmul.f32 v40, v39;
	v7 =	vadd.f32 v44, v7  }
0xa7: {  	v49 =	vld [tilespmem:$0x8210]  }
0xa8: {  	v51 =	vld [tilespmem:s25+$0x1020];
	v50 =	vmul.f32 v43, v42;
	v7 =	vadd.f32 v47, v7  }
0xa9: {  	v52 =	vld [tilespmem:$0x8220]  }
0xaa: {  	v54 =	vld [tilespmem:s25+$0x1030];
	v53 =	vmul.f32 v46, v45;
	v7 =	vadd.f32 v50, v7  }
0xab: {  	v55 =	vld [tilespmem:$0x8230]  }
0xac: {  	v57 =	vld [tilespmem:s25+$0x1040];
	v56 =	vmul.f32 v49, v48;
	v7 =	vadd.f32 v53, v7  }
0xad: {  	v58 =	vld [tilespmem:$0x8240]  }
0xae: {  	v60 =	vld [tilespmem:s25+$0x1050];
	v59 =	vmul.f32 v52, v51;
	v7 =	vadd.f32 v56, v7  }
0xaf: {  	v61 =	vld [tilespmem:$0x8250]  }
0xb0: {  	v63 =	vld [tilespmem:s25+$0x1060];
	v62 =	vmul.f32 v55, v54;
	v7 =	vadd.f32 v59, v7  }
0xb1: {  	v18 =	vld [tilespmem:$0x8260]  }
0xb2: {  	v21 =	vld [tilespmem:$0x8270];
	v19 =	vmul.f32 v58, v57;
	v7 =	vadd.f32 v62, v7  }
0xb3: {  	v20 =	vld [tilespmem:s25+$0x1070]  }
0xb4: {  	v24 =	vld [tilespmem:$0x8280];
	v22 =	vmul.f32 v61, v60;
	v7 =	vadd.f32 v19, v7  }
0xb5: {  	v23 =	vld [tilespmem:s25+$0x1400]  }
0xb6: {  	v25 =	vmul.f32 v18, v63;
	v27 =	vld [tilespmem:$0x8290];
	v7 =	vadd.f32 v22, v7  }
0xb7: {  	v26 =	vld [tilespmem:s25+$0x1410]  }
0xb8: {  	v30 =	vld [tilespmem:$0x82A0];
	v28 =	vmul.f32 v21, v20;
	v7 =	vadd.f32 v25, v7  }
0xb9: {  	v29 =	vld [tilespmem:s25+$0x1420]  }
0xba: {  	v33 =	vld [tilespmem:$0x82B0];
	v31 =	vmul.f32 v24, v23;
	v7 =	vadd.f32 v28, v7  }
0xbb: {  	v32 =	vld [tilespmem:s25+$0x1430]  }
0xbc: {  	v36 =	vld [tilespmem:$0x82C0];
	v34 =	vmul.f32 v27, v26;
	v7 =	vadd.f32 v31, v7  }
0xbd: {  	v35 =	vld [tilespmem:s25+$0x1440]  }
0xbe: {  	v39 =	vld [tilespmem:$0x82D0];
	v37 =	vmul.f32 v30, v29;
	v7 =	vadd.f32 v34, v7  }
0xbf: {  	v38 =	vld [tilespmem:s25+$0x1450]  }
0xc0: {  	v42 =	vld [tilespmem:$0x82E0];
	v40 =	vmul.f32 v33, v32;
	v7 =	vadd.f32 v37, v7  }
0xc1: {  	v41 =	vld [tilespmem:s25+$0x1460]  }
0xc2: {  	v45 =	vld [tilespmem:$0x82F0];
	v43 =	vmul.f32 v36, v35;
	v7 =	vadd.f32 v40, v7  }
0xc3: {  	v44 =	vld [tilespmem:s25+$0x1470]  }
0xc4: {  	v48 =	vld [tilespmem:$0x8300];
	v46 =	vmul.f32 v39, v38;
	v7 =	vadd.f32 v43, v7  }
0xc5: {  	v47 =	vld [tilespmem:s25+$0x1800]  }
0xc6: {  	v51 =	vld [tilespmem:$0x8310];
	v49 =	vmul.f32 v42, v41;
	v7 =	vadd.f32 v46, v7  }
0xc7: {  	v50 =	vld [tilespmem:s25+$0x1810]  }
0xc8: {  	v54 =	vld [tilespmem:$0x8320];
	v52 =	vmul.f32 v45, v44;
	v7 =	vadd.f32 v49, v7  }
0xc9: {  	v53 =	vld [tilespmem:s25+$0x1820]  }
0xca: {  	v57 =	vld [tilespmem:$0x8330];
	v55 =	vmul.f32 v48, v47;
	v7 =	vadd.f32 v52, v7  }
0xcb: {  	v56 =	vld [tilespmem:s25+$0x1830]  }
0xcc: {  	v60 =	vld [tilespmem:$0x8340];
	v58 =	vmul.f32 v51, v50;
	v7 =	vadd.f32 v55, v7  }
0xcd: {  	v59 =	vld [tilespmem:s25+$0x1840]  }
0xce: {  	v63 =	vld [tilespmem:$0x8350];
	v61 =	vmul.f32 v54, v53;
	v7 =	vadd.f32 v58, v7  }
0xcf: {  	v62 =	vld [tilespmem:s25+$0x1850]  }
0xd0: {  	v20 =	vld [tilespmem:$0x8360];
	v18 =	vmul.f32 v57, v56;
	v7 =	vadd.f32 v61, v7  }
0xd1: {  	s2 =	sand.u32 $0x7, s20;
	v19 =	vld [tilespmem:s25+$0x1860]  }
0xd2: {  	s0 =	sshll.u32 s2, $0x7;
	v23 =	vld [tilespmem:$0x8370];
	v21 =	vmul.f32 v60, v59;
	v7 =	vadd.f32 v18, v7  }
0xd3: {  	s3 =	sadd.s32 s0, s23;
	v22 =	vld [tilespmem:s25+$0x1870]  }
0xd4: {  	s26 =	sor.u32 $0x1C00, s3;
	v26 =	vld [tilespmem:$0x8380];
	v24 =	vmul.f32 v63, v62;
	v7 =	vadd.f32 v21, v7  }
0xd5: {  	v25 =	vld [tilespmem:s26+$0x0]  }
0xd6: {  	s28 =	sor.u32 $0x1C10, s3;
	v29 =	vld [tilespmem:$0x8390];
	v27 =	vmul.f32 v20, v19;
	v7 =	vadd.f32 v24, v7  }
0xd7: {  	v28 =	vld [tilespmem:s28+$0x0]  }
0xd8: {  	s29 =	sor.u32 $0x1C20, s3;
	v32 =	vld [tilespmem:$0x83A0];
	v30 =	vmul.f32 v23, v22;
	v7 =	vadd.f32 v27, v7  }
0xd9: {  	v31 =	vld [tilespmem:s29+$0x0]  }
0xda: {  	s30 =	sor.u32 $0x1C30, s3;
	v35 =	vld [tilespmem:$0x83B0];
	v33 =	vmul.f32 v26, v25;
	v7 =	vadd.f32 v30, v7  }
0xdb: {  	v34 =	vld [tilespmem:s30+$0x0]  }
0xdc: {  	s31 =	sor.u32 $0x1C40, s3;
	v38 =	vld [tilespmem:$0x83C0];
	v36 =	vmul.f32 v29, v28;
	v7 =	vadd.f32 v33, v7  }
0xdd: {  	v37 =	vld [tilespmem:s31+$0x0]  }
0xde: {  	s0 =	sor.u32 $0x1C50, s3;
	v41 =	vld [tilespmem:$0x83D0];
	v39 =	vmul.f32 v32, v31;
	v7 =	vadd.f32 v36, v7  }
0xdf: {  	v40 =	vld [tilespmem:s0+$0x0]  }
0xe0: {  	s4 =	sor.u32 $0x1C60, s3;
	v44 =	vld [tilespmem:$0x83E0];
	v42 =	vmul.f32 v35, v34;
	v7 =	vadd.f32 v39, v7  }
0xe1: {  	v43 =	vld [tilespmem:s4+$0x0]  }
0xe2: {  	s2 =	sor.u32 $0x1C70, s3;
	v47 =	vld [tilespmem:$0x83F0];
	v45 =	vmul.f32 v38, v37;
	v7 =	vadd.f32 v42, v7  }
0xe3: {  	v46 =	vld [tilespmem:s2+$0x0]  }
0xe4: {  	v48 =	vmul.f32 v41, v40;
	v7 =	vadd.f32 v45, v7;
	_ =	sdelay $0x1  }
0xe5: {  	v49 =	vmul.f32 v44, v43;
	v7 =	vadd.f32 v48, v7;
	_ =	sdelay $0x1  }
0xe6: {  	v50 =	vmul.f32 v47, v46;
	v7 =	vadd.f32 v49, v7;
	_ =	sdelay $0x1  }
0xe7: {  	v7 =	vadd.f32 v50, v7;
	_ =	sdelay $0x1  }
0xe8: {  	v9 =	vperm.xlane v7, v0;
	_ =	sdelay $0x1  }
0xe9: {  	v7 =	vadd.f32 v7, v9;
	_ =	sdelay $0x1  }
0xea: {  	v9 =	vperm.xlane v7, v1;
	_ =	sdelay $0x1  }
0xeb: {  	v7 =	vadd.f32 v7, v9;
	_ =	sdelay $0x1  }
0xec: {  	v9 =	vperm.xlane v7, v2;
	_ =	sdelay $0x1  }
0xed: {  	v7 =	vadd.f32 v7, v9;
	_ =	sdelay $0x1  }
0xee: {  	v9 =	vperm.xlane v7, v4;
	_ =	sdelay $0x1  }
0xef: {  	s3 =	scvt.s32.f32 s22;
	v7 =	vadd.f32 v7, v9;
	_ =	sdelay $0x1  }
0xf0: {  	v51 =	vmov s3;
	v7 =	vmul.f32 $1.442695020e+00, v7  }
0xf1: {  	vm1 =	vlt.f32 v51, v6  }
0xf2: {  	v7 =	vnsel vm1, $0xFF800000, v7  }
0xf3: {  	(erf) = vpow2.f32 v7;
	_ =	sdelay $0x6  }
0xf4: {  	v52 =	vld [tilespmem:$0x8400];
	_ =	sdelay $0x1  }
0xf5: {  	v7 =	vpop (erf)  }
0xf6: {  	v8 =	vmul.f32 v7, v8;
	_ =	sdelay $0x1  }
0xf7: {  	v8 =	vadd.f32 v8, v52;
	_ =	sdelay $0x1  }
0xf8: {  	[tilespmem:$0x8400] =	vst v8  }
0xf9: {  	v8 =	vld [tilespmem:s25+$0x10];
	_ =	sdelay $0x1  }
0xfa: {  	v53 =	vld [tilespmem:$0x8410];
	_ =	sdelay $0x2  }
0xfb: {  	v8 =	vmul.f32 v7, v8;
	_ =	sdelay $0x1  }
0xfc: {  	v8 =	vadd.f32 v8, v53;
	_ =	sdelay $0x1  }
0xfd: {  	[tilespmem:$0x8410] =	vst v8  }
0xfe: {  	v8 =	vld [tilespmem:s25+$0x20];
	_ =	sdelay $0x1  }
0xff: {  	v54 =	vld [tilespmem:$0x8420];
	_ =	sdelay $0x2  }
0x100: {  	v8 =	vmul.f32 v8, v7;
	_ =	sdelay $0x1  }
0x101: {  	v8 =	vadd.f32 v8, v54;
	_ =	sdelay $0x1  }
0x102: {  	[tilespmem:$0x8420] =	vst v8  }
0x103: {  	v8 =	vld [tilespmem:s25+$0x30];
	_ =	sdelay $0x1  }
0x104: {  	v55 =	vld [tilespmem:$0x8430];
	_ =	sdelay $0x2  }
0x105: {  	v8 =	vmul.f32 v8, v7;
	_ =	sdelay $0x1  }
0x106: {  	v8 =	vadd.f32 v8, v55;
	_ =	sdelay $0x1  }
0x107: {  	[tilespmem:$0x8430] =	vst v8  }
0x108: {  	v8 =	vld [tilespmem:s25+$0x40];
	_ =	sdelay $0x1  }
0x109: {  	v56 =	vld [tilespmem:$0x8440];
	_ =	sdelay $0x2  }
0x10a: {  	v8 =	vmul.f32 v8, v7;
	_ =	sdelay $0x1  }
0x10b: {  	v8 =	vadd.f32 v8, v56;
	_ =	sdelay $0x1  }
0x10c: {  	[tilespmem:$0x8440] =	vst v8  }
0x10d: {  	v8 =	vld [tilespmem:s25+$0x50];
	_ =	sdelay $0x1  }
0x10e: {  	v57 =	vld [tilespmem:$0x8450];
	_ =	sdelay $0x2  }
0x10f: {  	v8 =	vmul.f32 v8, v7;
	_ =	sdelay $0x1  }
0x110: {  	v8 =	vadd.f32 v8, v57;
	_ =	sdelay $0x1  }
0x111: {  	[tilespmem:$0x8450] =	vst v8  }
0x112: {  	v8 =	vld [tilespmem:s25+$0x60];
	_ =	sdelay $0x1  }
0x113: {  	v58 =	vld [tilespmem:$0x8460];
	_ =	sdelay $0x2  }
0x114: {  	v8 =	vmul.f32 v8, v7;
	_ =	sdelay $0x1  }
0x115: {  	v8 =	vadd.f32 v8, v58;
	_ =	sdelay $0x1  }
0x116: {  	[tilespmem:$0x8460] =	vst v8  }
0x117: {  	v8 =	vld [tilespmem:s25+$0x70];
	_ =	sdelay $0x1  }
0x118: {  	v59 =	vld [tilespmem:$0x8470];
	_ =	sdelay $0x2  }
0x119: {  	v8 =	vmul.f32 v8, v7;
	_ =	sdelay $0x1  }
0x11a: {  	v8 =	vadd.f32 v8, v59;
	_ =	sdelay $0x1  }
0x11b: {  	[tilespmem:$0x8470] =	vst v8  }
0x11c: {  	v8 =	vld [tilespmem:s25+$0x400];
	_ =	sdelay $0x1  }
0x11d: {  	v60 =	vld [tilespmem:$0x8480];
	_ =	sdelay $0x2  }
0x11e: {  	v8 =	vmul.f32 v8, v7;
	_ =	sdelay $0x1  }
0x11f: {  	v8 =	vadd.f32 v8, v60;
	_ =	sdelay $0x1  }
0x120: {  	[tilespmem:$0x8480] =	vst v8  }
0x121: {  	v8 =	vld [tilespmem:s25+$0x410];
	_ =	sdelay $0x1  }
0x122: {  	v61 =	vld [tilespmem:$0x8490];
	_ =	sdelay $0x2  }
0x123: {  	v8 =	vmul.f32 v8, v7;
	_ =	sdelay $0x1  }
0x124: {  	v8 =	vadd.f32 v8, v61;
	_ =	sdelay $0x1  }
0x125: {  	[tilespmem:$0x8490] =	vst v8  }
0x126: {  	v8 =	vld [tilespmem:s25+$0x420];
	_ =	sdelay $0x1  }
0x127: {  	v62 =	vld [tilespmem:$0x84A0];
	_ =	sdelay $0x2  }
0x128: {  	v8 =	vmul.f32 v8, v7;
	_ =	sdelay $0x1  }
0x129: {  	v8 =	vadd.f32 v8, v62;
	_ =	sdelay $0x1  }
0x12a: {  	[tilespmem:$0x84A0] =	vst v8  }
0x12b: {  	v8 =	vld [tilespmem:s25+$0x430];
	_ =	sdelay $0x1  }
0x12c: {  	v63 =	vld [tilespmem:$0x84B0];
	_ =	sdelay $0x2  }
0x12d: {  	v8 =	vmul.f32 v8, v7;
	_ =	sdelay $0x1  }
0x12e: {  	v8 =	vadd.f32 v8, v63;
	_ =	sdelay $0x1  }
0x12f: {  	[tilespmem:$0x84B0] =	vst v8  }
0x130: {  	v8 =	vld [tilespmem:s25+$0x440];
	_ =	sdelay $0x1  }
0x131: {  	v12 =	vld [tilespmem:$0x84C0];
	_ =	sdelay $0x2  }
0x132: {  	v8 =	vmul.f32 v8, v7;
	_ =	sdelay $0x1  }
0x133: {  	v8 =	vadd.f32 v8, v12;
	_ =	sdelay $0x1  }
0x134: {  	[tilespmem:$0x84C0] =	vst v8  }
0x135: {  	v8 =	vld [tilespmem:s25+$0x450];
	_ =	sdelay $0x1  }
0x136: {  	v13 =	vld [tilespmem:$0x84D0];
	_ =	sdelay $0x2  }
0x137: {  	v8 =	vmul.f32 v8, v7;
	_ =	sdelay $0x1  }
0x138: {  	v8 =	vadd.f32 v8, v13;
	_ =	sdelay $0x1  }
0x139: {  	[tilespmem:$0x84D0] =	vst v8  }
0x13a: {  	v8 =	vld [tilespmem:s25+$0x460];
	_ =	sdelay $0x1  }
0x13b: {  	v14 =	vld [tilespmem:$0x84E0];
	_ =	sdelay $0x2  }
0x13c: {  	v8 =	vmul.f32 v8, v7;
	_ =	sdelay $0x1  }
0x13d: {  	v8 =	vadd.f32 v8, v14;
	_ =	sdelay $0x1  }
0x13e: {  	[tilespmem:$0x84E0] =	vst v8  }
0x13f: {  	v8 =	vld [tilespmem:s25+$0x470];
	_ =	sdelay $0x1  }
0x140: {  	v15 =	vld [tilespmem:$0x84F0];
	_ =	sdelay $0x2  }
0x141: {  	v8 =	vmul.f32 v8, v7;
	_ =	sdelay $0x1  }
0x142: {  	v8 =	vadd.f32 v8, v15;
	_ =	sdelay $0x1  }
0x143: {  	[tilespmem:$0x84F0] =	vst v8  }
0x144: {  	v8 =	vld [tilespmem:s25+$0x800];
	_ =	sdelay $0x1  }
0x145: {  	v16 =	vld [tilespmem:$0x8500];
	_ =	sdelay $0x2  }
0x146: {  	v8 =	vmul.f32 v8, v7;
	_ =	sdelay $0x1  }
0x147: {  	v8 =	vadd.f32 v8, v16;
	_ =	sdelay $0x1  }
0x148: {  	[tilespmem:$0x8500] =	vst v8  }
0x149: {  	v8 =	vld [tilespmem:s25+$0x810];
	_ =	sdelay $0x1  }
0x14a: {  	v17 =	vld [tilespmem:$0x8510];
	_ =	sdelay $0x2  }
0x14b: {  	v8 =	vmul.f32 v8, v7;
	_ =	sdelay $0x1  }
0x14c: {  	v8 =	vadd.f32 v8, v17;
	_ =	sdelay $0x1  }
0x14d: {  	[tilespmem:$0x8510] =	vst v8  }
0x14e: {  	v8 =	vld [tilespmem:s25+$0x820];
	_ =	sdelay $0x1  }
0x14f: {  	v18 =	vld [tilespmem:$0x8520];
	_ =	sdelay $0x2  }
0x150: {  	v8 =	vmul.f32 v8, v7;
	_ =	sdelay $0x1  }
0x151: {  	v8 =	vadd.f32 v8, v18;
	_ =	sdelay $0x1  }
0x152: {  	[tilespmem:$0x8520] =	vst v8  }
0x153: {  	v8 =	vld [tilespmem:s25+$0x830];
	_ =	sdelay $0x1  }
0x154: {  	v19 =	vld [tilespmem:$0x8530];
	_ =	sdelay $0x2  }
0x155: {  	v8 =	vmul.f32 v8, v7;
	_ =	sdelay $0x1  }
0x156: {  	v8 =	vadd.f32 v8, v19;
	_ =	sdelay $0x1  }
0x157: {  	[tilespmem:$0x8530] =	vst v8  }
0x158: {  	v8 =	vld [tilespmem:s25+$0x840];
	_ =	sdelay $0x1  }
0x159: {  	v20 =	vld [tilespmem:$0x8540];
	_ =	sdelay $0x2  }
0x15a: {  	v8 =	vmul.f32 v8, v7;
	_ =	sdelay $0x1  }
0x15b: {  	v8 =	vadd.f32 v8, v20;
	_ =	sdelay $0x1  }
0x15c: {  	[tilespmem:$0x8540] =	vst v8  }
0x15d: {  	v8 =	vld [tilespmem:s25+$0x850];
	_ =	sdelay $0x1  }
0x15e: {  	v21 =	vld [tilespmem:$0x8550];
	_ =	sdelay $0x2  }
0x15f: {  	v8 =	vmul.f32 v8, v7;
	_ =	sdelay $0x1  }
0x160: {  	v8 =	vadd.f32 v8, v21;
	_ =	sdelay $0x1  }
0x161: {  	[tilespmem:$0x8550] =	vst v8  }
0x162: {  	v8 =	vld [tilespmem:s25+$0x860];
	_ =	sdelay $0x1  }
0x163: {  	v22 =	vld [tilespmem:$0x8560];
	_ =	sdelay $0x2  }
0x164: {  	v8 =	vmul.f32 v8, v7;
	_ =	sdelay $0x1  }
0x165: {  	v8 =	vadd.f32 v8, v22;
	_ =	sdelay $0x1  }
0x166: {  	[tilespmem:$0x8560] =	vst v8  }
0x167: {  	v8 =	vld [tilespmem:s25+$0x870];
	_ =	sdelay $0x1  }
0x168: {  	v23 =	vld [tilespmem:$0x8570];
	_ =	sdelay $0x2  }
0x169: {  	v8 =	vmul.f32 v8, v7;
	_ =	sdelay $0x1  }
0x16a: {  	v8 =	vadd.f32 v8, v23;
	_ =	sdelay $0x1  }
0x16b: {  	[tilespmem:$0x8570] =	vst v8  }
0x16c: {  	v8 =	vld [tilespmem:s25+$0xC00];
	_ =	sdelay $0x1  }
0x16d: {  	v24 =	vld [tilespmem:$0x8580];
	_ =	sdelay $0x2  }
0x16e: {  	v8 =	vmul.f32 v8, v7;
	_ =	sdelay $0x1  }
0x16f: {  	v8 =	vadd.f32 v8, v24;
	_ =	sdelay $0x1  }
0x170: {  	[tilespmem:$0x8580] =	vst v8  }
0x171: {  	v8 =	vld [tilespmem:s25+$0xC10];
	_ =	sdelay $0x1  }
0x172: {  	v25 =	vld [tilespmem:$0x8590];
	_ =	sdelay $0x2  }
0x173: {  	v8 =	vmul.f32 v8, v7;
	_ =	sdelay $0x1  }
0x174: {  	v8 =	vadd.f32 v8, v25;
	_ =	sdelay $0x1  }
0x175: {  	[tilespmem:$0x8590] =	vst v8  }
0x176: {  	v8 =	vld [tilespmem:s25+$0xC20];
	_ =	sdelay $0x1  }
0x177: {  	v26 =	vld [tilespmem:$0x85A0];
	_ =	sdelay $0x2  }
0x178: {  	v8 =	vmul.f32 v8, v7;
	_ =	sdelay $0x1  }
0x179: {  	v8 =	vadd.f32 v8, v26;
	_ =	sdelay $0x1  }
0x17a: {  	[tilespmem:$0x85A0] =	vst v8  }
0x17b: {  	v8 =	vld [tilespmem:s25+$0xC30];
	_ =	sdelay $0x1  }
0x17c: {  	v27 =	vld [tilespmem:$0x85B0];
	_ =	sdelay $0x2  }
0x17d: {  	v8 =	vmul.f32 v8, v7;
	_ =	sdelay $0x1  }
0x17e: {  	v8 =	vadd.f32 v8, v27;
	_ =	sdelay $0x1  }
0x17f: {  	[tilespmem:$0x85B0] =	vst v8  }
0x180: {  	v8 =	vld [tilespmem:s25+$0xC40];
	_ =	sdelay $0x1  }
0x181: {  	v28 =	vld [tilespmem:$0x85C0];
	_ =	sdelay $0x2  }
0x182: {  	v8 =	vmul.f32 v8, v7;
	_ =	sdelay $0x1  }
0x183: {  	v8 =	vadd.f32 v8, v28;
	_ =	sdelay $0x1  }
0x184: {  	[tilespmem:$0x85C0] =	vst v8  }
0x185: {  	v8 =	vld [tilespmem:s25+$0xC50];
	_ =	sdelay $0x1  }
0x186: {  	v29 =	vld [tilespmem:$0x85D0];
	_ =	sdelay $0x2  }
0x187: {  	v8 =	vmul.f32 v8, v7;
	_ =	sdelay $0x1  }
0x188: {  	v8 =	vadd.f32 v8, v29;
	_ =	sdelay $0x1  }
0x189: {  	[tilespmem:$0x85D0] =	vst v8  }
0x18a: {  	v8 =	vld [tilespmem:s25+$0xC60];
	_ =	sdelay $0x1  }
0x18b: {  	v30 =	vld [tilespmem:$0x85E0];
	_ =	sdelay $0x2  }
0x18c: {  	v8 =	vmul.f32 v8, v7;
	_ =	sdelay $0x1  }
0x18d: {  	v8 =	vadd.f32 v8, v30;
	_ =	sdelay $0x1  }
0x18e: {  	[tilespmem:$0x85E0] =	vst v8  }
0x18f: {  	v8 =	vld [tilespmem:s25+$0xC70];
	_ =	sdelay $0x1  }
0x190: {  	v31 =	vld [tilespmem:$0x85F0];
	_ =	sdelay $0x2  }
0x191: {  	v8 =	vmul.f32 v8, v7;
	_ =	sdelay $0x1  }
0x192: {  	v8 =	vadd.f32 v8, v31;
	_ =	sdelay $0x1  }
0x193: {  	[tilespmem:$0x85F0] =	vst v8  }
0x194: {  	v8 =	vld [tilespmem:s25+$0x1000];
	_ =	sdelay $0x1  }
0x195: {  	v32 =	vld [tilespmem:$0x8600];
	_ =	sdelay $0x2  }
0x196: {  	v8 =	vmul.f32 v8, v7;
	_ =	sdelay $0x1  }
0x197: {  	v8 =	vadd.f32 v8, v32;
	_ =	sdelay $0x1  }
0x198: {  	[tilespmem:$0x8600] =	vst v8  }
0x199: {  	v8 =	vld [tilespmem:s25+$0x1010];
	_ =	sdelay $0x1  }
0x19a: {  	v33 =	vld [tilespmem:$0x8610];
	_ =	sdelay $0x2  }
0x19b: {  	v8 =	vmul.f32 v8, v7;
	_ =	sdelay $0x1  }
0x19c: {  	v8 =	vadd.f32 v8, v33;
	_ =	sdelay $0x1  }
0x19d: {  	[tilespmem:$0x8610] =	vst v8  }
0x19e: {  	v8 =	vld [tilespmem:s25+$0x1020];
	_ =	sdelay $0x1  }
0x19f: {  	v34 =	vld [tilespmem:$0x8620];
	_ =	sdelay $0x2  }
0x1a0: {  	v8 =	vmul.f32 v8, v7;
	_ =	sdelay $0x1  }
0x1a1: {  	v8 =	vadd.f32 v8, v34;
	_ =	sdelay $0x1  }
0x1a2: {  	[tilespmem:$0x8620] =	vst v8  }
0x1a3: {  	v8 =	vld [tilespmem:s25+$0x1030];
	_ =	sdelay $0x1  }
0x1a4: {  	v35 =	vld [tilespmem:$0x8630];
	_ =	sdelay $0x2  }
0x1a5: {  	v8 =	vmul.f32 v8, v7;
	_ =	sdelay $0x1  }
0x1a6: {  	v8 =	vadd.f32 v8, v35;
	_ =	sdelay $0x1  }
0x1a7: {  	[tilespmem:$0x8630] =	vst v8  }
0x1a8: {  	v8 =	vld [tilespmem:s25+$0x1040];
	_ =	sdelay $0x1  }
0x1a9: {  	v36 =	vld [tilespmem:$0x8640];
	_ =	sdelay $0x2  }
0x1aa: {  	v8 =	vmul.f32 v8, v7;
	_ =	sdelay $0x1  }
0x1ab: {  	v8 =	vadd.f32 v8, v36;
	_ =	sdelay $0x1  }
0x1ac: {  	[tilespmem:$0x8640] =	vst v8  }
0x1ad: {  	v8 =	vld [tilespmem:s25+$0x1050];
	_ =	sdelay $0x1  }
0x1ae: {  	v37 =	vld [tilespmem:$0x8650];
	_ =	sdelay $0x2  }
0x1af: {  	v8 =	vmul.f32 v8, v7;
	_ =	sdelay $0x1  }
0x1b0: {  	v8 =	vadd.f32 v8, v37;
	_ =	sdelay $0x1  }
0x1b1: {  	[tilespmem:$0x8650] =	vst v8  }
0x1b2: {  	v8 =	vld [tilespmem:s25+$0x1060];
	_ =	sdelay $0x1  }
0x1b3: {  	v38 =	vld [tilespmem:$0x8660];
	_ =	sdelay $0x2  }
0x1b4: {  	v8 =	vmul.f32 v8, v7;
	_ =	sdelay $0x1  }
0x1b5: {  	v8 =	vadd.f32 v8, v38;
	_ =	sdelay $0x1  }
0x1b6: {  	[tilespmem:$0x8660] =	vst v8  }
0x1b7: {  	v8 =	vld [tilespmem:s25+$0x1070];
	_ =	sdelay $0x1  }
0x1b8: {  	v39 =	vld [tilespmem:$0x8670];
	_ =	sdelay $0x2  }
0x1b9: {  	v8 =	vmul.f32 v8, v7;
	_ =	sdelay $0x1  }
0x1ba: {  	v8 =	vadd.f32 v8, v39;
	_ =	sdelay $0x1  }
0x1bb: {  	[tilespmem:$0x8670] =	vst v8  }
0x1bc: {  	v8 =	vld [tilespmem:s25+$0x1400];
	_ =	sdelay $0x1  }
0x1bd: {  	v40 =	vld [tilespmem:$0x8680];
	_ =	sdelay $0x2  }
0x1be: {  	v8 =	vmul.f32 v8, v7;
	_ =	sdelay $0x1  }
0x1bf: {  	v8 =	vadd.f32 v8, v40;
	_ =	sdelay $0x1  }
0x1c0: {  	[tilespmem:$0x8680] =	vst v8  }
0x1c1: {  	v8 =	vld [tilespmem:s25+$0x1410];
	_ =	sdelay $0x1  }
0x1c2: {  	v41 =	vld [tilespmem:$0x8690];
	_ =	sdelay $0x2  }
0x1c3: {  	v8 =	vmul.f32 v8, v7;
	_ =	sdelay $0x1  }
0x1c4: {  	v8 =	vadd.f32 v8, v41;
	_ =	sdelay $0x1  }
0x1c5: {  	[tilespmem:$0x8690] =	vst v8  }
0x1c6: {  	v8 =	vld [tilespmem:s25+$0x1420];
	_ =	sdelay $0x1  }
0x1c7: {  	v42 =	vld [tilespmem:$0x86A0];
	_ =	sdelay $0x2  }
0x1c8: {  	v8 =	vmul.f32 v8, v7;
	_ =	sdelay $0x1  }
0x1c9: {  	v8 =	vadd.f32 v8, v42;
	_ =	sdelay $0x1  }
0x1ca: {  	[tilespmem:$0x86A0] =	vst v8  }
0x1cb: {  	v8 =	vld [tilespmem:s25+$0x1430];
	_ =	sdelay $0x1  }
0x1cc: {  	v43 =	vld [tilespmem:$0x86B0];
	_ =	sdelay $0x2  }
0x1cd: {  	v8 =	vmul.f32 v8, v7;
	_ =	sdelay $0x1  }
0x1ce: {  	v8 =	vadd.f32 v8, v43;
	_ =	sdelay $0x1  }
0x1cf: {  	[tilespmem:$0x86B0] =	vst v8  }
0x1d0: {  	v8 =	vld [tilespmem:s25+$0x1440];
	_ =	sdelay $0x1  }
0x1d1: {  	v44 =	vld [tilespmem:$0x86C0];
	_ =	sdelay $0x2  }
0x1d2: {  	v8 =	vmul.f32 v8, v7;
	_ =	sdelay $0x1  }
0x1d3: {  	v8 =	vadd.f32 v8, v44;
	_ =	sdelay $0x1  }
0x1d4: {  	[tilespmem:$0x86C0] =	vst v8  }
0x1d5: {  	v8 =	vld [tilespmem:s25+$0x1450];
	_ =	sdelay $0x1  }
0x1d6: {  	v45 =	vld [tilespmem:$0x86D0];
	_ =	sdelay $0x2  }
0x1d7: {  	v8 =	vmul.f32 v8, v7;
	_ =	sdelay $0x1  }
0x1d8: {  	v8 =	vadd.f32 v8, v45;
	_ =	sdelay $0x1  }
0x1d9: {  	[tilespmem:$0x86D0] =	vst v8  }
0x1da: {  	v8 =	vld [tilespmem:s25+$0x1460];
	_ =	sdelay $0x1  }
0x1db: {  	v46 =	vld [tilespmem:$0x86E0];
	_ =	sdelay $0x2  }
0x1dc: {  	v8 =	vmul.f32 v8, v7;
	_ =	sdelay $0x1  }
0x1dd: {  	v8 =	vadd.f32 v8, v46;
	_ =	sdelay $0x1  }
0x1de: {  	[tilespmem:$0x86E0] =	vst v8  }
0x1df: {  	v8 =	vld [tilespmem:s25+$0x1470];
	_ =	sdelay $0x1  }
0x1e0: {  	v47 =	vld [tilespmem:$0x86F0];
	_ =	sdelay $0x2  }
0x1e1: {  	v8 =	vmul.f32 v8, v7;
	_ =	sdelay $0x1  }
0x1e2: {  	v8 =	vadd.f32 v8, v47;
	_ =	sdelay $0x1  }
0x1e3: {  	[tilespmem:$0x86F0] =	vst v8  }
0x1e4: {  	v8 =	vld [tilespmem:s25+$0x1800];
	_ =	sdelay $0x1  }
0x1e5: {  	v48 =	vld [tilespmem:$0x8700];
	_ =	sdelay $0x2  }
0x1e6: {  	v8 =	vmul.f32 v8, v7;
	_ =	sdelay $0x1  }
0x1e7: {  	v8 =	vadd.f32 v8, v48;
	_ =	sdelay $0x1  }
0x1e8: {  	[tilespmem:$0x8700] =	vst v8  }
0x1e9: {  	v8 =	vld [tilespmem:s25+$0x1810];
	_ =	sdelay $0x1  }
0x1ea: {  	v49 =	vld [tilespmem:$0x8710];
	_ =	sdelay $0x2  }
0x1eb: {  	v8 =	vmul.f32 v8, v7;
	_ =	sdelay $0x1  }
0x1ec: {  	v8 =	vadd.f32 v8, v49;
	_ =	sdelay $0x1  }
0x1ed: {  	[tilespmem:$0x8710] =	vst v8  }
0x1ee: {  	v8 =	vld [tilespmem:s25+$0x1820];
	_ =	sdelay $0x1  }
0x1ef: {  	v50 =	vld [tilespmem:$0x8720];
	_ =	sdelay $0x2  }
0x1f0: {  	v8 =	vmul.f32 v8, v7;
	_ =	sdelay $0x1  }
0x1f1: {  	v8 =	vadd.f32 v8, v50;
	_ =	sdelay $0x1  }
0x1f2: {  	[tilespmem:$0x8720] =	vst v8  }
0x1f3: {  	v8 =	vld [tilespmem:s25+$0x1830];
	_ =	sdelay $0x1  }
0x1f4: {  	v51 =	vld [tilespmem:$0x8730];
	_ =	sdelay $0x2  }
0x1f5: {  	v8 =	vmul.f32 v8, v7;
	_ =	sdelay $0x1  }
0x1f6: {  	v8 =	vadd.f32 v8, v51;
	_ =	sdelay $0x1  }
0x1f7: {  	[tilespmem:$0x8730] =	vst v8  }
0x1f8: {  	v8 =	vld [tilespmem:s25+$0x1840];
	_ =	sdelay $0x1  }
0x1f9: {  	v52 =	vld [tilespmem:$0x8740];
	_ =	sdelay $0x2  }
0x1fa: {  	v8 =	vmul.f32 v8, v7;
	_ =	sdelay $0x1  }
0x1fb: {  	v8 =	vadd.f32 v8, v52;
	_ =	sdelay $0x1  }
0x1fc: {  	[tilespmem:$0x8740] =	vst v8  }
0x1fd: {  	v8 =	vld [tilespmem:s25+$0x1850];
	_ =	sdelay $0x1  }
0x1fe: {  	v53 =	vld [tilespmem:$0x8750];
	_ =	sdelay $0x2  }
0x1ff: {  	v8 =	vmul.f32 v8, v7;
	_ =	sdelay $0x1  }
0x200: {  	v8 =	vadd.f32 v8, v53;
	_ =	sdelay $0x1  }
0x201: {  	[tilespmem:$0x8750] =	vst v8  }
0x202: {  	v8 =	vld [tilespmem:s25+$0x1860];
	_ =	sdelay $0x1  }
0x203: {  	v54 =	vld [tilespmem:$0x8760];
	_ =	sdelay $0x2  }
0x204: {  	v8 =	vmul.f32 v8, v7;
	_ =	sdelay $0x1  }
0x205: {  	v8 =	vadd.f32 v8, v54;
	_ =	sdelay $0x1  }
0x206: {  	[tilespmem:$0x8760] =	vst v8  }
0x207: {  	v8 =	vld [tilespmem:s25+$0x1870];
	_ =	sdelay $0x1  }
0x208: {  	v55 =	vld [tilespmem:$0x8770];
	_ =	sdelay $0x2  }
0x209: {  	v8 =	vmul.f32 v8, v7;
	_ =	sdelay $0x1  }
0x20a: {  	v8 =	vadd.f32 v8, v55;
	_ =	sdelay $0x1  }
0x20b: {  	[tilespmem:$0x8770] =	vst v8  }
0x20c: {  	v8 =	vld [tilespmem:s26+$0x0];
	_ =	sdelay $0x1  }
0x20d: {  	v56 =	vld [tilespmem:$0x8780];
	_ =	sdelay $0x2  }
0x20e: {  	v8 =	vmul.f32 v8, v7;
	_ =	sdelay $0x1  }
0x20f: {  	v8 =	vadd.f32 v8, v56;
	_ =	sdelay $0x1  }
0x210: {  	[tilespmem:$0x8780] =	vst v8  }
0x211: {  	v8 =	vld [tilespmem:s28+$0x0];
	_ =	sdelay $0x1  }
0x212: {  	v57 =	vld [tilespmem:$0x8790];
	_ =	sdelay $0x2  }
0x213: {  	v8 =	vmul.f32 v8, v7;
	_ =	sdelay $0x1  }
0x214: {  	v8 =	vadd.f32 v8, v57;
	_ =	sdelay $0x1  }
0x215: {  	[tilespmem:$0x8790] =	vst v8  }
0x216: {  	v8 =	vld [tilespmem:s29+$0x0];
	_ =	sdelay $0x1  }
0x217: {  	v58 =	vld [tilespmem:$0x87A0];
	_ =	sdelay $0x2  }
0x218: {  	v8 =	vmul.f32 v8, v7;
	_ =	sdelay $0x1  }
0x219: {  	v8 =	vadd.f32 v8, v58;
	_ =	sdelay $0x1  }
0x21a: {  	[tilespmem:$0x87A0] =	vst v8  }
0x21b: {  	v8 =	vld [tilespmem:s30+$0x0];
	_ =	sdelay $0x1  }
0x21c: {  	v59 =	vld [tilespmem:$0x87B0];
	_ =	sdelay $0x2  }
0x21d: {  	v8 =	vmul.f32 v8, v7;
	_ =	sdelay $0x1  }
0x21e: {  	v8 =	vadd.f32 v8, v59;
	_ =	sdelay $0x1  }
0x21f: {  	[tilespmem:$0x87B0] =	vst v8  }
0x220: {  	v8 =	vld [tilespmem:s31+$0x0];
	_ =	sdelay $0x1  }
0x221: {  	v60 =	vld [tilespmem:$0x87C0];
	_ =	sdelay $0x2  }
0x222: {  	v8 =	vmul.f32 v8, v7;
	_ =	sdelay $0x1  }
0x223: {  	v8 =	vadd.f32 v8, v60;
	_ =	sdelay $0x1  }
0x224: {  	[tilespmem:$0x87C0] =	vst v8  }
0x225: {  	v8 =	vld [tilespmem:s0+$0x0];
	_ =	sdelay $0x1  }
0x226: {  	v61 =	vld [tilespmem:$0x87D0];
	_ =	sdelay $0x2  }
0x227: {  	v8 =	vmul.f32 v8, v7;
	_ =	sdelay $0x1  }
0x228: {  	v8 =	vadd.f32 v8, v61;
	_ =	sdelay $0x1  }
0x229: {  	[tilespmem:$0x87D0] =	vst v8  }
0x22a: {  	v8 =	vld [tilespmem:s4+$0x0];
	_ =	sdelay $0x1  }
0x22b: {  	v62 =	vld [tilespmem:$0x87E0];
	_ =	sdelay $0x2  }
0x22c: {  	v8 =	vmul.f32 v8, v7;
	_ =	sdelay $0x1  }
0x22d: {  	v8 =	vadd.f32 v8, v62;
	_ =	sdelay $0x1  }
0x22e: {  	[tilespmem:$0x87E0] =	vst v8  }
0x22f: {  	v8 =	vld [tilespmem:s2+$0x0];
	_ =	sdelay $0x1  }
0x230: {  	v63 =	vld [tilespmem:$0x87F0];
	_ =	sdelay $0x1  }
0x231: {  	p0 =	sne.s32 s24, $0xF80  }
.Ltmp0:
0x232: {  	v8 =	vmul.f32 v8, v7;
	(pc) =	sbr.rel @p0 .LBB2_3-.Ltmp0, $4  }
0x233: {  	_ = 	snop  }
0x234: {  	v8 =	vadd.f32 v8, v63  }
0x235: {  	s21 =	sadd.s32 $0x400, s21;
	s24 =	sadd.s32 $0x80, s24  }
0x236: {  	s20 =	sadd.s32 $0x1, s20;
	s23 =	sadd.s32 $0x400, s23;
	s22 =	sadd.s32 $0x1, s22;
	v5 =	vadd.f32 v7, v5;
	[tilespmem:$0x87F0] =	vst v8  }
0x237: {  	s19 =	sadd.s32 $0x1, s19  }
0x238: {  	p0 =	sne.s32 s19, $0x20  }
.Ltmp1:
0x239: {  	_ = 	snop;
	(pc) =	sbr.rel @p0 .LBB2_2-.Ltmp1, $2  }
0x23a: {  	_ =	sdelay $0x2  }
0x23b: {  	s18 =	sadd.s32 $0x20, s18  }
0x23c: {  	[tilespmem:$0x8880] =	vst v5  }
0x23d: {  	[hbm4b:s7+s13] =	stream.strided.scatter [tilespmem:s15], [sflag:$0x1], $0x400, s14, s13, $0x38;
	[tilespmem:$0x8900] =	vst v63  }
0x23e: {  	s17 =	sadd.s32 $0x1, s17;
	_ =	swait.ge [sflag:s11], $0x400  }
0x23f: {  	p0 =	sne.s32 s17, s9;
	[sflag:s11] =	ssyncset.done $0x0  }
.Ltmp2:
0x240: {  	[sflag:s11] =	ssyncadd.s32 $0xFFFFFC00;
	(pc) =	sbr.rel @p0 .LBB2_1-.Ltmp2, $4  }
0x241: {  	[hbm4b:s8+s5] =	stream.linear.scatter [tilespmem:s16], [sflag:$0x1], $0x80, $0x38;
	[tilespmem:$0x8900] =	vst v63  }
0x242: {  	_ =	swait.ge [sflag:s11], $0x80  }
0x243: {  	[sflag:s11] =	ssyncset.done $0x0  }
0x244: {  	[sflag:s11] =	ssyncadd.s32 $0xFFFFFF80  }
0x245: {  	_ =	sfence.sel $0x180000  }
0x246: {  	[bflag:$0x0] =	sbarrier.arrive $0xFFFF  }
0x247: {  	_ =	strace $0x90000047  }
0x248: {  	s0 =	stileid.u32;
	[bflag:$0x2] =	sbarrier.arrive $0xFFFF  }
0x249: {  	p0 =	sne.s32 s0, $0x0;
	s0 =	rddreg [dreg:$0x5]  }
0x24a: {  	s0 =	sadd.s32 @!p0 $0x100000, s0  }
0x24b: {  	[sflag:s0] =	ssyncadd.tile.s32 @!p0 $0x1;
	_ =	shalt  }
.Lfunc_end2:
_tile_overlayer_lowered:
.L_overlay_start_2:
0x24c: {  	(tag) =	ssettag $0x2  }
0x24d: {  	s0 =	rddreg [dreg:$0x0];
	s2 =	stileid.u32  }
0x24e: {  	s1 =	rddreg [dreg:$0x1];
	p0 =	sne.s32 s2, $0x0  }
0x24f: {  	s3 =	rddreg [dreg:$0x2];
	[bflag:$0x3] =	sbarrier.arrive $0xFFFF;
	s2 =	simm.s32 @!p0 $0x1C01  }
0x250: {  	[timem:s3], [sflag:s2] =	dma.local @!p0 [hbm:s0], s1  }
0x251: {  	s0 =	simm.s32 @!p0 $0x1  }
0x252: {  	_ =	swait.ge @!p0 [sflag:s0], s1  }
0x253: {  	s1 =	ssub.s32 @!p0 $0x0, s1;
	[sflag:s0] =	ssyncset.done @!p0 $0x0  }
0x254: {  	[sflag:s0] =	ssyncadd.s32 @!p0 s1  }
0x255: {  	[bflag:$0x3] =	sbarrier.arrive $0xFFFF  }
0x256: {  	_ =	shalt  }

</sc_bundles>
